<compile_context>
chip_gen: v7x
topology: tpu7x:2x2x1
jax: 0.10.2.dev20260603
libtpu: 0.0.44.dev20260713+nightly
codegen_flags: <defaults>
</compile_context>

<pallas_src>
import functools

import jax
import jax.numpy as jnp
from jax import lax
from jax.experimental import pallas as pl
from jax.experimental.pallas import tpu as pltpu
from jax.experimental.pallas import tpu_sc as plsc

NHEADS = 16
MAXDIST = 128
NBUCKETS = 2 * MAXDIST - 1
QL = 2048
KL = 2048

NSHIFT = 8
WCOLS = 3072
ROWS_PER_TILE = QL // 2
LAG = 128
DRAIN_EVERY = 4


def _body(bias_hbm, off_hbm, out_hbm, bias_v, off_v, wbuf_v, sem):
    cid = lax.axis_index("c")
    sid = lax.axis_index("s")
    wid = sid * 2 + cid
    h = wid >> 1
    half = wid & 1
    row0 = half * ROWS_PER_TILE
    wstart = QL // 2 - row0

    pltpu.sync_copy(bias_hbm, bias_v)
    pltpu.sync_copy(off_hbm, off_v)

    off16 = off_v[...]
    h16 = jnp.full((16,), h, dtype=jnp.int32)
    iota16 = lax.broadcasted_iota(jnp.int32, (16,), 0)
    cbase = (wstart - (QL - 1) + (MAXDIST - 1)) + off16

    def drain_batch():
        pltpu.make_async_copy(
            wbuf_v.at[pl.ds(0, DRAIN_EVERY * 1024)],
            out_hbm.at[pl.ds(row0 * KL, DRAIN_EVERY * 1024)],
            sem,
        ).wait()

    for s in range(NSHIFT):
        def build(k, carry, s=s):
            u = k * 16 + iota16
            c = jnp.clip(u + (cbase + (NSHIFT - 1 - s)), 0, NBUCKETS - 1)
            vals = plsc.load_gather(bias_v, [c * NHEADS + h16])
            wbuf_v[pl.ds(s * WCOLS + k * 16, 16)] = vals
            return carry

        lax.fori_loop(0, WCOLS // 16, build, 0)

        def fire(k2, carry, s=s):
            ql = k2 >> 1
            jth = k2 & 1
            u0 = 1016 - 8 * ql + 128 * (8 * jth)
            dbase = (h * 256 + (row0 // 8 + ql)) * 16384 + (8 * jth) * 1024 + s * 128
            for jtl in range(8):
                pltpu.make_async_copy(
                    wbuf_v.at[pl.ds(pl.multiple_of(s * WCOLS + u0 + 128 * jtl, 8), 128)],
                    out_hbm.at[pl.ds(pl.multiple_of(dbase + jtl * 1024, 128), 128)],
                    sem,
                ).start()

            g = s * (2 * (ROWS_PER_TILE // NSHIFT)) + k2

            @pl.when((g >= LAG) & ((g & (DRAIN_EVERY - 1)) == (DRAIN_EVERY - 1)))
            def _():
                drain_batch()

            return carry

        lax.fori_loop(0, 2 * (ROWS_PER_TILE // NSHIFT), fire, 0)

    def drain(_, carry):
        drain_batch()
        return carry

    lax.fori_loop(0, LAG // DRAIN_EVERY, drain, 0)


def kernel(qlen, klen, bias):
    off = jnp.asarray(klen, jnp.int32) - jnp.asarray(qlen, jnp.int32)
    off_arr = jnp.full((16,), off, dtype=jnp.int32)
    mesh = plsc.VectorSubcoreMesh(core_axis_name="c", subcore_axis_name="s")
    run = functools.partial(
        pl.kernel,
        mesh=mesh,
        compiler_params=pltpu.CompilerParams(needs_layout_passes=False),
        out_type=jax.ShapeDtypeStruct((NHEADS * QL * KL,), jnp.float32),
        scratch_types=[
            pltpu.VMEM((NBUCKETS * NHEADS,), jnp.float32),
            pltpu.VMEM((16,), jnp.int32),
            pltpu.VMEM((NSHIFT * WCOLS,), jnp.float32),
            pltpu.SemaphoreType.DMA,
        ],
    )(_body)
    flat = run(bias.astype(jnp.float32).reshape(-1), off_arr)
    out5 = flat.reshape(NHEADS, QL // 8, KL // 128, 8, 128)
    return out5.transpose(0, 1, 3, 2, 4).reshape(NHEADS, QL, KL)

# --- scband reference (transcript-rebuilt; emitter-appended) ---
"""Pipeline reference for scband-relative-position-bias-3255585210765 (READ-ONLY COPY).

The authoritative reference and input builder live on the scoring server;
editing this copy changes nothing except your own understanding.
"""

import jax, jax.numpy as jnp
import numpy as np

NUM_HEADS = 16
MAX_DISTANCE = 128
NUM_BUCKETS = 2 * MAX_DISTANCE - 1

QLEN = 2048
KLEN = 2048


def setup_inputs(seed: int = 0) -> dict:
    key = jax.random.key(seed)
    bias = jax.random.normal(key, (NUM_BUCKETS, NUM_HEADS), dtype=jnp.float32)
    return {"qlen": 2048, "klen": 2048, "bias": bias}


def reference(qlen, klen, bias):
    q_off = jnp.asarray(qlen, dtype=jnp.int32) - QLEN
    k_off = jnp.asarray(klen, dtype=jnp.int32) - KLEN
    context_pos = (jnp.arange(QLEN, dtype=jnp.int32) + q_off)[:, None]
    memory_pos = (jnp.arange(KLEN, dtype=jnp.int32) + k_off)[None, :]
    rel_pos = memory_pos - context_pos
    rel_pos = rel_pos + (MAX_DISTANCE - 1)
    rel_pos = jnp.clip(rel_pos, 0, NUM_BUCKETS - 1)
    values = jnp.take(bias, rel_pos, axis=0)  # [qlen, klen, num_heads]
    return jnp.transpose(values, (2, 0, 1))  # [num_heads, qlen, klen]

if __name__ == "__main__":
    import jax
    _d = setup_inputs()
    print(jax.jit(kernel)(*tuple(_d.values())))

</pallas_src>

<mosaic_0001>
#map = affine_map<(d0, d1) -> (0)>
module attributes {stable_mosaic.version = 14 : i64} {
  func.func @_body(%arg0: i32, %arg1: i32, %arg2: memref<4080xf32, #tpu.memory_space<hbm>>, %arg3: memref<16xi32, #tpu.memory_space<hbm>>, %arg4: memref<67108864xf32, #tpu.memory_space<hbm>>, %arg5: memref<4080xf32, #tpu.memory_space<vmem>>, %arg6: memref<16xi32, #tpu.memory_space<vmem>>, %arg7: memref<24576xf32, #tpu.memory_space<vmem>>, %arg8: memref<!tpu.dma_semaphore, #tpu.memory_space<semaphore_mem>>) attributes {dimension_semantics = [#tpu.dimension_semantics<core_parallel>, #tpu.dimension_semantics<subcore_parallel>], iteration_bounds = array<i64: 2, 16>, scalar_prefetch = 0 : i64, scratch_operands = 4 : i64, tpu.core_type = #tpu.core_type<sc_vector_subcore>, window_params = [{transform_indices = #map}, {transform_indices = #map}, {transform_indices = #map}]} {
    %mul3A = arith.constant 2 : i32
    %mul3A_0 = arith.muli %arg1, %mul3A : i32
    %add3A = arith.addi %mul3A_0, %arg0 : i32
    %shift_right_arithmetic3A = arith.constant 1 : i32
    %shift_right_arithmetic3A_1 = arith.shrsi %add3A, %shift_right_arithmetic3A : i32
    %and3A = arith.constant 1 : i32
    %and3A_2 = arith.andi %add3A, %and3A : i32
    %mul3A_3 = arith.constant 1024 : i32
    %mul3A_4 = arith.muli %and3A_2, %mul3A_3 : i32
    %sub3A = arith.constant 1024 : i32
    %sub3A_5 = arith.subi %sub3A, %mul3A_4 : i32
    "tpu.region"() ({
      %run_scoped3A = tpu.sem_alloc : memref<!tpu.dma_semaphore, #tpu.memory_space<semaphore_mem>>
      tpu.enqueue_dma source(%arg2 : memref<4080xf32, #tpu.memory_space<hbm>>) target(%arg5 : memref<4080xf32, #tpu.memory_space<vmem>>) target_semaphore(%run_scoped3A : memref<!tpu.dma_semaphore, #tpu.memory_space<semaphore_mem>>)
      tpu.wait_dma2 semaphore(%run_scoped3A : memref<!tpu.dma_semaphore, #tpu.memory_space<semaphore_mem>>) src(%arg2 : memref<4080xf32, #tpu.memory_space<hbm>>) dst(%arg5 : memref<4080xf32, #tpu.memory_space<vmem>>)
      tpu.yield
    }) : () -> ()
    "tpu.region"() ({
      %run_scoped3A = tpu.sem_alloc : memref<!tpu.dma_semaphore, #tpu.memory_space<semaphore_mem>>
      tpu.enqueue_dma source(%arg3 : memref<16xi32, #tpu.memory_space<hbm>>) target(%arg6 : memref<16xi32, #tpu.memory_space<vmem>>) target_semaphore(%run_scoped3A : memref<!tpu.dma_semaphore, #tpu.memory_space<semaphore_mem>>)
      tpu.wait_dma2 semaphore(%run_scoped3A : memref<!tpu.dma_semaphore, #tpu.memory_space<semaphore_mem>>) src(%arg3 : memref<16xi32, #tpu.memory_space<hbm>>) dst(%arg6 : memref<16xi32, #tpu.memory_space<vmem>>)
      tpu.yield
    }) : () -> ()
    %get3A = arith.constant 0 : index
    %get3A_6 = tpu.vector_load %arg6[%get3A] {strides = array<i32>} : memref<16xi32, #tpu.memory_space<vmem>>, vector<16xi32>,
    %broadcast_in_dim3A = vector.broadcast %shift_right_arithmetic3A_1 : i32 to vector<16xi32>
    %iota3A = tpu.iota {dimensions = array<i32: 0>} : vector<16xi32>
    %sub3A_7 = arith.constant 2047 : i32
    %sub3A_8 = arith.subi %sub3A_5, %sub3A_7 : i32
    %add3A_9 = arith.constant 127 : i32
    %add3A_10 = arith.addi %sub3A_8, %add3A_9 : i32
    %add3A_11 = vector.broadcast %add3A_10 : i32 to vector<16xi32>
    %add3A_12 = arith.addi %add3A_11, %get3A_6 : vector<16xi32>
    %scan3A = arith.constant 0 : i32
    %scan3A_13 = arith.constant 0 : i32
    %scan3A_14 = arith.constant 192 : i32
    %scan3A_15 = arith.addi %scan3A_13, %scan3A_14 : i32
    %scan3A_16 = arith.constant 1 : i32
    scf.for %scan3A_114 = %scan3A_13 to %scan3A_15 step %scan3A_16  : i32 {
      %mul3A_115 = arith.constant 16 : i32
      %mul3A_116 = arith.muli %scan3A_114, %mul3A_115 : i32
      %add3A_117 = vector.broadcast %mul3A_116 : i32 to vector<16xi32>
      %add3A_118 = arith.addi %add3A_117, %iota3A : vector<16xi32>
      %add3A_119 = arith.constant 7 : i32
      %add3A_120 = vector.broadcast %add3A_119 : i32 to vector<16xi32>
      %add3A_121 = arith.addi %add3A_12, %add3A_120 : vector<16xi32>
      %add3A_122 = arith.addi %add3A_118, %add3A_121 : vector<16xi32>
      %jit3A = arith.constant 0 : i32
      %jit3A_123 = arith.constant 254 : i32
      %max3A = vector.broadcast %jit3A : i32 to vector<16xi32>
      %max3A_124 = arith.maxsi %max3A, %add3A_122 : vector<16xi32>
      %min3A = vector.broadcast %jit3A_123 : i32 to vector<16xi32>
      %min3A_125 = arith.minsi %min3A, %max3A_124 : vector<16xi32>
      %mul3A_126 = arith.constant 16 : i32
      %mul3A_127 = vector.broadcast %mul3A_126 : i32 to vector<16xi32>
      %mul3A_128 = arith.muli %min3A_125, %mul3A_127 : vector<16xi32>
      %add3A_129 = arith.addi %mul3A_128, %broadcast_in_dim3A : vector<16xi32>
      %gather3A = tpu.vector_load_idx %arg5[%add3A_129] : memref<4080xf32, #tpu.memory_space<vmem>>[vector<16xi32>], vector<16xf32>,
      %mul3A_130 = arith.constant 16 : i32
      %mul3A_131 = arith.muli %scan3A_114, %mul3A_130 : i32
      %add3A_132 = arith.constant 0 : i32
      %add3A_133 = arith.addi %add3A_132, %mul3A_131 : i32
      %swap3A = arith.index_cast %add3A_133 : i32 to index
      %swap3A_134 = tpu.vector_load %arg7[%swap3A] {strides = array<i32>} : memref<24576xf32, #tpu.memory_space<vmem>>, vector<16xf32>,
      tpu.vector_store %arg7[%swap3A], %gather3A {strides = array<i32>} : memref<24576xf32, #tpu.memory_space<vmem>>, vector<16xf32>,
    }
    %scan3A_17 = arith.constant 192 : i32
    %scan3A_18 = arith.constant 0 : i32
    %scan3A_19 = arith.constant 0 : i32
    %scan3A_20 = arith.constant 256 : i32
    %scan3A_21 = arith.addi %scan3A_19, %scan3A_20 : i32
    %scan3A_22 = arith.constant 1 : i32
    scf.for %scan3A_114 = %scan3A_19 to %scan3A_21 step %scan3A_22  : i32 {
      %shift_right_arithmetic3A_115 = arith.constant 1 : i32
      %shift_right_arithmetic3A_116 = arith.shrsi %scan3A_114, %shift_right_arithmetic3A_115 : i32
      %and3A_117 = arith.constant 1 : i32
      %and3A_118 = arith.andi %scan3A_114, %and3A_117 : i32
      %mul3A_119 = arith.constant 8 : i32
      %mul3A_120 = arith.muli %mul3A_119, %shift_right_arithmetic3A_116 : i32
      %sub3A_121 = arith.constant 1016 : i32
      %sub3A_122 = arith.subi %sub3A_121, %mul3A_120 : i32
      %mul3A_123 = arith.constant 8 : i32
      %mul3A_124 = arith.muli %mul3A_123, %and3A_118 : i32
      %mul3A_125 = arith.constant 128 : i32
      %mul3A_126 = arith.muli %mul3A_125, %mul3A_124 : i32
      %add3A_127 = arith.addi %sub3A_122, %mul3A_126 : i32
      %mul3A_128 = arith.constant 256 : i32
      %mul3A_129 = arith.muli %shift_right_arithmetic3A_1, %mul3A_128 : i32
      %jit3A = arith.constant 8 : i32
      %div3A = arith.divsi %mul3A_4, %jit3A : i32
      %sign3A = arith.constant 0 : i32
      %sign3A_130 = arith.cmpi sgt, %mul3A_4, %sign3A : i32
      %sign3A_131 = arith.extui %sign3A_130 : i1 to i32
      %sign3A_132 = arith.constant 0 : i32
      %sign3A_133 = arith.cmpi slt, %mul3A_4, %sign3A_132 : i32
      %sign3A_134 = arith.extui %sign3A_133 : i1 to i32
      %sign3A_135 = arith.subi %sign3A_131, %sign3A_134 : i32
      %sign3A_136 = arith.constant 0 : i32
      %sign3A_137 = arith.cmpi sgt, %jit3A, %sign3A_136 : i32
      %sign3A_138 = arith.extui %sign3A_137 : i1 to i32
      %sign3A_139 = arith.constant 0 : i32
      %sign3A_140 = arith.cmpi slt, %jit3A, %sign3A_139 : i32
      %sign3A_141 = arith.extui %sign3A_140 : i1 to i32
      %sign3A_142 = arith.subi %sign3A_138, %sign3A_141 : i32
      %ne3A = arith.cmpi ne, %sign3A_135, %sign3A_142 : i32
      %rem3A = arith.remsi %mul3A_4, %jit3A : i32
      %ne3A_143 = arith.constant 0 : i32
      %ne3A_144 = arith.cmpi ne, %rem3A, %ne3A_143 : i32
      %and3A_145 = arith.andi %ne3A, %ne3A_144 : i1
      %sub3A_146 = arith.constant 1 : i32
      %sub3A_147 = arith.subi %div3A, %sub3A_146 : i32
      %select_n3A = arith.select %and3A_145, %sub3A_147, %div3A : i32
      %add3A_148 = arith.addi %select_n3A, %shift_right_arithmetic3A_116 : i32
      %add3A_149 = arith.addi %mul3A_129, %add3A_148 : i32
      %mul3A_150 = arith.constant 16384 : i32
      %mul3A_151 = arith.muli %add3A_149, %mul3A_150 : i32
      %mul3A_152 = arith.constant 8 : i32
      %mul3A_153 = arith.muli %mul3A_152, %and3A_118 : i32
      %mul3A_154 = arith.constant 1024 : i32
      %mul3A_155 = arith.muli %mul3A_153, %mul3A_154 : i32
      %add3A_156 = arith.addi %mul3A_151, %mul3A_155 : i32
      %add3A_157 = arith.constant 0 : i32
      %add3A_158 = arith.addi %add3A_156, %add3A_157 : i32
      %add3A_159 = arith.constant 0 : i32
      %add3A_160 = arith.addi %add3A_159, %add3A_127 : i32
      %add3A_161 = arith.constant 0 : i32
      %add3A_162 = arith.addi %add3A_160, %add3A_161 : i32
      %multiple_of3A = tpu.assume_multiple %add3A_162, 8 : i32
      %add3A_163 = arith.constant 0 : i32
      %add3A_164 = arith.addi %add3A_158, %add3A_163 : i32
      %multiple_of3A_165 = tpu.assume_multiple %add3A_164, 128 : i32
      %dma_start3A = tpu.memref_slice %arg7[%multiple_of3A] : memref<24576xf32, #tpu.memory_space<vmem>> -> memref<128xf32, #tpu.memory_space<vmem>>
      %dma_start3A_166 = tpu.memref_slice %arg4[%multiple_of3A_165] : memref<67108864xf32, #tpu.memory_space<hbm>> -> memref<128xf32, #tpu.memory_space<hbm>>
      %dma_start3A_167 = tpu.memref_slice %arg4[%multiple_of3A_165] : memref<67108864xf32, #tpu.memory_space<hbm>> -> memref<128xf32, #tpu.memory_space<hbm>>
      %dma_start3A_168 = tpu.memref_slice %arg7[%multiple_of3A] : memref<24576xf32, #tpu.memory_space<vmem>> -> memref<128xf32, #tpu.memory_space<vmem>>
      tpu.enqueue_dma source(%dma_start3A_168 : memref<128xf32, #tpu.memory_space<vmem>>) target(%dma_start3A_167 : memref<128xf32, #tpu.memory_space<hbm>>) target_semaphore(%arg8 : memref<!tpu.dma_semaphore, #tpu.memory_space<semaphore_mem>>)
      %add3A_169 = arith.constant 0 : i32
      %add3A_170 = arith.addi %add3A_169, %add3A_127 : i32
      %add3A_171 = arith.constant 128 : i32
      %add3A_172 = arith.addi %add3A_170, %add3A_171 : i32
      %multiple_of3A_173 = tpu.assume_multiple %add3A_172, 8 : i32
      %add3A_174 = arith.constant 1024 : i32
      %add3A_175 = arith.addi %add3A_158, %add3A_174 : i32
      %multiple_of3A_176 = tpu.assume_multiple %add3A_175, 128 : i32
      %dma_start3A_177 = tpu.memref_slice %arg7[%multiple_of3A_173] : memref<24576xf32, #tpu.memory_space<vmem>> -> memref<128xf32, #tpu.memory_space<vmem>>
      %dma_start3A_178 = tpu.memref_slice %arg4[%multiple_of3A_176] : memref<67108864xf32, #tpu.memory_space<hbm>> -> memref<128xf32, #tpu.memory_space<hbm>>
      %dma_start3A_179 = tpu.memref_slice %arg4[%multiple_of3A_176] : memref<67108864xf32, #tpu.memory_space<hbm>> -> memref<128xf32, #tpu.memory_space<hbm>>
      %dma_start3A_180 = tpu.memref_slice %arg7[%multiple_of3A_173] : memref<24576xf32, #tpu.memory_space<vmem>> -> memref<128xf32, #tpu.memory_space<vmem>>
      tpu.enqueue_dma source(%dma_start3A_180 : memref<128xf32, #tpu.memory_space<vmem>>) target(%dma_start3A_179 : memref<128xf32, #tpu.memory_space<hbm>>) target_semaphore(%arg8 : memref<!tpu.dma_semaphore, #tpu.memory_space<semaphore_mem>>)
      %add3A_181 = arith.constant 0 : i32
      %add3A_182 = arith.addi %add3A_181, %add3A_127 : i32
      %add3A_183 = arith.constant 256 : i32
      %add3A_184 = arith.addi %add3A_182, %add3A_183 : i32
      %multiple_of3A_185 = tpu.assume_multiple %add3A_184, 8 : i32
      %add3A_186 = arith.constant 2048 : i32
      %add3A_187 = arith.addi %add3A_158, %add3A_186 : i32
      %multiple_of3A_188 = tpu.assume_multiple %add3A_187, 128 : i32
      %dma_start3A_189 = tpu.memref_slice %arg7[%multiple_of3A_185] : memref<24576xf32, #tpu.memory_space<vmem>> -> memref<128xf32, #tpu.memory_space<vmem>>
      %dma_start3A_190 = tpu.memref_slice %arg4[%multiple_of3A_188] : memref<67108864xf32, #tpu.memory_space<hbm>> -> memref<128xf32, #tpu.memory_space<hbm>>
      %dma_start3A_191 = tpu.memref_slice %arg4[%multiple_of3A_188] : memref<67108864xf32, #tpu.memory_space<hbm>> -> memref<128xf32, #tpu.memory_space<hbm>>
      %dma_start3A_192 = tpu.memref_slice %arg7[%multiple_of3A_185] : memref<24576xf32, #tpu.memory_space<vmem>> -> memref<128xf32, #tpu.memory_space<vmem>>
      tpu.enqueue_dma source(%dma_start3A_192 : memref<128xf32, #tpu.memory_space<vmem>>) target(%dma_start3A_191 : memref<128xf32, #tpu.memory_space<hbm>>) target_semaphore(%arg8 : memref<!tpu.dma_semaphore, #tpu.memory_space<semaphore_mem>>)
      %add3A_193 = arith.constant 0 : i32
      %add3A_194 = arith.addi %add3A_193, %add3A_127 : i32
      %add3A_195 = arith.constant 384 : i32
      %add3A_196 = arith.addi %add3A_194, %add3A_195 : i32
      %multiple_of3A_197 = tpu.assume_multiple %add3A_196, 8 : i32
      %add3A_198 = arith.constant 3072 : i32
      %add3A_199 = arith.addi %add3A_158, %add3A_198 : i32
      %multiple_of3A_200 = tpu.assume_multiple %add3A_199, 128 : i32
      %dma_start3A_201 = tpu.memref_slice %arg7[%multiple_of3A_197] : memref<24576xf32, #tpu.memory_space<vmem>> -> memref<128xf32, #tpu.memory_space<vmem>>
      %dma_start3A_202 = tpu.memref_slice %arg4[%multiple_of3A_200] : memref<67108864xf32, #tpu.memory_space<hbm>> -> memref<128xf32, #tpu.memory_space<hbm>>
      %dma_start3A_203 = tpu.memref_slice %arg4[%multiple_of3A_200] : memref<67108864xf32, #tpu.memory_space<hbm>> -> memref<128xf32, #tpu.memory_space<hbm>>
      %dma_start3A_204 = tpu.memref_slice %arg7[%multiple_of3A_197] : memref<24576xf32, #tpu.memory_space<vmem>> -> memref<128xf32, #tpu.memory_space<vmem>>
      tpu.enqueue_dma source(%dma_start3A_204 : memref<128xf32, #tpu.memory_space<vmem>>) target(%dma_start3A_203 : memref<128xf32, #tpu.memory_space<hbm>>) target_semaphore(%arg8 : memref<!tpu.dma_semaphore, #tpu.memory_space<semaphore_mem>>)
      %add3A_205 = arith.constant 0 : i32
      %add3A_206 = arith.addi %add3A_205, %add3A_127 : i32
      %add3A_207 = arith.constant 512 : i32
      %add3A_208 = arith.addi %add3A_206, %add3A_207 : i32
      %multiple_of3A_209 = tpu.assume_multiple %add3A_208, 8 : i32
      %add3A_210 = arith.constant 4096 : i32
      %add3A_211 = arith.addi %add3A_158, %add3A_210 : i32
      %multiple_of3A_212 = tpu.assume_multiple %add3A_211, 128 : i32
      %dma_start3A_213 = tpu.memref_slice %arg7[%multiple_of3A_209] : memref<24576xf32, #tpu.memory_space<vmem>> -> memref<128xf32, #tpu.memory_space<vmem>>
      %dma_start3A_214 = tpu.memref_slice %arg4[%multiple_of3A_212] : memref<67108864xf32, #tpu.memory_space<hbm>> -> memref<128xf32, #tpu.memory_space<hbm>>
      %dma_start3A_215 = tpu.memref_slice %arg4[%multiple_of3A_212] : memref<67108864xf32, #tpu.memory_space<hbm>> -> memref<128xf32, #tpu.memory_space<hbm>>
      %dma_start3A_216 = tpu.memref_slice %arg7[%multiple_of3A_209] : memref<24576xf32, #tpu.memory_space<vmem>> -> memref<128xf32, #tpu.memory_space<vmem>>
      tpu.enqueue_dma source(%dma_start3A_216 : memref<128xf32, #tpu.memory_space<vmem>>) target(%dma_start3A_215 : memref<128xf32, #tpu.memory_space<hbm>>) target_semaphore(%arg8 : memref<!tpu.dma_semaphore, #tpu.memory_space<semaphore_mem>>)
      %add3A_217 = arith.constant 0 : i32
      %add3A_218 = arith.addi %add3A_217, %add3A_127 : i32
      %add3A_219 = arith.constant 640 : i32
      %add3A_220 = arith.addi %add3A_218, %add3A_219 : i32
      %multiple_of3A_221 = tpu.assume_multiple %add3A_220, 8 : i32
      %add3A_222 = arith.constant 5120 : i32
      %add3A_223 = arith.addi %add3A_158, %add3A_222 : i32
      %multiple_of3A_224 = tpu.assume_multiple %add3A_223, 128 : i32
      %dma_start3A_225 = tpu.memref_slice %arg7[%multiple_of3A_221] : memref<24576xf32, #tpu.memory_space<vmem>> -> memref<128xf32, #tpu.memory_space<vmem>>
      %dma_start3A_226 = tpu.memref_slice %arg4[%multiple_of3A_224] : memref<67108864xf32, #tpu.memory_space<hbm>> -> memref<128xf32, #tpu.memory_space<hbm>>
      %dma_start3A_227 = tpu.memref_slice %arg4[%multiple_of3A_224] : memref<67108864xf32, #tpu.memory_space<hbm>> -> memref<128xf32, #tpu.memory_space<hbm>>
      %dma_start3A_228 = tpu.memref_slice %arg7[%multiple_of3A_221] : memref<24576xf32, #tpu.memory_space<vmem>> -> memref<128xf32, #tpu.memory_space<vmem>>
      tpu.enqueue_dma source(%dma_start3A_228 : memref<128xf32, #tpu.memory_space<vmem>>) target(%dma_start3A_227 : memref<128xf32, #tpu.memory_space<hbm>>) target_semaphore(%arg8 : memref<!tpu.dma_semaphore, #tpu.memory_space<semaphore_mem>>)
      %add3A_229 = arith.constant 0 : i32
      %add3A_230 = arith.addi %add3A_229, %add3A_127 : i32
      %add3A_231 = arith.constant 768 : i32
      %add3A_232 = arith.addi %add3A_230, %add3A_231 : i32
      %multiple_of3A_233 = tpu.assume_multiple %add3A_232, 8 : i32
      %add3A_234 = arith.constant 6144 : i32
      %add3A_235 = arith.addi %add3A_158, %add3A_234 : i32
      %multiple_of3A_236 = tpu.assume_multiple %add3A_235, 128 : i32
      %dma_start3A_237 = tpu.memref_slice %arg7[%multiple_of3A_233] : memref<24576xf32, #tpu.memory_space<vmem>> -> memref<128xf32, #tpu.memory_space<vmem>>
      %dma_start3A_238 = tpu.memref_slice %arg4[%multiple_of3A_236] : memref<67108864xf32, #tpu.memory_space<hbm>> -> memref<128xf32, #tpu.memory_space<hbm>>
      %dma_start3A_239 = tpu.memref_slice %arg4[%multiple_of3A_236] : memref<67108864xf32, #tpu.memory_space<hbm>> -> memref<128xf32, #tpu.memory_space<hbm>>
      %dma_start3A_240 = tpu.memref_slice %arg7[%multiple_of3A_233] : memref<24576xf32, #tpu.memory_space<vmem>> -> memref<128xf32, #tpu.memory_space<vmem>>
      tpu.enqueue_dma source(%dma_start3A_240 : memref<128xf32, #tpu.memory_space<vmem>>) target(%dma_start3A_239 : memref<128xf32, #tpu.memory_space<hbm>>) target_semaphore(%arg8 : memref<!tpu.dma_semaphore, #tpu.memory_space<semaphore_mem>>)
      %add3A_241 = arith.constant 0 : i32
      %add3A_242 = arith.addi %add3A_241, %add3A_127 : i32
      %add3A_243 = arith.constant 896 : i32
      %add3A_244 = arith.addi %add3A_242, %add3A_243 : i32
      %multiple_of3A_245 = tpu.assume_multiple %add3A_244, 8 : i32
      %add3A_246 = arith.constant 7168 : i32
      %add3A_247 = arith.addi %add3A_158, %add3A_246 : i32
      %multiple_of3A_248 = tpu.assume_multiple %add3A_247, 128 : i32
      %dma_start3A_249 = tpu.memref_slice %arg7[%multiple_of3A_245] : memref<24576xf32, #tpu.memory_space<vmem>> -> memref<128xf32, #tpu.memory_space<vmem>>
      %dma_start3A_250 = tpu.memref_slice %arg4[%multiple_of3A_248] : memref<67108864xf32, #tpu.memory_space<hbm>> -> memref<128xf32, #tpu.memory_space<hbm>>
      %dma_start3A_251 = tpu.memref_slice %arg4[%multiple_of3A_248] : memref<67108864xf32, #tpu.memory_space<hbm>> -> memref<128xf32, #tpu.memory_space<hbm>>
      %dma_start3A_252 = tpu.memref_slice %arg7[%multiple_of3A_245] : memref<24576xf32, #tpu.memory_space<vmem>> -> memref<128xf32, #tpu.memory_space<vmem>>
      tpu.enqueue_dma source(%dma_start3A_252 : memref<128xf32, #tpu.memory_space<vmem>>) target(%dma_start3A_251 : memref<128xf32, #tpu.memory_space<hbm>>) target_semaphore(%arg8 : memref<!tpu.dma_semaphore, #tpu.memory_space<semaphore_mem>>)
      %add3A_253 = arith.constant 0 : i32
      %add3A_254 = arith.addi %add3A_253, %scan3A_114 : i32
      %ge3A = arith.constant 128 : i32
      %ge3A_255 = arith.cmpi sge, %add3A_254, %ge3A : i32
      %and3A_256 = arith.constant 3 : i32
      %and3A_257 = arith.andi %add3A_254, %and3A_256 : i32
      %eq3A = arith.constant 3 : i32
      %eq3A_258 = arith.cmpi eq, %and3A_257, %eq3A : i32
      %and3A_259 = arith.andi %ge3A_255, %eq3A_258 : i1
      %convert_element_type3A = arith.extui %and3A_259 : i1 to i32
      %cond3A = arith.constant 0 : i32
      %cond3A_260 = arith.cmpi ne, %convert_element_type3A, %cond3A : i32
      scf.if %cond3A_260 {
        %mul3A_261 = arith.constant 2048 : i32
        %mul3A_262 = arith.muli %mul3A_4, %mul3A_261 : i32
        %dma_wait3A = arith.constant 0 : i32
        %dma_wait3A_263 = tpu.memref_slice %arg7[%dma_wait3A] : memref<24576xf32, #tpu.memory_space<vmem>> -> memref<4096xf32, #tpu.memory_space<vmem>>
        %dma_wait3A_264 = tpu.memref_slice %arg4[%mul3A_262] : memref<67108864xf32, #tpu.memory_space<hbm>> -> memref<4096xf32, #tpu.memory_space<hbm>>
        %dma_wait3A_265 = tpu.memref_slice %arg4[%mul3A_262] : memref<67108864xf32, #tpu.memory_space<hbm>> -> memref<4096xf32, #tpu.memory_space<hbm>>
        %dma_wait3A_266 = arith.constant 0 : i32
        %dma_wait3A_267 = tpu.memref_slice %arg7[%dma_wait3A_266] : memref<24576xf32, #tpu.memory_space<vmem>> -> memref<4096xf32, #tpu.memory_space<vmem>>
        tpu.wait_dma2 semaphore(%arg8 : memref<!tpu.dma_semaphore, #tpu.memory_space<semaphore_mem>>) src(%dma_wait3A_267 : memref<4096xf32, #tpu.memory_space<vmem>>) dst(%dma_wait3A_265 : memref<4096xf32, #tpu.memory_space<hbm>>)
      } else {
      }
    }
    %scan3A_23 = arith.constant 256 : i32
    %scan3A_24 = arith.constant 0 : i32
    %scan3A_25 = arith.constant 0 : i32
    %scan3A_26 = arith.constant 192 : i32
    %scan3A_27 = arith.addi %scan3A_25, %scan3A_26 : i32
    %scan3A_28 = arith.constant 1 : i32
    scf.for %scan3A_114 = %scan3A_25 to %scan3A_27 step %scan3A_28  : i32 {
      %mul3A_115 = arith.constant 16 : i32
      %mul3A_116 = arith.muli %scan3A_114, %mul3A_115 : i32
      %add3A_117 = vector.broadcast %mul3A_116 : i32 to vector<16xi32>
      %add3A_118 = arith.addi %add3A_117, %iota3A : vector<16xi32>
      %add3A_119 = arith.constant 6 : i32
      %add3A_120 = vector.broadcast %add3A_119 : i32 to vector<16xi32>
      %add3A_121 = arith.addi %add3A_12, %add3A_120 : vector<16xi32>
      %add3A_122 = arith.addi %add3A_118, %add3A_121 : vector<16xi32>
      %jit3A = arith.constant 0 : i32
      %jit3A_123 = arith.constant 254 : i32
      %max3A = vector.broadcast %jit3A : i32 to vector<16xi32>
      %max3A_124 = arith.maxsi %max3A, %add3A_122 : vector<16xi32>
      %min3A = vector.broadcast %jit3A_123 : i32 to vector<16xi32>
      %min3A_125 = arith.minsi %min3A, %max3A_124 : vector<16xi32>
      %mul3A_126 = arith.constant 16 : i32
      %mul3A_127 = vector.broadcast %mul3A_126 : i32 to vector<16xi32>
      %mul3A_128 = arith.muli %min3A_125, %mul3A_127 : vector<16xi32>
      %add3A_129 = arith.addi %mul3A_128, %broadcast_in_dim3A : vector<16xi32>
      %gather3A = tpu.vector_load_idx %arg5[%add3A_129] : memref<4080xf32, #tpu.memory_space<vmem>>[vector<16xi32>], vector<16xf32>,
      %mul3A_130 = arith.constant 16 : i32
      %mul3A_131 = arith.muli %scan3A_114, %mul3A_130 : i32
      %add3A_132 = arith.constant 3072 : i32
      %add3A_133 = arith.addi %add3A_132, %mul3A_131 : i32
      %swap3A = arith.index_cast %add3A_133 : i32 to index
      %swap3A_134 = tpu.vector_load %arg7[%swap3A] {strides = array<i32>} : memref<24576xf32, #tpu.memory_space<vmem>>, vector<16xf32>,
      tpu.vector_store %arg7[%swap3A], %gather3A {strides = array<i32>} : memref<24576xf32, #tpu.memory_space<vmem>>, vector<16xf32>,
    }
    %scan3A_29 = arith.constant 192 : i32
    %scan3A_30 = arith.constant 0 : i32
    %scan3A_31 = arith.constant 0 : i32
    %scan3A_32 = arith.constant 256 : i32
    %scan3A_33 = arith.addi %scan3A_31, %scan3A_32 : i32
    %scan3A_34 = arith.constant 1 : i32
    scf.for %scan3A_114 = %scan3A_31 to %scan3A_33 step %scan3A_34  : i32 {
      %shift_right_arithmetic3A_115 = arith.constant 1 : i32
      %shift_right_arithmetic3A_116 = arith.shrsi %scan3A_114, %shift_right_arithmetic3A_115 : i32
      %and3A_117 = arith.constant 1 : i32
      %and3A_118 = arith.andi %scan3A_114, %and3A_117 : i32
      %mul3A_119 = arith.constant 8 : i32
      %mul3A_120 = arith.muli %mul3A_119, %shift_right_arithmetic3A_116 : i32
      %sub3A_121 = arith.constant 1016 : i32
      %sub3A_122 = arith.subi %sub3A_121, %mul3A_120 : i32
      %mul3A_123 = arith.constant 8 : i32
      %mul3A_124 = arith.muli %mul3A_123, %and3A_118 : i32
      %mul3A_125 = arith.constant 128 : i32
      %mul3A_126 = arith.muli %mul3A_125, %mul3A_124 : i32
      %add3A_127 = arith.addi %sub3A_122, %mul3A_126 : i32
      %mul3A_128 = arith.constant 256 : i32
      %mul3A_129 = arith.muli %shift_right_arithmetic3A_1, %mul3A_128 : i32
      %jit3A = arith.constant 8 : i32
      %div3A = arith.divsi %mul3A_4, %jit3A : i32
      %sign3A = arith.constant 0 : i32
      %sign3A_130 = arith.cmpi sgt, %mul3A_4, %sign3A : i32
      %sign3A_131 = arith.extui %sign3A_130 : i1 to i32
      %sign3A_132 = arith.constant 0 : i32
      %sign3A_133 = arith.cmpi slt, %mul3A_4, %sign3A_132 : i32
      %sign3A_134 = arith.extui %sign3A_133 : i1 to i32
      %sign3A_135 = arith.subi %sign3A_131, %sign3A_134 : i32
      %sign3A_136 = arith.constant 0 : i32
      %sign3A_137 = arith.cmpi sgt, %jit3A, %sign3A_136 : i32
      %sign3A_138 = arith.extui %sign3A_137 : i1 to i32
      %sign3A_139 = arith.constant 0 : i32
      %sign3A_140 = arith.cmpi slt, %jit3A, %sign3A_139 : i32
      %sign3A_141 = arith.extui %sign3A_140 : i1 to i32
      %sign3A_142 = arith.subi %sign3A_138, %sign3A_141 : i32
      %ne3A = arith.cmpi ne, %sign3A_135, %sign3A_142 : i32
      %rem3A = arith.remsi %mul3A_4, %jit3A : i32
      %ne3A_143 = arith.constant 0 : i32
      %ne3A_144 = arith.cmpi ne, %rem3A, %ne3A_143 : i32
      %and3A_145 = arith.andi %ne3A, %ne3A_144 : i1
      %sub3A_146 = arith.constant 1 : i32
      %sub3A_147 = arith.subi %div3A, %sub3A_146 : i32
      %select_n3A = arith.select %and3A_145, %sub3A_147, %div3A : i32
      %add3A_148 = arith.addi %select_n3A, %shift_right_arithmetic3A_116 : i32
      %add3A_149 = arith.addi %mul3A_129, %add3A_148 : i32
      %mul3A_150 = arith.constant 16384 : i32
      %mul3A_151 = arith.muli %add3A_149, %mul3A_150 : i32
      %mul3A_152 = arith.constant 8 : i32
      %mul3A_153 = arith.muli %mul3A_152, %and3A_118 : i32
      %mul3A_154 = arith.constant 1024 : i32
      %mul3A_155 = arith.muli %mul3A_153, %mul3A_154 : i32
      %add3A_156 = arith.addi %mul3A_151, %mul3A_155 : i32
      %add3A_157 = arith.constant 128 : i32
      %add3A_158 = arith.addi %add3A_156, %add3A_157 : i32
      %add3A_159 = arith.constant 3072 : i32
      %add3A_160 = arith.addi %add3A_159, %add3A_127 : i32
      %add3A_161 = arith.constant 0 : i32
      %add3A_162 = arith.addi %add3A_160, %add3A_161 : i32
      %multiple_of3A = tpu.assume_multiple %add3A_162, 8 : i32
      %add3A_163 = arith.constant 0 : i32
      %add3A_164 = arith.addi %add3A_158, %add3A_163 : i32
      %multiple_of3A_165 = tpu.assume_multiple %add3A_164, 128 : i32
      %dma_start3A = tpu.memref_slice %arg7[%multiple_of3A] : memref<24576xf32, #tpu.memory_space<vmem>> -> memref<128xf32, #tpu.memory_space<vmem>>
      %dma_start3A_166 = tpu.memref_slice %arg4[%multiple_of3A_165] : memref<67108864xf32, #tpu.memory_space<hbm>> -> memref<128xf32, #tpu.memory_space<hbm>>
      %dma_start3A_167 = tpu.memref_slice %arg4[%multiple_of3A_165] : memref<67108864xf32, #tpu.memory_space<hbm>> -> memref<128xf32, #tpu.memory_space<hbm>>
      %dma_start3A_168 = tpu.memref_slice %arg7[%multiple_of3A] : memref<24576xf32, #tpu.memory_space<vmem>> -> memref<128xf32, #tpu.memory_space<vmem>>
      tpu.enqueue_dma source(%dma_start3A_168 : memref<128xf32, #tpu.memory_space<vmem>>) target(%dma_start3A_167 : memref<128xf32, #tpu.memory_space<hbm>>) target_semaphore(%arg8 : memref<!tpu.dma_semaphore, #tpu.memory_space<semaphore_mem>>)
      %add3A_169 = arith.constant 3072 : i32
      %add3A_170 = arith.addi %add3A_169, %add3A_127 : i32
      %add3A_171 = arith.constant 128 : i32
      %add3A_172 = arith.addi %add3A_170, %add3A_171 : i32
      %multiple_of3A_173 = tpu.assume_multiple %add3A_172, 8 : i32
      %add3A_174 = arith.constant 1024 : i32
      %add3A_175 = arith.addi %add3A_158, %add3A_174 : i32
      %multiple_of3A_176 = tpu.assume_multiple %add3A_175, 128 : i32
      %dma_start3A_177 = tpu.memref_slice %arg7[%multiple_of3A_173] : memref<24576xf32, #tpu.memory_space<vmem>> -> memref<128xf32, #tpu.memory_space<vmem>>
      %dma_start3A_178 = tpu.memref_slice %arg4[%multiple_of3A_176] : memref<67108864xf32, #tpu.memory_space<hbm>> -> memref<128xf32, #tpu.memory_space<hbm>>
      %dma_start3A_179 = tpu.memref_slice %arg4[%multiple_of3A_176] : memref<67108864xf32, #tpu.memory_space<hbm>> -> memref<128xf32, #tpu.memory_space<hbm>>
      %dma_start3A_180 = tpu.memref_slice %arg7[%multiple_of3A_173] : memref<24576xf32, #tpu.memory_space<vmem>> -> memref<128xf32, #tpu.memory_space<vmem>>
      tpu.enqueue_dma source(%dma_start3A_180 : memref<128xf32, #tpu.memory_space<vmem>>) target(%dma_start3A_179 : memref<128xf32, #tpu.memory_space<hbm>>) target_semaphore(%arg8 : memref<!tpu.dma_semaphore, #tpu.memory_space<semaphore_mem>>)
      %add3A_181 = arith.constant 3072 : i32
      %add3A_182 = arith.addi %add3A_181, %add3A_127 : i32
      %add3A_183 = arith.constant 256 : i32
      %add3A_184 = arith.addi %add3A_182, %add3A_183 : i32
      %multiple_of3A_185 = tpu.assume_multiple %add3A_184, 8 : i32
      %add3A_186 = arith.constant 2048 : i32
      %add3A_187 = arith.addi %add3A_158, %add3A_186 : i32
      %multiple_of3A_188 = tpu.assume_multiple %add3A_187, 128 : i32
      %dma_start3A_189 = tpu.memref_slice %arg7[%multiple_of3A_185] : memref<24576xf32, #tpu.memory_space<vmem>> -> memref<128xf32, #tpu.memory_space<vmem>>
      %dma_start3A_190 = tpu.memref_slice %arg4[%multiple_of3A_188] : memref<67108864xf32, #tpu.memory_space<hbm>> -> memref<128xf32, #tpu.memory_space<hbm>>
      %dma_start3A_191 = tpu.memref_slice %arg4[%multiple_of3A_188] : memref<67108864xf32, #tpu.memory_space<hbm>> -> memref<128xf32, #tpu.memory_space<hbm>>
      %dma_start3A_192 = tpu.memref_slice %arg7[%multiple_of3A_185] : memref<24576xf32, #tpu.memory_space<vmem>> -> memref<128xf32, #tpu.memory_space<vmem>>
      tpu.enqueue_dma source(%dma_start3A_192 : memref<128xf32, #tpu.memory_space<vmem>>) target(%dma_start3A_191 : memref<128xf32, #tpu.memory_space<hbm>>) target_semaphore(%arg8 : memref<!tpu.dma_semaphore, #tpu.memory_space<semaphore_mem>>)
      %add3A_193 = arith.constant 3072 : i32
      %add3A_194 = arith.addi %add3A_193, %add3A_127 : i32
      %add3A_195 = arith.constant 384 : i32
      %add3A_196 = arith.addi %add3A_194, %add3A_195 : i32
      %multiple_of3A_197 = tpu.assume_multiple %add3A_196, 8 : i32
      %add3A_198 = arith.constant 3072 : i32
      %add3A_199 = arith.addi %add3A_158, %add3A_198 : i32
      %multiple_of3A_200 = tpu.assume_multiple %add3A_199, 128 : i32
      %dma_start3A_201 = tpu.memref_slice %arg7[%multiple_of3A_197] : memref<24576xf32, #tpu.memory_space<vmem>> -> memref<128xf32, #tpu.memory_space<vmem>>
      %dma_start3A_202 = tpu.memref_slice %arg4[%multiple_of3A_200] : memref<67108864xf32, #tpu.memory_space<hbm>> -> memref<128xf32, #tpu.memory_space<hbm>>
      %dma_start3A_203 = tpu.memref_slice %arg4[%multiple_of3A_200] : memref<67108864xf32, #tpu.memory_space<hbm>> -> memref<128xf32, #tpu.memory_space<hbm>>
      %dma_start3A_204 = tpu.memref_slice %arg7[%multiple_of3A_197] : memref<24576xf32, #tpu.memory_space<vmem>> -> memref<128xf32, #tpu.memory_space<vmem>>
      tpu.enqueue_dma source(%dma_start3A_204 : memref<128xf32, #tpu.memory_space<vmem>>) target(%dma_start3A_203 : memref<128xf32, #tpu.memory_space<hbm>>) target_semaphore(%arg8 : memref<!tpu.dma_semaphore, #tpu.memory_space<semaphore_mem>>)
      %add3A_205 = arith.constant 3072 : i32
      %add3A_206 = arith.addi %add3A_205, %add3A_127 : i32
      %add3A_207 = arith.constant 512 : i32
      %add3A_208 = arith.addi %add3A_206, %add3A_207 : i32
      %multiple_of3A_209 = tpu.assume_multiple %add3A_208, 8 : i32
      %add3A_210 = arith.constant 4096 : i32
      %add3A_211 = arith.addi %add3A_158, %add3A_210 : i32
      %multiple_of3A_212 = tpu.assume_multiple %add3A_211, 128 : i32
      %dma_start3A_213 = tpu.memref_slice %arg7[%multiple_of3A_209] : memref<24576xf32, #tpu.memory_space<vmem>> -> memref<128xf32, #tpu.memory_space<vmem>>
      %dma_start3A_214 = tpu.memref_slice %arg4[%multiple_of3A_212] : memref<67108864xf32, #tpu.memory_space<hbm>> -> memref<128xf32, #tpu.memory_space<hbm>>
      %dma_start3A_215 = tpu.memref_slice %arg4[%multiple_of3A_212] : memref<67108864xf32, #tpu.memory_space<hbm>> -> memref<128xf32, #tpu.memory_space<hbm>>
      %dma_start3A_216 = tpu.memref_slice %arg7[%multiple_of3A_209] : memref<24576xf32, #tpu.memory_space<vmem>> -> memref<128xf32, #tpu.memory_space<vmem>>
      tpu.enqueue_dma source(%dma_start3A_216 : memref<128xf32, #tpu.memory_space<vmem>>) target(%dma_start3A_215 : memref<128xf32, #tpu.memory_space<hbm>>) target_semaphore(%arg8 : memref<!tpu.dma_semaphore, #tpu.memory_space<semaphore_mem>>)
      %add3A_217 = arith.constant 3072 : i32
      %add3A_218 = arith.addi %add3A_217, %add3A_127 : i32
      %add3A_219 = arith.constant 640 : i32
      %add3A_220 = arith.addi %add3A_218, %add3A_219 : i32
      %multiple_of3A_221 = tpu.assume_multiple %add3A_220, 8 : i32
      %add3A_222 = arith.constant 5120 : i32
      %add3A_223 = arith.addi %add3A_158, %add3A_222 : i32
      %multiple_of3A_224 = tpu.assume_multiple %add3A_223, 128 : i32
      %dma_start3A_225 = tpu.memref_slice %arg7[%multiple_of3A_221] : memref<24576xf32, #tpu.memory_space<vmem>> -> memref<128xf32, #tpu.memory_space<vmem>>
      %dma_start3A_226 = tpu.memref_slice %arg4[%multiple_of3A_224] : memref<67108864xf32, #tpu.memory_space<hbm>> -> memref<128xf32, #tpu.memory_space<hbm>>
      %dma_start3A_227 = tpu.memref_slice %arg4[%multiple_of3A_224] : memref<67108864xf32, #tpu.memory_space<hbm>> -> memref<128xf32, #tpu.memory_space<hbm>>
      %dma_start3A_228 = tpu.memref_slice %arg7[%multiple_of3A_221] : memref<24576xf32, #tpu.memory_space<vmem>> -> memref<128xf32, #tpu.memory_space<vmem>>
      tpu.enqueue_dma source(%dma_start3A_228 : memref<128xf32, #tpu.memory_space<vmem>>) target(%dma_start3A_227 : memref<128xf32, #tpu.memory_space<hbm>>) target_semaphore(%arg8 : memref<!tpu.dma_semaphore, #tpu.memory_space<semaphore_mem>>)
      %add3A_229 = arith.constant 3072 : i32
      %add3A_230 = arith.addi %add3A_229, %add3A_127 : i32
      %add3A_231 = arith.constant 768 : i32
      %add3A_232 = arith.addi %add3A_230, %add3A_231 : i32
      %multiple_of3A_233 = tpu.assume_multiple %add3A_232, 8 : i32
      %add3A_234 = arith.constant 6144 : i32
      %add3A_235 = arith.addi %add3A_158, %add3A_234 : i32
      %multiple_of3A_236 = tpu.assume_multiple %add3A_235, 128 : i32
      %dma_start3A_237 = tpu.memref_slice %arg7[%multiple_of3A_233] : memref<24576xf32, #tpu.memory_space<vmem>> -> memref<128xf32, #tpu.memory_space<vmem>>
      %dma_start3A_238 = tpu.memref_slice %arg4[%multiple_of3A_236] : memref<67108864xf32, #tpu.memory_space<hbm>> -> memref<128xf32, #tpu.memory_space<hbm>>
      %dma_start3A_239 = tpu.memref_slice %arg4[%multiple_of3A_236] : memref<67108864xf32, #tpu.memory_space<hbm>> -> memref<128xf32, #tpu.memory_space<hbm>>
      %dma_start3A_240 = tpu.memref_slice %arg7[%multiple_of3A_233] : memref<24576xf32, #tpu.memory_space<vmem>> -> memref<128xf32, #tpu.memory_space<vmem>>
      tpu.enqueue_dma source(%dma_start3A_240 : memref<128xf32, #tpu.memory_space<vmem>>) target(%dma_start3A_239 : memref<128xf32, #tpu.memory_space<hbm>>) target_semaphore(%arg8 : memref<!tpu.dma_semaphore, #tpu.memory_space<semaphore_mem>>)
      %add3A_241 = arith.constant 3072 : i32
      %add3A_242 = arith.addi %add3A_241, %add3A_127 : i32
      %add3A_243 = arith.constant 896 : i32
      %add3A_244 = arith.addi %add3A_242, %add3A_243 : i32
      %multiple_of3A_245 = tpu.assume_multiple %add3A_244, 8 : i32
      %add3A_246 = arith.constant 7168 : i32
      %add3A_247 = arith.addi %add3A_158, %add3A_246 : i32
      %multiple_of3A_248 = tpu.assume_multiple %add3A_247, 128 : i32
      %dma_start3A_249 = tpu.memref_slice %arg7[%multiple_of3A_245] : memref<24576xf32, #tpu.memory_space<vmem>> -> memref<128xf32, #tpu.memory_space<vmem>>
      %dma_start3A_250 = tpu.memref_slice %arg4[%multiple_of3A_248] : memref<67108864xf32, #tpu.memory_space<hbm>> -> memref<128xf32, #tpu.memory_space<hbm>>
      %dma_start3A_251 = tpu.memref_slice %arg4[%multiple_of3A_248] : memref<67108864xf32, #tpu.memory_space<hbm>> -> memref<128xf32, #tpu.memory_space<hbm>>
      %dma_start3A_252 = tpu.memref_slice %arg7[%multiple_of3A_245] : memref<24576xf32, #tpu.memory_space<vmem>> -> memref<128xf32, #tpu.memory_space<vmem>>
      tpu.enqueue_dma source(%dma_start3A_252 : memref<128xf32, #tpu.memory_space<vmem>>) target(%dma_start3A_251 : memref<128xf32, #tpu.memory_space<hbm>>) target_semaphore(%arg8 : memref<!tpu.dma_semaphore, #tpu.memory_space<semaphore_mem>>)
      %add3A_253 = arith.constant 256 : i32
      %add3A_254 = arith.addi %add3A_253, %scan3A_114 : i32
      %ge3A = arith.constant 128 : i32
      %ge3A_255 = arith.cmpi sge, %add3A_254, %ge3A : i32
      %and3A_256 = arith.constant 3 : i32
      %and3A_257 = arith.andi %add3A_254, %and3A_256 : i32
      %eq3A = arith.constant 3 : i32
      %eq3A_258 = arith.cmpi eq, %and3A_257, %eq3A : i32
      %and3A_259 = arith.andi %ge3A_255, %eq3A_258 : i1
      %convert_element_type3A = arith.extui %and3A_259 : i1 to i32
      %cond3A = arith.constant 0 : i32
      %cond3A_260 = arith.cmpi ne, %convert_element_type3A, %cond3A : i32
      scf.if %cond3A_260 {
        %mul3A_261 = arith.constant 2048 : i32
        %mul3A_262 = arith.muli %mul3A_4, %mul3A_261 : i32
        %dma_wait3A = arith.constant 0 : i32
        %dma_wait3A_263 = tpu.memref_slice %arg7[%dma_wait3A] : memref<24576xf32, #tpu.memory_space<vmem>> -> memref<4096xf32, #tpu.memory_space<vmem>>
        %dma_wait3A_264 = tpu.memref_slice %arg4[%mul3A_262] : memref<67108864xf32, #tpu.memory_space<hbm>> -> memref<4096xf32, #tpu.memory_space<hbm>>
        %dma_wait3A_265 = tpu.memref_slice %arg4[%mul3A_262] : memref<67108864xf32, #tpu.memory_space<hbm>> -> memref<4096xf32, #tpu.memory_space<hbm>>
        %dma_wait3A_266 = arith.constant 0 : i32
        %dma_wait3A_267 = tpu.memref_slice %arg7[%dma_wait3A_266] : memref<24576xf32, #tpu.memory_space<vmem>> -> memref<4096xf32, #tpu.memory_space<vmem>>
        tpu.wait_dma2 semaphore(%arg8 : memref<!tpu.dma_semaphore, #tpu.memory_space<semaphore_mem>>) src(%dma_wait3A_267 : memref<4096xf32, #tpu.memory_space<vmem>>) dst(%dma_wait3A_265 : memref<4096xf32, #tpu.memory_space<hbm>>)
      } else {
      }
    }
    %scan3A_35 = arith.constant 256 : i32
    %scan3A_36 = arith.constant 0 : i32
    %scan3A_37 = arith.constant 0 : i32
    %scan3A_38 = arith.constant 192 : i32
    %scan3A_39 = arith.addi %scan3A_37, %scan3A_38 : i32
    %scan3A_40 = arith.constant 1 : i32
    scf.for %scan3A_114 = %scan3A_37 to %scan3A_39 step %scan3A_40  : i32 {
      %mul3A_115 = arith.constant 16 : i32
      %mul3A_116 = arith.muli %scan3A_114, %mul3A_115 : i32
      %add3A_117 = vector.broadcast %mul3A_116 : i32 to vector<16xi32>
      %add3A_118 = arith.addi %add3A_117, %iota3A : vector<16xi32>
      %add3A_119 = arith.constant 5 : i32
      %add3A_120 = vector.broadcast %add3A_119 : i32 to vector<16xi32>
      %add3A_121 = arith.addi %add3A_12, %add3A_120 : vector<16xi32>
      %add3A_122 = arith.addi %add3A_118, %add3A_121 : vector<16xi32>
      %jit3A = arith.constant 0 : i32
      %jit3A_123 = arith.constant 254 : i32
      %max3A = vector.broadcast %jit3A : i32 to vector<16xi32>
      %max3A_124 = arith.maxsi %max3A, %add3A_122 : vector<16xi32>
      %min3A = vector.broadcast %jit3A_123 : i32 to vector<16xi32>
      %min3A_125 = arith.minsi %min3A, %max3A_124 : vector<16xi32>
      %mul3A_126 = arith.constant 16 : i32
      %mul3A_127 = vector.broadcast %mul3A_126 : i32 to vector<16xi32>
      %mul3A_128 = arith.muli %min3A_125, %mul3A_127 : vector<16xi32>
      %add3A_129 = arith.addi %mul3A_128, %broadcast_in_dim3A : vector<16xi32>
      %gather3A = tpu.vector_load_idx %arg5[%add3A_129] : memref<4080xf32, #tpu.memory_space<vmem>>[vector<16xi32>], vector<16xf32>,
      %mul3A_130 = arith.constant 16 : i32
      %mul3A_131 = arith.muli %scan3A_114, %mul3A_130 : i32
      %add3A_132 = arith.constant 6144 : i32
      %add3A_133 = arith.addi %add3A_132, %mul3A_131 : i32
      %swap3A = arith.index_cast %add3A_133 : i32 to index
      %swap3A_134 = tpu.vector_load %arg7[%swap3A] {strides = array<i32>} : memref<24576xf32, #tpu.memory_space<vmem>>, vector<16xf32>,
      tpu.vector_store %arg7[%swap3A], %gather3A {strides = array<i32>} : memref<24576xf32, #tpu.memory_space<vmem>>, vector<16xf32>,
    }
    %scan3A_41 = arith.constant 192 : i32
    %scan3A_42 = arith.constant 0 : i32
    %scan3A_43 = arith.constant 0 : i32
    %scan3A_44 = arith.constant 256 : i32
    %scan3A_45 = arith.addi %scan3A_43, %scan3A_44 : i32
    %scan3A_46 = arith.constant 1 : i32
    scf.for %scan3A_114 = %scan3A_43 to %scan3A_45 step %scan3A_46  : i32 {
      %shift_right_arithmetic3A_115 = arith.constant 1 : i32
      %shift_right_arithmetic3A_116 = arith.shrsi %scan3A_114, %shift_right_arithmetic3A_115 : i32
      %and3A_117 = arith.constant 1 : i32
      %and3A_118 = arith.andi %scan3A_114, %and3A_117 : i32
      %mul3A_119 = arith.constant 8 : i32
      %mul3A_120 = arith.muli %mul3A_119, %shift_right_arithmetic3A_116 : i32
      %sub3A_121 = arith.constant 1016 : i32
      %sub3A_122 = arith.subi %sub3A_121, %mul3A_120 : i32
      %mul3A_123 = arith.constant 8 : i32
      %mul3A_124 = arith.muli %mul3A_123, %and3A_118 : i32
      %mul3A_125 = arith.constant 128 : i32
      %mul3A_126 = arith.muli %mul3A_125, %mul3A_124 : i32
      %add3A_127 = arith.addi %sub3A_122, %mul3A_126 : i32
      %mul3A_128 = arith.constant 256 : i32
      %mul3A_129 = arith.muli %shift_right_arithmetic3A_1, %mul3A_128 : i32
      %jit3A = arith.constant 8 : i32
      %div3A = arith.divsi %mul3A_4, %jit3A : i32
      %sign3A = arith.constant 0 : i32
      %sign3A_130 = arith.cmpi sgt, %mul3A_4, %sign3A : i32
      %sign3A_131 = arith.extui %sign3A_130 : i1 to i32
      %sign3A_132 = arith.constant 0 : i32
      %sign3A_133 = arith.cmpi slt, %mul3A_4, %sign3A_132 : i32
      %sign3A_134 = arith.extui %sign3A_133 : i1 to i32
      %sign3A_135 = arith.subi %sign3A_131, %sign3A_134 : i32
      %sign3A_136 = arith.constant 0 : i32
      %sign3A_137 = arith.cmpi sgt, %jit3A, %sign3A_136 : i32
      %sign3A_138 = arith.extui %sign3A_137 : i1 to i32
      %sign3A_139 = arith.constant 0 : i32
      %sign3A_140 = arith.cmpi slt, %jit3A, %sign3A_139 : i32
      %sign3A_141 = arith.extui %sign3A_140 : i1 to i32
      %sign3A_142 = arith.subi %sign3A_138, %sign3A_141 : i32
      %ne3A = arith.cmpi ne, %sign3A_135, %sign3A_142 : i32
      %rem3A = arith.remsi %mul3A_4, %jit3A : i32
      %ne3A_143 = arith.constant 0 : i32
      %ne3A_144 = arith.cmpi ne, %rem3A, %ne3A_143 : i32
      %and3A_145 = arith.andi %ne3A, %ne3A_144 : i1
      %sub3A_146 = arith.constant 1 : i32
      %sub3A_147 = arith.subi %div3A, %sub3A_146 : i32
      %select_n3A = arith.select %and3A_145, %sub3A_147, %div3A : i32
      %add3A_148 = arith.addi %select_n3A, %shift_right_arithmetic3A_116 : i32
      %add3A_149 = arith.addi %mul3A_129, %add3A_148 : i32
      %mul3A_150 = arith.constant 16384 : i32
      %mul3A_151 = arith.muli %add3A_149, %mul3A_150 : i32
      %mul3A_152 = arith.constant 8 : i32
      %mul3A_153 = arith.muli %mul3A_152, %and3A_118 : i32
      %mul3A_154 = arith.constant 1024 : i32
      %mul3A_155 = arith.muli %mul3A_153, %mul3A_154 : i32
      %add3A_156 = arith.addi %mul3A_151, %mul3A_155 : i32
      %add3A_157 = arith.constant 256 : i32
      %add3A_158 = arith.addi %add3A_156, %add3A_157 : i32
      %add3A_159 = arith.constant 6144 : i32
      %add3A_160 = arith.addi %add3A_159, %add3A_127 : i32
      %add3A_161 = arith.constant 0 : i32
      %add3A_162 = arith.addi %add3A_160, %add3A_161 : i32
      %multiple_of3A = tpu.assume_multiple %add3A_162, 8 : i32
      %add3A_163 = arith.constant 0 : i32
      %add3A_164 = arith.addi %add3A_158, %add3A_163 : i32
      %multiple_of3A_165 = tpu.assume_multiple %add3A_164, 128 : i32
      %dma_start3A = tpu.memref_slice %arg7[%multiple_of3A] : memref<24576xf32, #tpu.memory_space<vmem>> -> memref<128xf32, #tpu.memory_space<vmem>>
      %dma_start3A_166 = tpu.memref_slice %arg4[%multiple_of3A_165] : memref<67108864xf32, #tpu.memory_space<hbm>> -> memref<128xf32, #tpu.memory_space<hbm>>
      %dma_start3A_167 = tpu.memref_slice %arg4[%multiple_of3A_165] : memref<67108864xf32, #tpu.memory_space<hbm>> -> memref<128xf32, #tpu.memory_space<hbm>>
      %dma_start3A_168 = tpu.memref_slice %arg7[%multiple_of3A] : memref<24576xf32, #tpu.memory_space<vmem>> -> memref<128xf32, #tpu.memory_space<vmem>>
      tpu.enqueue_dma source(%dma_start3A_168 : memref<128xf32, #tpu.memory_space<vmem>>) target(%dma_start3A_167 : memref<128xf32, #tpu.memory_space<hbm>>) target_semaphore(%arg8 : memref<!tpu.dma_semaphore, #tpu.memory_space<semaphore_mem>>)
      %add3A_169 = arith.constant 6144 : i32
      %add3A_170 = arith.addi %add3A_169, %add3A_127 : i32
      %add3A_171 = arith.constant 128 : i32
      %add3A_172 = arith.addi %add3A_170, %add3A_171 : i32
      %multiple_of3A_173 = tpu.assume_multiple %add3A_172, 8 : i32
      %add3A_174 = arith.constant 1024 : i32
      %add3A_175 = arith.addi %add3A_158, %add3A_174 : i32
      %multiple_of3A_176 = tpu.assume_multiple %add3A_175, 128 : i32
      %dma_start3A_177 = tpu.memref_slice %arg7[%multiple_of3A_173] : memref<24576xf32, #tpu.memory_space<vmem>> -> memref<128xf32, #tpu.memory_space<vmem>>
      %dma_start3A_178 = tpu.memref_slice %arg4[%multiple_of3A_176] : memref<67108864xf32, #tpu.memory_space<hbm>> -> memref<128xf32, #tpu.memory_space<hbm>>
      %dma_start3A_179 = tpu.memref_slice %arg4[%multiple_of3A_176] : memref<67108864xf32, #tpu.memory_space<hbm>> -> memref<128xf32, #tpu.memory_space<hbm>>
      %dma_start3A_180 = tpu.memref_slice %arg7[%multiple_of3A_173] : memref<24576xf32, #tpu.memory_space<vmem>> -> memref<128xf32, #tpu.memory_space<vmem>>
      tpu.enqueue_dma source(%dma_start3A_180 : memref<128xf32, #tpu.memory_space<vmem>>) target(%dma_start3A_179 : memref<128xf32, #tpu.memory_space<hbm>>) target_semaphore(%arg8 : memref<!tpu.dma_semaphore, #tpu.memory_space<semaphore_mem>>)
      %add3A_181 = arith.constant 6144 : i32
      %add3A_182 = arith.addi %add3A_181, %add3A_127 : i32
      %add3A_183 = arith.constant 256 : i32
      %add3A_184 = arith.addi %add3A_182, %add3A_183 : i32
      %multiple_of3A_185 = tpu.assume_multiple %add3A_184, 8 : i32
      %add3A_186 = arith.constant 2048 : i32
      %add3A_187 = arith.addi %add3A_158, %add3A_186 : i32
      %multiple_of3A_188 = tpu.assume_multiple %add3A_187, 128 : i32
      %dma_start3A_189 = tpu.memref_slice %arg7[%multiple_of3A_185] : memref<24576xf32, #tpu.memory_space<vmem>> -> memref<128xf32, #tpu.memory_space<vmem>>
      %dma_start3A_190 = tpu.memref_slice %arg4[%multiple_of3A_188] : memref<67108864xf32, #tpu.memory_space<hbm>> -> memref<128xf32, #tpu.memory_space<hbm>>
      %dma_start3A_191 = tpu.memref_slice %arg4[%multiple_of3A_188] : memref<67108864xf32, #tpu.memory_space<hbm>> -> memref<128xf32, #tpu.memory_space<hbm>>
      %dma_start3A_192 = tpu.memref_slice %arg7[%multiple_of3A_185] : memref<24576xf32, #tpu.memory_space<vmem>> -> memref<128xf32, #tpu.memory_space<vmem>>
      tpu.enqueue_dma source(%dma_start3A_192 : memref<128xf32, #tpu.memory_space<vmem>>) target(%dma_start3A_191 : memref<128xf32, #tpu.memory_space<hbm>>) target_semaphore(%arg8 : memref<!tpu.dma_semaphore, #tpu.memory_space<semaphore_mem>>)
      %add3A_193 = arith.constant 6144 : i32
      %add3A_194 = arith.addi %add3A_193, %add3A_127 : i32
      %add3A_195 = arith.constant 384 : i32
      %add3A_196 = arith.addi %add3A_194, %add3A_195 : i32
      %multiple_of3A_197 = tpu.assume_multiple %add3A_196, 8 : i32
      %add3A_198 = arith.constant 3072 : i32
      %add3A_199 = arith.addi %add3A_158, %add3A_198 : i32
      %multiple_of3A_200 = tpu.assume_multiple %add3A_199, 128 : i32
      %dma_start3A_201 = tpu.memref_slice %arg7[%multiple_of3A_197] : memref<24576xf32, #tpu.memory_space<vmem>> -> memref<128xf32, #tpu.memory_space<vmem>>
      %dma_start3A_202 = tpu.memref_slice %arg4[%multiple_of3A_200] : memref<67108864xf32, #tpu.memory_space<hbm>> -> memref<128xf32, #tpu.memory_space<hbm>>
      %dma_start3A_203 = tpu.memref_slice %arg4[%multiple_of3A_200] : memref<67108864xf32, #tpu.memory_space<hbm>> -> memref<128xf32, #tpu.memory_space<hbm>>
      %dma_start3A_204 = tpu.memref_slice %arg7[%multiple_of3A_197] : memref<24576xf32, #tpu.memory_space<vmem>> -> memref<128xf32, #tpu.memory_space<vmem>>
      tpu.enqueue_dma source(%dma_start3A_204 : memref<128xf32, #tpu.memory_space<vmem>>) target(%dma_start3A_203 : memref<128xf32, #tpu.memory_space<hbm>>) target_semaphore(%arg8 : memref<!tpu.dma_semaphore, #tpu.memory_space<semaphore_mem>>)
      %add3A_205 = arith.constant 6144 : i32
      %add3A_206 = arith.addi %add3A_205, %add3A_127 : i32
      %add3A_207 = arith.constant 512 : i32
      %add3A_208 = arith.addi %add3A_206, %add3A_207 : i32
      %multiple_of3A_209 = tpu.assume_multiple %add3A_208, 8 : i32
      %add3A_210 = arith.constant 4096 : i32
      %add3A_211 = arith.addi %add3A_158, %add3A_210 : i32
      %multiple_of3A_212 = tpu.assume_multiple %add3A_211, 128 : i32
      %dma_start3A_213 = tpu.memref_slice %arg7[%multiple_of3A_209] : memref<24576xf32, #tpu.memory_space<vmem>> -> memref<128xf32, #tpu.memory_space<vmem>>
      %dma_start3A_214 = tpu.memref_slice %arg4[%multiple_of3A_212] : memref<67108864xf32, #tpu.memory_space<hbm>> -> memref<128xf32, #tpu.memory_space<hbm>>
      %dma_start3A_215 = tpu.memref_slice %arg4[%multiple_of3A_212] : memref<67108864xf32, #tpu.memory_space<hbm>> -> memref<128xf32, #tpu.memory_space<hbm>>
      %dma_start3A_216 = tpu.memref_slice %arg7[%multiple_of3A_209] : memref<24576xf32, #tpu.memory_space<vmem>> -> memref<128xf32, #tpu.memory_space<vmem>>
      tpu.enqueue_dma source(%dma_start3A_216 : memref<128xf32, #tpu.memory_space<vmem>>) target(%dma_start3A_215 : memref<128xf32, #tpu.memory_space<hbm>>) target_semaphore(%arg8 : memref<!tpu.dma_semaphore, #tpu.memory_space<semaphore_mem>>)
      %add3A_217 = arith.constant 6144 : i32
      %add3A_218 = arith.addi %add3A_217, %add3A_127 : i32
      %add3A_219 = arith.constant 640 : i32
      %add3A_220 = arith.addi %add3A_218, %add3A_219 : i32
      %multiple_of3A_221 = tpu.assume_multiple %add3A_220, 8 : i32
      %add3A_222 = arith.constant 5120 : i32
      %add3A_223 = arith.addi %add3A_158, %add3A_222 : i32
      %multiple_of3A_224 = tpu.assume_multiple %add3A_223, 128 : i32
      %dma_start3A_225 = tpu.memref_slice %arg7[%multiple_of3A_221] : memref<24576xf32, #tpu.memory_space<vmem>> -> memref<128xf32, #tpu.memory_space<vmem>>
      %dma_start3A_226 = tpu.memref_slice %arg4[%multiple_of3A_224] : memref<67108864xf32, #tpu.memory_space<hbm>> -> memref<128xf32, #tpu.memory_space<hbm>>
      %dma_start3A_227 = tpu.memref_slice %arg4[%multiple_of3A_224] : memref<67108864xf32, #tpu.memory_space<hbm>> -> memref<128xf32, #tpu.memory_space<hbm>>
      %dma_start3A_228 = tpu.memref_slice %arg7[%multiple_of3A_221] : memref<24576xf32, #tpu.memory_space<vmem>> -> memref<128xf32, #tpu.memory_space<vmem>>
      tpu.enqueue_dma source(%dma_start3A_228 : memref<128xf32, #tpu.memory_space<vmem>>) target(%dma_start3A_227 : memref<128xf32, #tpu.memory_space<hbm>>) target_semaphore(%arg8 : memref<!tpu.dma_semaphore, #tpu.memory_space<semaphore_mem>>)
      %add3A_229 = arith.constant 6144 : i32
      %add3A_230 = arith.addi %add3A_229, %add3A_127 : i32
      %add3A_231 = arith.constant 768 : i32
      %add3A_232 = arith.addi %add3A_230, %add3A_231 : i32
      %multiple_of3A_233 = tpu.assume_multiple %add3A_232, 8 : i32
      %add3A_234 = arith.constant 6144 : i32
      %add3A_235 = arith.addi %add3A_158, %add3A_234 : i32
      %multiple_of3A_236 = tpu.assume_multiple %add3A_235, 128 : i32
      %dma_start3A_237 = tpu.memref_slice %arg7[%multiple_of3A_233] : memref<24576xf32, #tpu.memory_space<vmem>> -> memref<128xf32, #tpu.memory_space<vmem>>
      %dma_start3A_238 = tpu.memref_slice %arg4[%multiple_of3A_236] : memref<67108864xf32, #tpu.memory_space<hbm>> -> memref<128xf32, #tpu.memory_space<hbm>>
      %dma_start3A_239 = tpu.memref_slice %arg4[%multiple_of3A_236] : memref<67108864xf32, #tpu.memory_space<hbm>> -> memref<128xf32, #tpu.memory_space<hbm>>
      %dma_start3A_240 = tpu.memref_slice %arg7[%multiple_of3A_233] : memref<24576xf32, #tpu.memory_space<vmem>> -> memref<128xf32, #tpu.memory_space<vmem>>
      tpu.enqueue_dma source(%dma_start3A_240 : memref<128xf32, #tpu.memory_space<vmem>>) target(%dma_start3A_239 : memref<128xf32, #tpu.memory_space<hbm>>) target_semaphore(%arg8 : memref<!tpu.dma_semaphore, #tpu.memory_space<semaphore_mem>>)
      %add3A_241 = arith.constant 6144 : i32
      %add3A_242 = arith.addi %add3A_241, %add3A_127 : i32
      %add3A_243 = arith.constant 896 : i32
      %add3A_244 = arith.addi %add3A_242, %add3A_243 : i32
      %multiple_of3A_245 = tpu.assume_multiple %add3A_244, 8 : i32
      %add3A_246 = arith.constant 7168 : i32
      %add3A_247 = arith.addi %add3A_158, %add3A_246 : i32
      %multiple_of3A_248 = tpu.assume_multiple %add3A_247, 128 : i32
      %dma_start3A_249 = tpu.memref_slice %arg7[%multiple_of3A_245] : memref<24576xf32, #tpu.memory_space<vmem>> -> memref<128xf32, #tpu.memory_space<vmem>>
      %dma_start3A_250 = tpu.memref_slice %arg4[%multiple_of3A_248] : memref<67108864xf32, #tpu.memory_space<hbm>> -> memref<128xf32, #tpu.memory_space<hbm>>
      %dma_start3A_251 = tpu.memref_slice %arg4[%multiple_of3A_248] : memref<67108864xf32, #tpu.memory_space<hbm>> -> memref<128xf32, #tpu.memory_space<hbm>>
      %dma_start3A_252 = tpu.memref_slice %arg7[%multiple_of3A_245] : memref<24576xf32, #tpu.memory_space<vmem>> -> memref<128xf32, #tpu.memory_space<vmem>>
      tpu.enqueue_dma source(%dma_start3A_252 : memref<128xf32, #tpu.memory_space<vmem>>) target(%dma_start3A_251 : memref<128xf32, #tpu.memory_space<hbm>>) target_semaphore(%arg8 : memref<!tpu.dma_semaphore, #tpu.memory_space<semaphore_mem>>)
      %add3A_253 = arith.constant 512 : i32
      %add3A_254 = arith.addi %add3A_253, %scan3A_114 : i32
      %ge3A = arith.constant 128 : i32
      %ge3A_255 = arith.cmpi sge, %add3A_254, %ge3A : i32
      %and3A_256 = arith.constant 3 : i32
      %and3A_257 = arith.andi %add3A_254, %and3A_256 : i32
      %eq3A = arith.constant 3 : i32
      %eq3A_258 = arith.cmpi eq, %and3A_257, %eq3A : i32
      %and3A_259 = arith.andi %ge3A_255, %eq3A_258 : i1
      %convert_element_type3A = arith.extui %and3A_259 : i1 to i32
      %cond3A = arith.constant 0 : i32
      %cond3A_260 = arith.cmpi ne, %convert_element_type3A, %cond3A : i32
      scf.if %cond3A_260 {
        %mul3A_261 = arith.constant 2048 : i32
        %mul3A_262 = arith.muli %mul3A_4, %mul3A_261 : i32
        %dma_wait3A = arith.constant 0 : i32
        %dma_wait3A_263 = tpu.memref_slice %arg7[%dma_wait3A] : memref<24576xf32, #tpu.memory_space<vmem>> -> memref<4096xf32, #tpu.memory_space<vmem>>
        %dma_wait3A_264 = tpu.memref_slice %arg4[%mul3A_262] : memref<67108864xf32, #tpu.memory_space<hbm>> -> memref<4096xf32, #tpu.memory_space<hbm>>
        %dma_wait3A_265 = tpu.memref_slice %arg4[%mul3A_262] : memref<67108864xf32, #tpu.memory_space<hbm>> -> memref<4096xf32, #tpu.memory_space<hbm>>
        %dma_wait3A_266 = arith.constant 0 : i32
        %dma_wait3A_267 = tpu.memref_slice %arg7[%dma_wait3A_266] : memref<24576xf32, #tpu.memory_space<vmem>> -> memref<4096xf32, #tpu.memory_space<vmem>>
        tpu.wait_dma2 semaphore(%arg8 : memref<!tpu.dma_semaphore, #tpu.memory_space<semaphore_mem>>) src(%dma_wait3A_267 : memref<4096xf32, #tpu.memory_space<vmem>>) dst(%dma_wait3A_265 : memref<4096xf32, #tpu.memory_space<hbm>>)
      } else {
      }
    }
    %scan3A_47 = arith.constant 256 : i32
    %scan3A_48 = arith.constant 0 : i32
    %scan3A_49 = arith.constant 0 : i32
    %scan3A_50 = arith.constant 192 : i32
    %scan3A_51 = arith.addi %scan3A_49, %scan3A_50 : i32
    %scan3A_52 = arith.constant 1 : i32
    scf.for %scan3A_114 = %scan3A_49 to %scan3A_51 step %scan3A_52  : i32 {
      %mul3A_115 = arith.constant 16 : i32
      %mul3A_116 = arith.muli %scan3A_114, %mul3A_115 : i32
      %add3A_117 = vector.broadcast %mul3A_116 : i32 to vector<16xi32>
      %add3A_118 = arith.addi %add3A_117, %iota3A : vector<16xi32>
      %add3A_119 = arith.constant 4 : i32
      %add3A_120 = vector.broadcast %add3A_119 : i32 to vector<16xi32>
      %add3A_121 = arith.addi %add3A_12, %add3A_120 : vector<16xi32>
      %add3A_122 = arith.addi %add3A_118, %add3A_121 : vector<16xi32>
      %jit3A = arith.constant 0 : i32
      %jit3A_123 = arith.constant 254 : i32
      %max3A = vector.broadcast %jit3A : i32 to vector<16xi32>
      %max3A_124 = arith.maxsi %max3A, %add3A_122 : vector<16xi32>
      %min3A = vector.broadcast %jit3A_123 : i32 to vector<16xi32>
      %min3A_125 = arith.minsi %min3A, %max3A_124 : vector<16xi32>
      %mul3A_126 = arith.constant 16 : i32
      %mul3A_127 = vector.broadcast %mul3A_126 : i32 to vector<16xi32>
      %mul3A_128 = arith.muli %min3A_125, %mul3A_127 : vector<16xi32>
      %add3A_129 = arith.addi %mul3A_128, %broadcast_in_dim3A : vector<16xi32>
      %gather3A = tpu.vector_load_idx %arg5[%add3A_129] : memref<4080xf32, #tpu.memory_space<vmem>>[vector<16xi32>], vector<16xf32>,
      %mul3A_130 = arith.constant 16 : i32
      %mul3A_131 = arith.muli %scan3A_114, %mul3A_130 : i32
      %add3A_132 = arith.constant 9216 : i32
      %add3A_133 = arith.addi %add3A_132, %mul3A_131 : i32
      %swap3A = arith.index_cast %add3A_133 : i32 to index
      %swap3A_134 = tpu.vector_load %arg7[%swap3A] {strides = array<i32>} : memref<24576xf32, #tpu.memory_space<vmem>>, vector<16xf32>,
      tpu.vector_store %arg7[%swap3A], %gather3A {strides = array<i32>} : memref<24576xf32, #tpu.memory_space<vmem>>, vector<16xf32>,
    }
    %scan3A_53 = arith.constant 192 : i32
    %scan3A_54 = arith.constant 0 : i32
    %scan3A_55 = arith.constant 0 : i32
    %scan3A_56 = arith.constant 256 : i32
    %scan3A_57 = arith.addi %scan3A_55, %scan3A_56 : i32
    %scan3A_58 = arith.constant 1 : i32
    scf.for %scan3A_114 = %scan3A_55 to %scan3A_57 step %scan3A_58  : i32 {
      %shift_right_arithmetic3A_115 = arith.constant 1 : i32
      %shift_right_arithmetic3A_116 = arith.shrsi %scan3A_114, %shift_right_arithmetic3A_115 : i32
      %and3A_117 = arith.constant 1 : i32
      %and3A_118 = arith.andi %scan3A_114, %and3A_117 : i32
      %mul3A_119 = arith.constant 8 : i32
      %mul3A_120 = arith.muli %mul3A_119, %shift_right_arithmetic3A_116 : i32
      %sub3A_121 = arith.constant 1016 : i32
      %sub3A_122 = arith.subi %sub3A_121, %mul3A_120 : i32
      %mul3A_123 = arith.constant 8 : i32
      %mul3A_124 = arith.muli %mul3A_123, %and3A_118 : i32
      %mul3A_125 = arith.constant 128 : i32
      %mul3A_126 = arith.muli %mul3A_125, %mul3A_124 : i32
      %add3A_127 = arith.addi %sub3A_122, %mul3A_126 : i32
      %mul3A_128 = arith.constant 256 : i32
      %mul3A_129 = arith.muli %shift_right_arithmetic3A_1, %mul3A_128 : i32
      %jit3A = arith.constant 8 : i32
      %div3A = arith.divsi %mul3A_4, %jit3A : i32
      %sign3A = arith.constant 0 : i32
      %sign3A_130 = arith.cmpi sgt, %mul3A_4, %sign3A : i32
      %sign3A_131 = arith.extui %sign3A_130 : i1 to i32
      %sign3A_132 = arith.constant 0 : i32
      %sign3A_133 = arith.cmpi slt, %mul3A_4, %sign3A_132 : i32
      %sign3A_134 = arith.extui %sign3A_133 : i1 to i32
      %sign3A_135 = arith.subi %sign3A_131, %sign3A_134 : i32
      %sign3A_136 = arith.constant 0 : i32
      %sign3A_137 = arith.cmpi sgt, %jit3A, %sign3A_136 : i32
      %sign3A_138 = arith.extui %sign3A_137 : i1 to i32
      %sign3A_139 = arith.constant 0 : i32
      %sign3A_140 = arith.cmpi slt, %jit3A, %sign3A_139 : i32
      %sign3A_141 = arith.extui %sign3A_140 : i1 to i32
      %sign3A_142 = arith.subi %sign3A_138, %sign3A_141 : i32
      %ne3A = arith.cmpi ne, %sign3A_135, %sign3A_142 : i32
      %rem3A = arith.remsi %mul3A_4, %jit3A : i32
      %ne3A_143 = arith.constant 0 : i32
      %ne3A_144 = arith.cmpi ne, %rem3A, %ne3A_143 : i32
      %and3A_145 = arith.andi %ne3A, %ne3A_144 : i1
      %sub3A_146 = arith.constant 1 : i32
      %sub3A_147 = arith.subi %div3A, %sub3A_146 : i32
      %select_n3A = arith.select %and3A_145, %sub3A_147, %div3A : i32
      %add3A_148 = arith.addi %select_n3A, %shift_right_arithmetic3A_116 : i32
      %add3A_149 = arith.addi %mul3A_129, %add3A_148 : i32
      %mul3A_150 = arith.constant 16384 : i32
      %mul3A_151 = arith.muli %add3A_149, %mul3A_150 : i32
      %mul3A_152 = arith.constant 8 : i32
      %mul3A_153 = arith.muli %mul3A_152, %and3A_118 : i32
      %mul3A_154 = arith.constant 1024 : i32
      %mul3A_155 = arith.muli %mul3A_153, %mul3A_154 : i32
      %add3A_156 = arith.addi %mul3A_151, %mul3A_155 : i32
      %add3A_157 = arith.constant 384 : i32
      %add3A_158 = arith.addi %add3A_156, %add3A_157 : i32
      %add3A_159 = arith.constant 9216 : i32
      %add3A_160 = arith.addi %add3A_159, %add3A_127 : i32
      %add3A_161 = arith.constant 0 : i32
      %add3A_162 = arith.addi %add3A_160, %add3A_161 : i32
      %multiple_of3A = tpu.assume_multiple %add3A_162, 8 : i32
      %add3A_163 = arith.constant 0 : i32
      %add3A_164 = arith.addi %add3A_158, %add3A_163 : i32
      %multiple_of3A_165 = tpu.assume_multiple %add3A_164, 128 : i32
      %dma_start3A = tpu.memref_slice %arg7[%multiple_of3A] : memref<24576xf32, #tpu.memory_space<vmem>> -> memref<128xf32, #tpu.memory_space<vmem>>
      %dma_start3A_166 = tpu.memref_slice %arg4[%multiple_of3A_165] : memref<67108864xf32, #tpu.memory_space<hbm>> -> memref<128xf32, #tpu.memory_space<hbm>>
      %dma_start3A_167 = tpu.memref_slice %arg4[%multiple_of3A_165] : memref<67108864xf32, #tpu.memory_space<hbm>> -> memref<128xf32, #tpu.memory_space<hbm>>
      %dma_start3A_168 = tpu.memref_slice %arg7[%multiple_of3A] : memref<24576xf32, #tpu.memory_space<vmem>> -> memref<128xf32, #tpu.memory_space<vmem>>
      tpu.enqueue_dma source(%dma_start3A_168 : memref<128xf32, #tpu.memory_space<vmem>>) target(%dma_start3A_167 : memref<128xf32, #tpu.memory_space<hbm>>) target_semaphore(%arg8 : memref<!tpu.dma_semaphore, #tpu.memory_space<semaphore_mem>>)
      %add3A_169 = arith.constant 9216 : i32
      %add3A_170 = arith.addi %add3A_169, %add3A_127 : i32
      %add3A_171 = arith.constant 128 : i32
      %add3A_172 = arith.addi %add3A_170, %add3A_171 : i32
      %multiple_of3A_173 = tpu.assume_multiple %add3A_172, 8 : i32
      %add3A_174 = arith.constant 1024 : i32
      %add3A_175 = arith.addi %add3A_158, %add3A_174 : i32
      %multiple_of3A_176 = tpu.assume_multiple %add3A_175, 128 : i32
      %dma_start3A_177 = tpu.memref_slice %arg7[%multiple_of3A_173] : memref<24576xf32, #tpu.memory_space<vmem>> -> memref<128xf32, #tpu.memory_space<vmem>>
      %dma_start3A_178 = tpu.memref_slice %arg4[%multiple_of3A_176] : memref<67108864xf32, #tpu.memory_space<hbm>> -> memref<128xf32, #tpu.memory_space<hbm>>
      %dma_start3A_179 = tpu.memref_slice %arg4[%multiple_of3A_176] : memref<67108864xf32, #tpu.memory_space<hbm>> -> memref<128xf32, #tpu.memory_space<hbm>>
      %dma_start3A_180 = tpu.memref_slice %arg7[%multiple_of3A_173] : memref<24576xf32, #tpu.memory_space<vmem>> -> memref<128xf32, #tpu.memory_space<vmem>>
      tpu.enqueue_dma source(%dma_start3A_180 : memref<128xf32, #tpu.memory_space<vmem>>) target(%dma_start3A_179 : memref<128xf32, #tpu.memory_space<hbm>>) target_semaphore(%arg8 : memref<!tpu.dma_semaphore, #tpu.memory_space<semaphore_mem>>)
      %add3A_181 = arith.constant 9216 : i32
      %add3A_182 = arith.addi %add3A_181, %add3A_127 : i32
      %add3A_183 = arith.constant 256 : i32
      %add3A_184 = arith.addi %add3A_182, %add3A_183 : i32
      %multiple_of3A_185 = tpu.assume_multiple %add3A_184, 8 : i32
      %add3A_186 = arith.constant 2048 : i32
      %add3A_187 = arith.addi %add3A_158, %add3A_186 : i32
      %multiple_of3A_188 = tpu.assume_multiple %add3A_187, 128 : i32
      %dma_start3A_189 = tpu.memref_slice %arg7[%multiple_of3A_185] : memref<24576xf32, #tpu.memory_space<vmem>> -> memref<128xf32, #tpu.memory_space<vmem>>
      %dma_start3A_190 = tpu.memref_slice %arg4[%multiple_of3A_188] : memref<67108864xf32, #tpu.memory_space<hbm>> -> memref<128xf32, #tpu.memory_space<hbm>>
      %dma_start3A_191 = tpu.memref_slice %arg4[%multiple_of3A_188] : memref<67108864xf32, #tpu.memory_space<hbm>> -> memref<128xf32, #tpu.memory_space<hbm>>
      %dma_start3A_192 = tpu.memref_slice %arg7[%multiple_of3A_185] : memref<24576xf32, #tpu.memory_space<vmem>> -> memref<128xf32, #tpu.memory_space<vmem>>
      tpu.enqueue_dma source(%dma_start3A_192 : memref<128xf32, #tpu.memory_space<vmem>>) target(%dma_start3A_191 : memref<128xf32, #tpu.memory_space<hbm>>) target_semaphore(%arg8 : memref<!tpu.dma_semaphore, #tpu.memory_space<semaphore_mem>>)
      %add3A_193 = arith.constant 9216 : i32
      %add3A_194 = arith.addi %add3A_193, %add3A_127 : i32
      %add3A_195 = arith.constant 384 : i32
      %add3A_196 = arith.addi %add3A_194, %add3A_195 : i32
      %multiple_of3A_197 = tpu.assume_multiple %add3A_196, 8 : i32
      %add3A_198 = arith.constant 3072 : i32
      %add3A_199 = arith.addi %add3A_158, %add3A_198 : i32
      %multiple_of3A_200 = tpu.assume_multiple %add3A_199, 128 : i32
      %dma_start3A_201 = tpu.memref_slice %arg7[%multiple_of3A_197] : memref<24576xf32, #tpu.memory_space<vmem>> -> memref<128xf32, #tpu.memory_space<vmem>>
      %dma_start3A_202 = tpu.memref_slice %arg4[%multiple_of3A_200] : memref<67108864xf32, #tpu.memory_space<hbm>> -> memref<128xf32, #tpu.memory_space<hbm>>
      %dma_start3A_203 = tpu.memref_slice %arg4[%multiple_of3A_200] : memref<67108864xf32, #tpu.memory_space<hbm>> -> memref<128xf32, #tpu.memory_space<hbm>>
      %dma_start3A_204 = tpu.memref_slice %arg7[%multiple_of3A_197] : memref<24576xf32, #tpu.memory_space<vmem>> -> memref<128xf32, #tpu.memory_space<vmem>>
      tpu.enqueue_dma source(%dma_start3A_204 : memref<128xf32, #tpu.memory_space<vmem>>) target(%dma_start3A_203 : memref<128xf32, #tpu.memory_space<hbm>>) target_semaphore(%arg8 : memref<!tpu.dma_semaphore, #tpu.memory_space<semaphore_mem>>)
      %add3A_205 = arith.constant 9216 : i32
      %add3A_206 = arith.addi %add3A_205, %add3A_127 : i32
      %add3A_207 = arith.constant 512 : i32
      %add3A_208 = arith.addi %add3A_206, %add3A_207 : i32
      %multiple_of3A_209 = tpu.assume_multiple %add3A_208, 8 : i32
      %add3A_210 = arith.constant 4096 : i32
      %add3A_211 = arith.addi %add3A_158, %add3A_210 : i32
      %multiple_of3A_212 = tpu.assume_multiple %add3A_211, 128 : i32
      %dma_start3A_213 = tpu.memref_slice %arg7[%multiple_of3A_209] : memref<24576xf32, #tpu.memory_space<vmem>> -> memref<128xf32, #tpu.memory_space<vmem>>
      %dma_start3A_214 = tpu.memref_slice %arg4[%multiple_of3A_212] : memref<67108864xf32, #tpu.memory_space<hbm>> -> memref<128xf32, #tpu.memory_space<hbm>>
      %dma_start3A_215 = tpu.memref_slice %arg4[%multiple_of3A_212] : memref<67108864xf32, #tpu.memory_space<hbm>> -> memref<128xf32, #tpu.memory_space<hbm>>
      %dma_start3A_216 = tpu.memref_slice %arg7[%multiple_of3A_209] : memref<24576xf32, #tpu.memory_space<vmem>> -> memref<128xf32, #tpu.memory_space<vmem>>
      tpu.enqueue_dma source(%dma_start3A_216 : memref<128xf32, #tpu.memory_space<vmem>>) target(%dma_start3A_215 : memref<128xf32, #tpu.memory_space<hbm>>) target_semaphore(%arg8 : memref<!tpu.dma_semaphore, #tpu.memory_space<semaphore_mem>>)
      %add3A_217 = arith.constant 9216 : i32
      %add3A_218 = arith.addi %add3A_217, %add3A_127 : i32
      %add3A_219 = arith.constant 640 : i32
      %add3A_220 = arith.addi %add3A_218, %add3A_219 : i32
      %multiple_of3A_221 = tpu.assume_multiple %add3A_220, 8 : i32
      %add3A_222 = arith.constant 5120 : i32
      %add3A_223 = arith.addi %add3A_158, %add3A_222 : i32
      %multiple_of3A_224 = tpu.assume_multiple %add3A_223, 128 : i32
      %dma_start3A_225 = tpu.memref_slice %arg7[%multiple_of3A_221] : memref<24576xf32, #tpu.memory_space<vmem>> -> memref<128xf32, #tpu.memory_space<vmem>>
      %dma_start3A_226 = tpu.memref_slice %arg4[%multiple_of3A_224] : memref<67108864xf32, #tpu.memory_space<hbm>> -> memref<128xf32, #tpu.memory_space<hbm>>
      %dma_start3A_227 = tpu.memref_slice %arg4[%multiple_of3A_224] : memref<67108864xf32, #tpu.memory_space<hbm>> -> memref<128xf32, #tpu.memory_space<hbm>>
      %dma_start3A_228 = tpu.memref_slice %arg7[%multiple_of3A_221] : memref<24576xf32, #tpu.memory_space<vmem>> -> memref<128xf32, #tpu.memory_space<vmem>>
      tpu.enqueue_dma source(%dma_start3A_228 : memref<128xf32, #tpu.memory_space<vmem>>) target(%dma_start3A_227 : memref<128xf32, #tpu.memory_space<hbm>>) target_semaphore(%arg8 : memref<!tpu.dma_semaphore, #tpu.memory_space<semaphore_mem>>)
      %add3A_229 = arith.constant 9216 : i32
      %add3A_230 = arith.addi %add3A_229, %add3A_127 : i32
      %add3A_231 = arith.constant 768 : i32
      %add3A_232 = arith.addi %add3A_230, %add3A_231 : i32
      %multiple_of3A_233 = tpu.assume_multiple %add3A_232, 8 : i32
      %add3A_234 = arith.constant 6144 : i32
      %add3A_235 = arith.addi %add3A_158, %add3A_234 : i32
      %multiple_of3A_236 = tpu.assume_multiple %add3A_235, 128 : i32
      %dma_start3A_237 = tpu.memref_slice %arg7[%multiple_of3A_233] : memref<24576xf32, #tpu.memory_space<vmem>> -> memref<128xf32, #tpu.memory_space<vmem>>
      %dma_start3A_238 = tpu.memref_slice %arg4[%multiple_of3A_236] : memref<67108864xf32, #tpu.memory_space<hbm>> -> memref<128xf32, #tpu.memory_space<hbm>>
      %dma_start3A_239 = tpu.memref_slice %arg4[%multiple_of3A_236] : memref<67108864xf32, #tpu.memory_space<hbm>> -> memref<128xf32, #tpu.memory_space<hbm>>
      %dma_start3A_240 = tpu.memref_slice %arg7[%multiple_of3A_233] : memref<24576xf32, #tpu.memory_space<vmem>> -> memref<128xf32, #tpu.memory_space<vmem>>
      tpu.enqueue_dma source(%dma_start3A_240 : memref<128xf32, #tpu.memory_space<vmem>>) target(%dma_start3A_239 : memref<128xf32, #tpu.memory_space<hbm>>) target_semaphore(%arg8 : memref<!tpu.dma_semaphore, #tpu.memory_space<semaphore_mem>>)
      %add3A_241 = arith.constant 9216 : i32
      %add3A_242 = arith.addi %add3A_241, %add3A_127 : i32
      %add3A_243 = arith.constant 896 : i32
      %add3A_244 = arith.addi %add3A_242, %add3A_243 : i32
      %multiple_of3A_245 = tpu.assume_multiple %add3A_244, 8 : i32
      %add3A_246 = arith.constant 7168 : i32
      %add3A_247 = arith.addi %add3A_158, %add3A_246 : i32
      %multiple_of3A_248 = tpu.assume_multiple %add3A_247, 128 : i32
      %dma_start3A_249 = tpu.memref_slice %arg7[%multiple_of3A_245] : memref<24576xf32, #tpu.memory_space<vmem>> -> memref<128xf32, #tpu.memory_space<vmem>>
      %dma_start3A_250 = tpu.memref_slice %arg4[%multiple_of3A_248] : memref<67108864xf32, #tpu.memory_space<hbm>> -> memref<128xf32, #tpu.memory_space<hbm>>
      %dma_start3A_251 = tpu.memref_slice %arg4[%multiple_of3A_248] : memref<67108864xf32, #tpu.memory_space<hbm>> -> memref<128xf32, #tpu.memory_space<hbm>>
      %dma_start3A_252 = tpu.memref_slice %arg7[%multiple_of3A_245] : memref<24576xf32, #tpu.memory_space<vmem>> -> memref<128xf32, #tpu.memory_space<vmem>>
      tpu.enqueue_dma source(%dma_start3A_252 : memref<128xf32, #tpu.memory_space<vmem>>) target(%dma_start3A_251 : memref<128xf32, #tpu.memory_space<hbm>>) target_semaphore(%arg8 : memref<!tpu.dma_semaphore, #tpu.memory_space<semaphore_mem>>)
      %add3A_253 = arith.constant 768 : i32
      %add3A_254 = arith.addi %add3A_253, %scan3A_114 : i32
      %ge3A = arith.constant 128 : i32
      %ge3A_255 = arith.cmpi sge, %add3A_254, %ge3A : i32
      %and3A_256 = arith.constant 3 : i32
      %and3A_257 = arith.andi %add3A_254, %and3A_256 : i32
      %eq3A = arith.constant 3 : i32
      %eq3A_258 = arith.cmpi eq, %and3A_257, %eq3A : i32
      %and3A_259 = arith.andi %ge3A_255, %eq3A_258 : i1
      %convert_element_type3A = arith.extui %and3A_259 : i1 to i32
      %cond3A = arith.constant 0 : i32
      %cond3A_260 = arith.cmpi ne, %convert_element_type3A, %cond3A : i32
      scf.if %cond3A_260 {
        %mul3A_261 = arith.constant 2048 : i32
        %mul3A_262 = arith.muli %mul3A_4, %mul3A_261 : i32
        %dma_wait3A = arith.constant 0 : i32
        %dma_wait3A_263 = tpu.memref_slice %arg7[%dma_wait3A] : memref<24576xf32, #tpu.memory_space<vmem>> -> memref<4096xf32, #tpu.memory_space<vmem>>
        %dma_wait3A_264 = tpu.memref_slice %arg4[%mul3A_262] : memref<67108864xf32, #tpu.memory_space<hbm>> -> memref<4096xf32, #tpu.memory_space<hbm>>
        %dma_wait3A_265 = tpu.memref_slice %arg4[%mul3A_262] : memref<67108864xf32, #tpu.memory_space<hbm>> -> memref<4096xf32, #tpu.memory_space<hbm>>
        %dma_wait3A_266 = arith.constant 0 : i32
        %dma_wait3A_267 = tpu.memref_slice %arg7[%dma_wait3A_266] : memref<24576xf32, #tpu.memory_space<vmem>> -> memref<4096xf32, #tpu.memory_space<vmem>>
        tpu.wait_dma2 semaphore(%arg8 : memref<!tpu.dma_semaphore, #tpu.memory_space<semaphore_mem>>) src(%dma_wait3A_267 : memref<4096xf32, #tpu.memory_space<vmem>>) dst(%dma_wait3A_265 : memref<4096xf32, #tpu.memory_space<hbm>>)
      } else {
      }
    }
    %scan3A_59 = arith.constant 256 : i32
    %scan3A_60 = arith.constant 0 : i32
    %scan3A_61 = arith.constant 0 : i32
    %scan3A_62 = arith.constant 192 : i32
    %scan3A_63 = arith.addi %scan3A_61, %scan3A_62 : i32
    %scan3A_64 = arith.constant 1 : i32
    scf.for %scan3A_114 = %scan3A_61 to %scan3A_63 step %scan3A_64  : i32 {
      %mul3A_115 = arith.constant 16 : i32
      %mul3A_116 = arith.muli %scan3A_114, %mul3A_115 : i32
      %add3A_117 = vector.broadcast %mul3A_116 : i32 to vector<16xi32>
      %add3A_118 = arith.addi %add3A_117, %iota3A : vector<16xi32>
      %add3A_119 = arith.constant 3 : i32
      %add3A_120 = vector.broadcast %add3A_119 : i32 to vector<16xi32>
      %add3A_121 = arith.addi %add3A_12, %add3A_120 : vector<16xi32>
      %add3A_122 = arith.addi %add3A_118, %add3A_121 : vector<16xi32>
      %jit3A = arith.constant 0 : i32
      %jit3A_123 = arith.constant 254 : i32
      %max3A = vector.broadcast %jit3A : i32 to vector<16xi32>
      %max3A_124 = arith.maxsi %max3A, %add3A_122 : vector<16xi32>
      %min3A = vector.broadcast %jit3A_123 : i32 to vector<16xi32>
      %min3A_125 = arith.minsi %min3A, %max3A_124 : vector<16xi32>
      %mul3A_126 = arith.constant 16 : i32
      %mul3A_127 = vector.broadcast %mul3A_126 : i32 to vector<16xi32>
      %mul3A_128 = arith.muli %min3A_125, %mul3A_127 : vector<16xi32>
      %add3A_129 = arith.addi %mul3A_128, %broadcast_in_dim3A : vector<16xi32>
      %gather3A = tpu.vector_load_idx %arg5[%add3A_129] : memref<4080xf32, #tpu.memory_space<vmem>>[vector<16xi32>], vector<16xf32>,
      %mul3A_130 = arith.constant 16 : i32
      %mul3A_131 = arith.muli %scan3A_114, %mul3A_130 : i32
      %add3A_132 = arith.constant 12288 : i32
      %add3A_133 = arith.addi %add3A_132, %mul3A_131 : i32
      %swap3A = arith.index_cast %add3A_133 : i32 to index
      %swap3A_134 = tpu.vector_load %arg7[%swap3A] {strides = array<i32>} : memref<24576xf32, #tpu.memory_space<vmem>>, vector<16xf32>,
      tpu.vector_store %arg7[%swap3A], %gather3A {strides = array<i32>} : memref<24576xf32, #tpu.memory_space<vmem>>, vector<16xf32>,
    }
    %scan3A_65 = arith.constant 192 : i32
    %scan3A_66 = arith.constant 0 : i32
    %scan3A_67 = arith.constant 0 : i32
    %scan3A_68 = arith.constant 256 : i32
    %scan3A_69 = arith.addi %scan3A_67, %scan3A_68 : i32
    %scan3A_70 = arith.constant 1 : i32
    scf.for %scan3A_114 = %scan3A_67 to %scan3A_69 step %scan3A_70  : i32 {
      %shift_right_arithmetic3A_115 = arith.constant 1 : i32
      %shift_right_arithmetic3A_116 = arith.shrsi %scan3A_114, %shift_right_arithmetic3A_115 : i32
      %and3A_117 = arith.constant 1 : i32
      %and3A_118 = arith.andi %scan3A_114, %and3A_117 : i32
      %mul3A_119 = arith.constant 8 : i32
      %mul3A_120 = arith.muli %mul3A_119, %shift_right_arithmetic3A_116 : i32
      %sub3A_121 = arith.constant 1016 : i32
      %sub3A_122 = arith.subi %sub3A_121, %mul3A_120 : i32
      %mul3A_123 = arith.constant 8 : i32
      %mul3A_124 = arith.muli %mul3A_123, %and3A_118 : i32
      %mul3A_125 = arith.constant 128 : i32
      %mul3A_126 = arith.muli %mul3A_125, %mul3A_124 : i32
      %add3A_127 = arith.addi %sub3A_122, %mul3A_126 : i32
      %mul3A_128 = arith.constant 256 : i32
      %mul3A_129 = arith.muli %shift_right_arithmetic3A_1, %mul3A_128 : i32
      %jit3A = arith.constant 8 : i32
      %div3A = arith.divsi %mul3A_4, %jit3A : i32
      %sign3A = arith.constant 0 : i32
      %sign3A_130 = arith.cmpi sgt, %mul3A_4, %sign3A : i32
      %sign3A_131 = arith.extui %sign3A_130 : i1 to i32
      %sign3A_132 = arith.constant 0 : i32
      %sign3A_133 = arith.cmpi slt, %mul3A_4, %sign3A_132 : i32
      %sign3A_134 = arith.extui %sign3A_133 : i1 to i32
      %sign3A_135 = arith.subi %sign3A_131, %sign3A_134 : i32
      %sign3A_136 = arith.constant 0 : i32
      %sign3A_137 = arith.cmpi sgt, %jit3A, %sign3A_136 : i32
      %sign3A_138 = arith.extui %sign3A_137 : i1 to i32
      %sign3A_139 = arith.constant 0 : i32
      %sign3A_140 = arith.cmpi slt, %jit3A, %sign3A_139 : i32
      %sign3A_141 = arith.extui %sign3A_140 : i1 to i32
      %sign3A_142 = arith.subi %sign3A_138, %sign3A_141 : i32
      %ne3A = arith.cmpi ne, %sign3A_135, %sign3A_142 : i32
      %rem3A = arith.remsi %mul3A_4, %jit3A : i32
      %ne3A_143 = arith.constant 0 : i32
      %ne3A_144 = arith.cmpi ne, %rem3A, %ne3A_143 : i32
      %and3A_145 = arith.andi %ne3A, %ne3A_144 : i1
      %sub3A_146 = arith.constant 1 : i32
      %sub3A_147 = arith.subi %div3A, %sub3A_146 : i32
      %select_n3A = arith.select %and3A_145, %sub3A_147, %div3A : i32
      %add3A_148 = arith.addi %select_n3A, %shift_right_arithmetic3A_116 : i32
      %add3A_149 = arith.addi %mul3A_129, %add3A_148 : i32
      %mul3A_150 = arith.constant 16384 : i32
      %mul3A_151 = arith.muli %add3A_149, %mul3A_150 : i32
      %mul3A_152 = arith.constant 8 : i32
      %mul3A_153 = arith.muli %mul3A_152, %and3A_118 : i32
      %mul3A_154 = arith.constant 1024 : i32
      %mul3A_155 = arith.muli %mul3A_153, %mul3A_154 : i32
      %add3A_156 = arith.addi %mul3A_151, %mul3A_155 : i32
      %add3A_157 = arith.constant 512 : i32
      %add3A_158 = arith.addi %add3A_156, %add3A_157 : i32
      %add3A_159 = arith.constant 12288 : i32
      %add3A_160 = arith.addi %add3A_159, %add3A_127 : i32
      %add3A_161 = arith.constant 0 : i32
      %add3A_162 = arith.addi %add3A_160, %add3A_161 : i32
      %multiple_of3A = tpu.assume_multiple %add3A_162, 8 : i32
      %add3A_163 = arith.constant 0 : i32
      %add3A_164 = arith.addi %add3A_158, %add3A_163 : i32
      %multiple_of3A_165 = tpu.assume_multiple %add3A_164, 128 : i32
      %dma_start3A = tpu.memref_slice %arg7[%multiple_of3A] : memref<24576xf32, #tpu.memory_space<vmem>> -> memref<128xf32, #tpu.memory_space<vmem>>
      %dma_start3A_166 = tpu.memref_slice %arg4[%multiple_of3A_165] : memref<67108864xf32, #tpu.memory_space<hbm>> -> memref<128xf32, #tpu.memory_space<hbm>>
      %dma_start3A_167 = tpu.memref_slice %arg4[%multiple_of3A_165] : memref<67108864xf32, #tpu.memory_space<hbm>> -> memref<128xf32, #tpu.memory_space<hbm>>
      %dma_start3A_168 = tpu.memref_slice %arg7[%multiple_of3A] : memref<24576xf32, #tpu.memory_space<vmem>> -> memref<128xf32, #tpu.memory_space<vmem>>
      tpu.enqueue_dma source(%dma_start3A_168 : memref<128xf32, #tpu.memory_space<vmem>>) target(%dma_start3A_167 : memref<128xf32, #tpu.memory_space<hbm>>) target_semaphore(%arg8 : memref<!tpu.dma_semaphore, #tpu.memory_space<semaphore_mem>>)
      %add3A_169 = arith.constant 12288 : i32
      %add3A_170 = arith.addi %add3A_169, %add3A_127 : i32
      %add3A_171 = arith.constant 128 : i32
      %add3A_172 = arith.addi %add3A_170, %add3A_171 : i32
      %multiple_of3A_173 = tpu.assume_multiple %add3A_172, 8 : i32
      %add3A_174 = arith.constant 1024 : i32
      %add3A_175 = arith.addi %add3A_158, %add3A_174 : i32
      %multiple_of3A_176 = tpu.assume_multiple %add3A_175, 128 : i32
      %dma_start3A_177 = tpu.memref_slice %arg7[%multiple_of3A_173] : memref<24576xf32, #tpu.memory_space<vmem>> -> memref<128xf32, #tpu.memory_space<vmem>>
      %dma_start3A_178 = tpu.memref_slice %arg4[%multiple_of3A_176] : memref<67108864xf32, #tpu.memory_space<hbm>> -> memref<128xf32, #tpu.memory_space<hbm>>
      %dma_start3A_179 = tpu.memref_slice %arg4[%multiple_of3A_176] : memref<67108864xf32, #tpu.memory_space<hbm>> -> memref<128xf32, #tpu.memory_space<hbm>>
      %dma_start3A_180 = tpu.memref_slice %arg7[%multiple_of3A_173] : memref<24576xf32, #tpu.memory_space<vmem>> -> memref<128xf32, #tpu.memory_space<vmem>>
      tpu.enqueue_dma source(%dma_start3A_180 : memref<128xf32, #tpu.memory_space<vmem>>) target(%dma_start3A_179 : memref<128xf32, #tpu.memory_space<hbm>>) target_semaphore(%arg8 : memref<!tpu.dma_semaphore, #tpu.memory_space<semaphore_mem>>)
      %add3A_181 = arith.constant 12288 : i32
      %add3A_182 = arith.addi %add3A_181, %add3A_127 : i32
      %add3A_183 = arith.constant 256 : i32
      %add3A_184 = arith.addi %add3A_182, %add3A_183 : i32
      %multiple_of3A_185 = tpu.assume_multiple %add3A_184, 8 : i32
      %add3A_186 = arith.constant 2048 : i32
      %add3A_187 = arith.addi %add3A_158, %add3A_186 : i32
      %multiple_of3A_188 = tpu.assume_multiple %add3A_187, 128 : i32
      %dma_start3A_189 = tpu.memref_slice %arg7[%multiple_of3A_185] : memref<24576xf32, #tpu.memory_space<vmem>> -> memref<128xf32, #tpu.memory_space<vmem>>
      %dma_start3A_190 = tpu.memref_slice %arg4[%multiple_of3A_188] : memref<67108864xf32, #tpu.memory_space<hbm>> -> memref<128xf32, #tpu.memory_space<hbm>>
      %dma_start3A_191 = tpu.memref_slice %arg4[%multiple_of3A_188] : memref<67108864xf32, #tpu.memory_space<hbm>> -> memref<128xf32, #tpu.memory_space<hbm>>
      %dma_start3A_192 = tpu.memref_slice %arg7[%multiple_of3A_185] : memref<24576xf32, #tpu.memory_space<vmem>> -> memref<128xf32, #tpu.memory_space<vmem>>
      tpu.enqueue_dma source(%dma_start3A_192 : memref<128xf32, #tpu.memory_space<vmem>>) target(%dma_start3A_191 : memref<128xf32, #tpu.memory_space<hbm>>) target_semaphore(%arg8 : memref<!tpu.dma_semaphore, #tpu.memory_space<semaphore_mem>>)
      %add3A_193 = arith.constant 12288 : i32
      %add3A_194 = arith.addi %add3A_193, %add3A_127 : i32
      %add3A_195 = arith.constant 384 : i32
      %add3A_196 = arith.addi %add3A_194, %add3A_195 : i32
      %multiple_of3A_197 = tpu.assume_multiple %add3A_196, 8 : i32
      %add3A_198 = arith.constant 3072 : i32
      %add3A_199 = arith.addi %add3A_158, %add3A_198 : i32
      %multiple_of3A_200 = tpu.assume_multiple %add3A_199, 128 : i32
      %dma_start3A_201 = tpu.memref_slice %arg7[%multiple_of3A_197] : memref<24576xf32, #tpu.memory_space<vmem>> -> memref<128xf32, #tpu.memory_space<vmem>>
      %dma_start3A_202 = tpu.memref_slice %arg4[%multiple_of3A_200] : memref<67108864xf32, #tpu.memory_space<hbm>> -> memref<128xf32, #tpu.memory_space<hbm>>
      %dma_start3A_203 = tpu.memref_slice %arg4[%multiple_of3A_200] : memref<67108864xf32, #tpu.memory_space<hbm>> -> memref<128xf32, #tpu.memory_space<hbm>>
      %dma_start3A_204 = tpu.memref_slice %arg7[%multiple_of3A_197] : memref<24576xf32, #tpu.memory_space<vmem>> -> memref<128xf32, #tpu.memory_space<vmem>>
      tpu.enqueue_dma source(%dma_start3A_204 : memref<128xf32, #tpu.memory_space<vmem>>) target(%dma_start3A_203 : memref<128xf32, #tpu.memory_space<hbm>>) target_semaphore(%arg8 : memref<!tpu.dma_semaphore, #tpu.memory_space<semaphore_mem>>)
      %add3A_205 = arith.constant 12288 : i32
      %add3A_206 = arith.addi %add3A_205, %add3A_127 : i32
      %add3A_207 = arith.constant 512 : i32
      %add3A_208 = arith.addi %add3A_206, %add3A_207 : i32
      %multiple_of3A_209 = tpu.assume_multiple %add3A_208, 8 : i32
      %add3A_210 = arith.constant 4096 : i32
      %add3A_211 = arith.addi %add3A_158, %add3A_210 : i32
      %multiple_of3A_212 = tpu.assume_multiple %add3A_211, 128 : i32
      %dma_start3A_213 = tpu.memref_slice %arg7[%multiple_of3A_209] : memref<24576xf32, #tpu.memory_space<vmem>> -> memref<128xf32, #tpu.memory_space<vmem>>
      %dma_start3A_214 = tpu.memref_slice %arg4[%multiple_of3A_212] : memref<67108864xf32, #tpu.memory_space<hbm>> -> memref<128xf32, #tpu.memory_space<hbm>>
      %dma_start3A_215 = tpu.memref_slice %arg4[%multiple_of3A_212] : memref<67108864xf32, #tpu.memory_space<hbm>> -> memref<128xf32, #tpu.memory_space<hbm>>
      %dma_start3A_216 = tpu.memref_slice %arg7[%multiple_of3A_209] : memref<24576xf32, #tpu.memory_space<vmem>> -> memref<128xf32, #tpu.memory_space<vmem>>
      tpu.enqueue_dma source(%dma_start3A_216 : memref<128xf32, #tpu.memory_space<vmem>>) target(%dma_start3A_215 : memref<128xf32, #tpu.memory_space<hbm>>) target_semaphore(%arg8 : memref<!tpu.dma_semaphore, #tpu.memory_space<semaphore_mem>>)
      %add3A_217 = arith.constant 12288 : i32
      %add3A_218 = arith.addi %add3A_217, %add3A_127 : i32
      %add3A_219 = arith.constant 640 : i32
      %add3A_220 = arith.addi %add3A_218, %add3A_219 : i32
      %multiple_of3A_221 = tpu.assume_multiple %add3A_220, 8 : i32
      %add3A_222 = arith.constant 5120 : i32
      %add3A_223 = arith.addi %add3A_158, %add3A_222 : i32
      %multiple_of3A_224 = tpu.assume_multiple %add3A_223, 128 : i32
      %dma_start3A_225 = tpu.memref_slice %arg7[%multiple_of3A_221] : memref<24576xf32, #tpu.memory_space<vmem>> -> memref<128xf32, #tpu.memory_space<vmem>>
      %dma_start3A_226 = tpu.memref_slice %arg4[%multiple_of3A_224] : memref<67108864xf32, #tpu.memory_space<hbm>> -> memref<128xf32, #tpu.memory_space<hbm>>
      %dma_start3A_227 = tpu.memref_slice %arg4[%multiple_of3A_224] : memref<67108864xf32, #tpu.memory_space<hbm>> -> memref<128xf32, #tpu.memory_space<hbm>>
      %dma_start3A_228 = tpu.memref_slice %arg7[%multiple_of3A_221] : memref<24576xf32, #tpu.memory_space<vmem>> -> memref<128xf32, #tpu.memory_space<vmem>>
      tpu.enqueue_dma source(%dma_start3A_228 : memref<128xf32, #tpu.memory_space<vmem>>) target(%dma_start3A_227 : memref<128xf32, #tpu.memory_space<hbm>>) target_semaphore(%arg8 : memref<!tpu.dma_semaphore, #tpu.memory_space<semaphore_mem>>)
      %add3A_229 = arith.constant 12288 : i32
      %add3A_230 = arith.addi %add3A_229, %add3A_127 : i32
      %add3A_231 = arith.constant 768 : i32
      %add3A_232 = arith.addi %add3A_230, %add3A_231 : i32
      %multiple_of3A_233 = tpu.assume_multiple %add3A_232, 8 : i32
      %add3A_234 = arith.constant 6144 : i32
      %add3A_235 = arith.addi %add3A_158, %add3A_234 : i32
      %multiple_of3A_236 = tpu.assume_multiple %add3A_235, 128 : i32
      %dma_start3A_237 = tpu.memref_slice %arg7[%multiple_of3A_233] : memref<24576xf32, #tpu.memory_space<vmem>> -> memref<128xf32, #tpu.memory_space<vmem>>
      %dma_start3A_238 = tpu.memref_slice %arg4[%multiple_of3A_236] : memref<67108864xf32, #tpu.memory_space<hbm>> -> memref<128xf32, #tpu.memory_space<hbm>>
      %dma_start3A_239 = tpu.memref_slice %arg4[%multiple_of3A_236] : memref<67108864xf32, #tpu.memory_space<hbm>> -> memref<128xf32, #tpu.memory_space<hbm>>
      %dma_start3A_240 = tpu.memref_slice %arg7[%multiple_of3A_233] : memref<24576xf32, #tpu.memory_space<vmem>> -> memref<128xf32, #tpu.memory_space<vmem>>
      tpu.enqueue_dma source(%dma_start3A_240 : memref<128xf32, #tpu.memory_space<vmem>>) target(%dma_start3A_239 : memref<128xf32, #tpu.memory_space<hbm>>) target_semaphore(%arg8 : memref<!tpu.dma_semaphore, #tpu.memory_space<semaphore_mem>>)
      %add3A_241 = arith.constant 12288 : i32
      %add3A_242 = arith.addi %add3A_241, %add3A_127 : i32
      %add3A_243 = arith.constant 896 : i32
      %add3A_244 = arith.addi %add3A_242, %add3A_243 : i32
      %multiple_of3A_245 = tpu.assume_multiple %add3A_244, 8 : i32
      %add3A_246 = arith.constant 7168 : i32
      %add3A_247 = arith.addi %add3A_158, %add3A_246 : i32
      %multiple_of3A_248 = tpu.assume_multiple %add3A_247, 128 : i32
      %dma_start3A_249 = tpu.memref_slice %arg7[%multiple_of3A_245] : memref<24576xf32, #tpu.memory_space<vmem>> -> memref<128xf32, #tpu.memory_space<vmem>>
      %dma_start3A_250 = tpu.memref_slice %arg4[%multiple_of3A_248] : memref<67108864xf32, #tpu.memory_space<hbm>> -> memref<128xf32, #tpu.memory_space<hbm>>
      %dma_start3A_251 = tpu.memref_slice %arg4[%multiple_of3A_248] : memref<67108864xf32, #tpu.memory_space<hbm>> -> memref<128xf32, #tpu.memory_space<hbm>>
      %dma_start3A_252 = tpu.memref_slice %arg7[%multiple_of3A_245] : memref<24576xf32, #tpu.memory_space<vmem>> -> memref<128xf32, #tpu.memory_space<vmem>>
      tpu.enqueue_dma source(%dma_start3A_252 : memref<128xf32, #tpu.memory_space<vmem>>) target(%dma_start3A_251 : memref<128xf32, #tpu.memory_space<hbm>>) target_semaphore(%arg8 : memref<!tpu.dma_semaphore, #tpu.memory_space<semaphore_mem>>)
      %add3A_253 = arith.constant 1024 : i32
      %add3A_254 = arith.addi %add3A_253, %scan3A_114 : i32
      %ge3A = arith.constant 128 : i32
      %ge3A_255 = arith.cmpi sge, %add3A_254, %ge3A : i32
      %and3A_256 = arith.constant 3 : i32
      %and3A_257 = arith.andi %add3A_254, %and3A_256 : i32
      %eq3A = arith.constant 3 : i32
      %eq3A_258 = arith.cmpi eq, %and3A_257, %eq3A : i32
      %and3A_259 = arith.andi %ge3A_255, %eq3A_258 : i1
      %convert_element_type3A = arith.extui %and3A_259 : i1 to i32
      %cond3A = arith.constant 0 : i32
      %cond3A_260 = arith.cmpi ne, %convert_element_type3A, %cond3A : i32
      scf.if %cond3A_260 {
        %mul3A_261 = arith.constant 2048 : i32
        %mul3A_262 = arith.muli %mul3A_4, %mul3A_261 : i32
        %dma_wait3A = arith.constant 0 : i32
        %dma_wait3A_263 = tpu.memref_slice %arg7[%dma_wait3A] : memref<24576xf32, #tpu.memory_space<vmem>> -> memref<4096xf32, #tpu.memory_space<vmem>>
        %dma_wait3A_264 = tpu.memref_slice %arg4[%mul3A_262] : memref<67108864xf32, #tpu.memory_space<hbm>> -> memref<4096xf32, #tpu.memory_space<hbm>>
        %dma_wait3A_265 = tpu.memref_slice %arg4[%mul3A_262] : memref<67108864xf32, #tpu.memory_space<hbm>> -> memref<4096xf32, #tpu.memory_space<hbm>>
        %dma_wait3A_266 = arith.constant 0 : i32
        %dma_wait3A_267 = tpu.memref_slice %arg7[%dma_wait3A_266] : memref<24576xf32, #tpu.memory_space<vmem>> -> memref<4096xf32, #tpu.memory_space<vmem>>
        tpu.wait_dma2 semaphore(%arg8 : memref<!tpu.dma_semaphore, #tpu.memory_space<semaphore_mem>>) src(%dma_wait3A_267 : memref<4096xf32, #tpu.memory_space<vmem>>) dst(%dma_wait3A_265 : memref<4096xf32, #tpu.memory_space<hbm>>)
      } else {
      }
    }
    %scan3A_71 = arith.constant 256 : i32
    %scan3A_72 = arith.constant 0 : i32
    %scan3A_73 = arith.constant 0 : i32
    %scan3A_74 = arith.constant 192 : i32
    %scan3A_75 = arith.addi %scan3A_73, %scan3A_74 : i32
    %scan3A_76 = arith.constant 1 : i32
    scf.for %scan3A_114 = %scan3A_73 to %scan3A_75 step %scan3A_76  : i32 {
      %mul3A_115 = arith.constant 16 : i32
      %mul3A_116 = arith.muli %scan3A_114, %mul3A_115 : i32
      %add3A_117 = vector.broadcast %mul3A_116 : i32 to vector<16xi32>
      %add3A_118 = arith.addi %add3A_117, %iota3A : vector<16xi32>
      %add3A_119 = arith.constant 2 : i32
      %add3A_120 = vector.broadcast %add3A_119 : i32 to vector<16xi32>
      %add3A_121 = arith.addi %add3A_12, %add3A_120 : vector<16xi32>
      %add3A_122 = arith.addi %add3A_118, %add3A_121 : vector<16xi32>
      %jit3A = arith.constant 0 : i32
      %jit3A_123 = arith.constant 254 : i32
      %max3A = vector.broadcast %jit3A : i32 to vector<16xi32>
      %max3A_124 = arith.maxsi %max3A, %add3A_122 : vector<16xi32>
      %min3A = vector.broadcast %jit3A_123 : i32 to vector<16xi32>
      %min3A_125 = arith.minsi %min3A, %max3A_124 : vector<16xi32>
      %mul3A_126 = arith.constant 16 : i32
      %mul3A_127 = vector.broadcast %mul3A_126 : i32 to vector<16xi32>
      %mul3A_128 = arith.muli %min3A_125, %mul3A_127 : vector<16xi32>
      %add3A_129 = arith.addi %mul3A_128, %broadcast_in_dim3A : vector<16xi32>
      %gather3A = tpu.vector_load_idx %arg5[%add3A_129] : memref<4080xf32, #tpu.memory_space<vmem>>[vector<16xi32>], vector<16xf32>,
      %mul3A_130 = arith.constant 16 : i32
      %mul3A_131 = arith.muli %scan3A_114, %mul3A_130 : i32
      %add3A_132 = arith.constant 15360 : i32
      %add3A_133 = arith.addi %add3A_132, %mul3A_131 : i32
      %swap3A = arith.index_cast %add3A_133 : i32 to index
      %swap3A_134 = tpu.vector_load %arg7[%swap3A] {strides = array<i32>} : memref<24576xf32, #tpu.memory_space<vmem>>, vector<16xf32>,
      tpu.vector_store %arg7[%swap3A], %gather3A {strides = array<i32>} : memref<24576xf32, #tpu.memory_space<vmem>>, vector<16xf32>,
    }
    %scan3A_77 = arith.constant 192 : i32
    %scan3A_78 = arith.constant 0 : i32
    %scan3A_79 = arith.constant 0 : i32
    %scan3A_80 = arith.constant 256 : i32
    %scan3A_81 = arith.addi %scan3A_79, %scan3A_80 : i32
    %scan3A_82 = arith.constant 1 : i32
    scf.for %scan3A_114 = %scan3A_79 to %scan3A_81 step %scan3A_82  : i32 {
      %shift_right_arithmetic3A_115 = arith.constant 1 : i32
      %shift_right_arithmetic3A_116 = arith.shrsi %scan3A_114, %shift_right_arithmetic3A_115 : i32
      %and3A_117 = arith.constant 1 : i32
      %and3A_118 = arith.andi %scan3A_114, %and3A_117 : i32
      %mul3A_119 = arith.constant 8 : i32
      %mul3A_120 = arith.muli %mul3A_119, %shift_right_arithmetic3A_116 : i32
      %sub3A_121 = arith.constant 1016 : i32
      %sub3A_122 = arith.subi %sub3A_121, %mul3A_120 : i32
      %mul3A_123 = arith.constant 8 : i32
      %mul3A_124 = arith.muli %mul3A_123, %and3A_118 : i32
      %mul3A_125 = arith.constant 128 : i32
      %mul3A_126 = arith.muli %mul3A_125, %mul3A_124 : i32
      %add3A_127 = arith.addi %sub3A_122, %mul3A_126 : i32
      %mul3A_128 = arith.constant 256 : i32
      %mul3A_129 = arith.muli %shift_right_arithmetic3A_1, %mul3A_128 : i32
      %jit3A = arith.constant 8 : i32
      %div3A = arith.divsi %mul3A_4, %jit3A : i32
      %sign3A = arith.constant 0 : i32
      %sign3A_130 = arith.cmpi sgt, %mul3A_4, %sign3A : i32
      %sign3A_131 = arith.extui %sign3A_130 : i1 to i32
      %sign3A_132 = arith.constant 0 : i32
      %sign3A_133 = arith.cmpi slt, %mul3A_4, %sign3A_132 : i32
      %sign3A_134 = arith.extui %sign3A_133 : i1 to i32
      %sign3A_135 = arith.subi %sign3A_131, %sign3A_134 : i32
      %sign3A_136 = arith.constant 0 : i32
      %sign3A_137 = arith.cmpi sgt, %jit3A, %sign3A_136 : i32
      %sign3A_138 = arith.extui %sign3A_137 : i1 to i32
      %sign3A_139 = arith.constant 0 : i32
      %sign3A_140 = arith.cmpi slt, %jit3A, %sign3A_139 : i32
      %sign3A_141 = arith.extui %sign3A_140 : i1 to i32
      %sign3A_142 = arith.subi %sign3A_138, %sign3A_141 : i32
      %ne3A = arith.cmpi ne, %sign3A_135, %sign3A_142 : i32
      %rem3A = arith.remsi %mul3A_4, %jit3A : i32
      %ne3A_143 = arith.constant 0 : i32
      %ne3A_144 = arith.cmpi ne, %rem3A, %ne3A_143 : i32
      %and3A_145 = arith.andi %ne3A, %ne3A_144 : i1
      %sub3A_146 = arith.constant 1 : i32
      %sub3A_147 = arith.subi %div3A, %sub3A_146 : i32
      %select_n3A = arith.select %and3A_145, %sub3A_147, %div3A : i32
      %add3A_148 = arith.addi %select_n3A, %shift_right_arithmetic3A_116 : i32
      %add3A_149 = arith.addi %mul3A_129, %add3A_148 : i32
      %mul3A_150 = arith.constant 16384 : i32
      %mul3A_151 = arith.muli %add3A_149, %mul3A_150 : i32
      %mul3A_152 = arith.constant 8 : i32
      %mul3A_153 = arith.muli %mul3A_152, %and3A_118 : i32
      %mul3A_154 = arith.constant 1024 : i32
      %mul3A_155 = arith.muli %mul3A_153, %mul3A_154 : i32
      %add3A_156 = arith.addi %mul3A_151, %mul3A_155 : i32
      %add3A_157 = arith.constant 640 : i32
      %add3A_158 = arith.addi %add3A_156, %add3A_157 : i32
      %add3A_159 = arith.constant 15360 : i32
      %add3A_160 = arith.addi %add3A_159, %add3A_127 : i32
      %add3A_161 = arith.constant 0 : i32
      %add3A_162 = arith.addi %add3A_160, %add3A_161 : i32
      %multiple_of3A = tpu.assume_multiple %add3A_162, 8 : i32
      %add3A_163 = arith.constant 0 : i32
      %add3A_164 = arith.addi %add3A_158, %add3A_163 : i32
      %multiple_of3A_165 = tpu.assume_multiple %add3A_164, 128 : i32
      %dma_start3A = tpu.memref_slice %arg7[%multiple_of3A] : memref<24576xf32, #tpu.memory_space<vmem>> -> memref<128xf32, #tpu.memory_space<vmem>>
      %dma_start3A_166 = tpu.memref_slice %arg4[%multiple_of3A_165] : memref<67108864xf32, #tpu.memory_space<hbm>> -> memref<128xf32, #tpu.memory_space<hbm>>
      %dma_start3A_167 = tpu.memref_slice %arg4[%multiple_of3A_165] : memref<67108864xf32, #tpu.memory_space<hbm>> -> memref<128xf32, #tpu.memory_space<hbm>>
      %dma_start3A_168 = tpu.memref_slice %arg7[%multiple_of3A] : memref<24576xf32, #tpu.memory_space<vmem>> -> memref<128xf32, #tpu.memory_space<vmem>>
      tpu.enqueue_dma source(%dma_start3A_168 : memref<128xf32, #tpu.memory_space<vmem>>) target(%dma_start3A_167 : memref<128xf32, #tpu.memory_space<hbm>>) target_semaphore(%arg8 : memref<!tpu.dma_semaphore, #tpu.memory_space<semaphore_mem>>)
      %add3A_169 = arith.constant 15360 : i32
      %add3A_170 = arith.addi %add3A_169, %add3A_127 : i32
      %add3A_171 = arith.constant 128 : i32
      %add3A_172 = arith.addi %add3A_170, %add3A_171 : i32
      %multiple_of3A_173 = tpu.assume_multiple %add3A_172, 8 : i32
      %add3A_174 = arith.constant 1024 : i32
      %add3A_175 = arith.addi %add3A_158, %add3A_174 : i32
      %multiple_of3A_176 = tpu.assume_multiple %add3A_175, 128 : i32
      %dma_start3A_177 = tpu.memref_slice %arg7[%multiple_of3A_173] : memref<24576xf32, #tpu.memory_space<vmem>> -> memref<128xf32, #tpu.memory_space<vmem>>
      %dma_start3A_178 = tpu.memref_slice %arg4[%multiple_of3A_176] : memref<67108864xf32, #tpu.memory_space<hbm>> -> memref<128xf32, #tpu.memory_space<hbm>>
      %dma_start3A_179 = tpu.memref_slice %arg4[%multiple_of3A_176] : memref<67108864xf32, #tpu.memory_space<hbm>> -> memref<128xf32, #tpu.memory_space<hbm>>
      %dma_start3A_180 = tpu.memref_slice %arg7[%multiple_of3A_173] : memref<24576xf32, #tpu.memory_space<vmem>> -> memref<128xf32, #tpu.memory_space<vmem>>
      tpu.enqueue_dma source(%dma_start3A_180 : memref<128xf32, #tpu.memory_space<vmem>>) target(%dma_start3A_179 : memref<128xf32, #tpu.memory_space<hbm>>) target_semaphore(%arg8 : memref<!tpu.dma_semaphore, #tpu.memory_space<semaphore_mem>>)
      %add3A_181 = arith.constant 15360 : i32
      %add3A_182 = arith.addi %add3A_181, %add3A_127 : i32
      %add3A_183 = arith.constant 256 : i32
      %add3A_184 = arith.addi %add3A_182, %add3A_183 : i32
      %multiple_of3A_185 = tpu.assume_multiple %add3A_184, 8 : i32
      %add3A_186 = arith.constant 2048 : i32
      %add3A_187 = arith.addi %add3A_158, %add3A_186 : i32
      %multiple_of3A_188 = tpu.assume_multiple %add3A_187, 128 : i32
      %dma_start3A_189 = tpu.memref_slice %arg7[%multiple_of3A_185] : memref<24576xf32, #tpu.memory_space<vmem>> -> memref<128xf32, #tpu.memory_space<vmem>>
      %dma_start3A_190 = tpu.memref_slice %arg4[%multiple_of3A_188] : memref<67108864xf32, #tpu.memory_space<hbm>> -> memref<128xf32, #tpu.memory_space<hbm>>
      %dma_start3A_191 = tpu.memref_slice %arg4[%multiple_of3A_188] : memref<67108864xf32, #tpu.memory_space<hbm>> -> memref<128xf32, #tpu.memory_space<hbm>>
      %dma_start3A_192 = tpu.memref_slice %arg7[%multiple_of3A_185] : memref<24576xf32, #tpu.memory_space<vmem>> -> memref<128xf32, #tpu.memory_space<vmem>>
      tpu.enqueue_dma source(%dma_start3A_192 : memref<128xf32, #tpu.memory_space<vmem>>) target(%dma_start3A_191 : memref<128xf32, #tpu.memory_space<hbm>>) target_semaphore(%arg8 : memref<!tpu.dma_semaphore, #tpu.memory_space<semaphore_mem>>)
      %add3A_193 = arith.constant 15360 : i32
      %add3A_194 = arith.addi %add3A_193, %add3A_127 : i32
      %add3A_195 = arith.constant 384 : i32
      %add3A_196 = arith.addi %add3A_194, %add3A_195 : i32
      %multiple_of3A_197 = tpu.assume_multiple %add3A_196, 8 : i32
      %add3A_198 = arith.constant 3072 : i32
      %add3A_199 = arith.addi %add3A_158, %add3A_198 : i32
      %multiple_of3A_200 = tpu.assume_multiple %add3A_199, 128 : i32
      %dma_start3A_201 = tpu.memref_slice %arg7[%multiple_of3A_197] : memref<24576xf32, #tpu.memory_space<vmem>> -> memref<128xf32, #tpu.memory_space<vmem>>
      %dma_start3A_202 = tpu.memref_slice %arg4[%multiple_of3A_200] : memref<67108864xf32, #tpu.memory_space<hbm>> -> memref<128xf32, #tpu.memory_space<hbm>>
      %dma_start3A_203 = tpu.memref_slice %arg4[%multiple_of3A_200] : memref<67108864xf32, #tpu.memory_space<hbm>> -> memref<128xf32, #tpu.memory_space<hbm>>
      %dma_start3A_204 = tpu.memref_slice %arg7[%multiple_of3A_197] : memref<24576xf32, #tpu.memory_space<vmem>> -> memref<128xf32, #tpu.memory_space<vmem>>
      tpu.enqueue_dma source(%dma_start3A_204 : memref<128xf32, #tpu.memory_space<vmem>>) target(%dma_start3A_203 : memref<128xf32, #tpu.memory_space<hbm>>) target_semaphore(%arg8 : memref<!tpu.dma_semaphore, #tpu.memory_space<semaphore_mem>>)
      %add3A_205 = arith.constant 15360 : i32
      %add3A_206 = arith.addi %add3A_205, %add3A_127 : i32
      %add3A_207 = arith.constant 512 : i32
      %add3A_208 = arith.addi %add3A_206, %add3A_207 : i32
      %multiple_of3A_209 = tpu.assume_multiple %add3A_208, 8 : i32
      %add3A_210 = arith.constant 4096 : i32
      %add3A_211 = arith.addi %add3A_158, %add3A_210 : i32
      %multiple_of3A_212 = tpu.assume_multiple %add3A_211, 128 : i32
      %dma_start3A_213 = tpu.memref_slice %arg7[%multiple_of3A_209] : memref<24576xf32, #tpu.memory_space<vmem>> -> memref<128xf32, #tpu.memory_space<vmem>>
      %dma_start3A_214 = tpu.memref_slice %arg4[%multiple_of3A_212] : memref<67108864xf32, #tpu.memory_space<hbm>> -> memref<128xf32, #tpu.memory_space<hbm>>
      %dma_start3A_215 = tpu.memref_slice %arg4[%multiple_of3A_212] : memref<67108864xf32, #tpu.memory_space<hbm>> -> memref<128xf32, #tpu.memory_space<hbm>>
      %dma_start3A_216 = tpu.memref_slice %arg7[%multiple_of3A_209] : memref<24576xf32, #tpu.memory_space<vmem>> -> memref<128xf32, #tpu.memory_space<vmem>>
      tpu.enqueue_dma source(%dma_start3A_216 : memref<128xf32, #tpu.memory_space<vmem>>) target(%dma_start3A_215 : memref<128xf32, #tpu.memory_space<hbm>>) target_semaphore(%arg8 : memref<!tpu.dma_semaphore, #tpu.memory_space<semaphore_mem>>)
      %add3A_217 = arith.constant 15360 : i32
      %add3A_218 = arith.addi %add3A_217, %add3A_127 : i32
      %add3A_219 = arith.constant 640 : i32
      %add3A_220 = arith.addi %add3A_218, %add3A_219 : i32
      %multiple_of3A_221 = tpu.assume_multiple %add3A_220, 8 : i32
      %add3A_222 = arith.constant 5120 : i32
      %add3A_223 = arith.addi %add3A_158, %add3A_222 : i32
      %multiple_of3A_224 = tpu.assume_multiple %add3A_223, 128 : i32
      %dma_start3A_225 = tpu.memref_slice %arg7[%multiple_of3A_221] : memref<24576xf32, #tpu.memory_space<vmem>> -> memref<128xf32, #tpu.memory_space<vmem>>
      %dma_start3A_226 = tpu.memref_slice %arg4[%multiple_of3A_224] : memref<67108864xf32, #tpu.memory_space<hbm>> -> memref<128xf32, #tpu.memory_space<hbm>>
      %dma_start3A_227 = tpu.memref_slice %arg4[%multiple_of3A_224] : memref<67108864xf32, #tpu.memory_space<hbm>> -> memref<128xf32, #tpu.memory_space<hbm>>
      %dma_start3A_228 = tpu.memref_slice %arg7[%multiple_of3A_221] : memref<24576xf32, #tpu.memory_space<vmem>> -> memref<128xf32, #tpu.memory_space<vmem>>
      tpu.enqueue_dma source(%dma_start3A_228 : memref<128xf32, #tpu.memory_space<vmem>>) target(%dma_start3A_227 : memref<128xf32, #tpu.memory_space<hbm>>) target_semaphore(%arg8 : memref<!tpu.dma_semaphore, #tpu.memory_space<semaphore_mem>>)
      %add3A_229 = arith.constant 15360 : i32
      %add3A_230 = arith.addi %add3A_229, %add3A_127 : i32
      %add3A_231 = arith.constant 768 : i32
      %add3A_232 = arith.addi %add3A_230, %add3A_231 : i32
      %multiple_of3A_233 = tpu.assume_multiple %add3A_232, 8 : i32
      %add3A_234 = arith.constant 6144 : i32
      %add3A_235 = arith.addi %add3A_158, %add3A_234 : i32
      %multiple_of3A_236 = tpu.assume_multiple %add3A_235, 128 : i32
      %dma_start3A_237 = tpu.memref_slice %arg7[%multiple_of3A_233] : memref<24576xf32, #tpu.memory_space<vmem>> -> memref<128xf32, #tpu.memory_space<vmem>>
      %dma_start3A_238 = tpu.memref_slice %arg4[%multiple_of3A_236] : memref<67108864xf32, #tpu.memory_space<hbm>> -> memref<128xf32, #tpu.memory_space<hbm>>
      %dma_start3A_239 = tpu.memref_slice %arg4[%multiple_of3A_236] : memref<67108864xf32, #tpu.memory_space<hbm>> -> memref<128xf32, #tpu.memory_space<hbm>>
      %dma_start3A_240 = tpu.memref_slice %arg7[%multiple_of3A_233] : memref<24576xf32, #tpu.memory_space<vmem>> -> memref<128xf32, #tpu.memory_space<vmem>>
      tpu.enqueue_dma source(%dma_start3A_240 : memref<128xf32, #tpu.memory_space<vmem>>) target(%dma_start3A_239 : memref<128xf32, #tpu.memory_space<hbm>>) target_semaphore(%arg8 : memref<!tpu.dma_semaphore, #tpu.memory_space<semaphore_mem>>)
      %add3A_241 = arith.constant 15360 : i32
      %add3A_242 = arith.addi %add3A_241, %add3A_127 : i32
      %add3A_243 = arith.constant 896 : i32
      %add3A_244 = arith.addi %add3A_242, %add3A_243 : i32
      %multiple_of3A_245 = tpu.assume_multiple %add3A_244, 8 : i32
      %add3A_246 = arith.constant 7168 : i32
      %add3A_247 = arith.addi %add3A_158, %add3A_246 : i32
      %multiple_of3A_248 = tpu.assume_multiple %add3A_247, 128 : i32
      %dma_start3A_249 = tpu.memref_slice %arg7[%multiple_of3A_245] : memref<24576xf32, #tpu.memory_space<vmem>> -> memref<128xf32, #tpu.memory_space<vmem>>
      %dma_start3A_250 = tpu.memref_slice %arg4[%multiple_of3A_248] : memref<67108864xf32, #tpu.memory_space<hbm>> -> memref<128xf32, #tpu.memory_space<hbm>>
      %dma_start3A_251 = tpu.memref_slice %arg4[%multiple_of3A_248] : memref<67108864xf32, #tpu.memory_space<hbm>> -> memref<128xf32, #tpu.memory_space<hbm>>
      %dma_start3A_252 = tpu.memref_slice %arg7[%multiple_of3A_245] : memref<24576xf32, #tpu.memory_space<vmem>> -> memref<128xf32, #tpu.memory_space<vmem>>
      tpu.enqueue_dma source(%dma_start3A_252 : memref<128xf32, #tpu.memory_space<vmem>>) target(%dma_start3A_251 : memref<128xf32, #tpu.memory_space<hbm>>) target_semaphore(%arg8 : memref<!tpu.dma_semaphore, #tpu.memory_space<semaphore_mem>>)
      %add3A_253 = arith.constant 1280 : i32
      %add3A_254 = arith.addi %add3A_253, %scan3A_114 : i32
      %ge3A = arith.constant 128 : i32
      %ge3A_255 = arith.cmpi sge, %add3A_254, %ge3A : i32
      %and3A_256 = arith.constant 3 : i32
      %and3A_257 = arith.andi %add3A_254, %and3A_256 : i32
      %eq3A = arith.constant 3 : i32
      %eq3A_258 = arith.cmpi eq, %and3A_257, %eq3A : i32
      %and3A_259 = arith.andi %ge3A_255, %eq3A_258 : i1
      %convert_element_type3A = arith.extui %and3A_259 : i1 to i32
      %cond3A = arith.constant 0 : i32
      %cond3A_260 = arith.cmpi ne, %convert_element_type3A, %cond3A : i32
      scf.if %cond3A_260 {
        %mul3A_261 = arith.constant 2048 : i32
        %mul3A_262 = arith.muli %mul3A_4, %mul3A_261 : i32
        %dma_wait3A = arith.constant 0 : i32
        %dma_wait3A_263 = tpu.memref_slice %arg7[%dma_wait3A] : memref<24576xf32, #tpu.memory_space<vmem>> -> memref<4096xf32, #tpu.memory_space<vmem>>
        %dma_wait3A_264 = tpu.memref_slice %arg4[%mul3A_262] : memref<67108864xf32, #tpu.memory_space<hbm>> -> memref<4096xf32, #tpu.memory_space<hbm>>
        %dma_wait3A_265 = tpu.memref_slice %arg4[%mul3A_262] : memref<67108864xf32, #tpu.memory_space<hbm>> -> memref<4096xf32, #tpu.memory_space<hbm>>
        %dma_wait3A_266 = arith.constant 0 : i32
        %dma_wait3A_267 = tpu.memref_slice %arg7[%dma_wait3A_266] : memref<24576xf32, #tpu.memory_space<vmem>> -> memref<4096xf32, #tpu.memory_space<vmem>>
        tpu.wait_dma2 semaphore(%arg8 : memref<!tpu.dma_semaphore, #tpu.memory_space<semaphore_mem>>) src(%dma_wait3A_267 : memref<4096xf32, #tpu.memory_space<vmem>>) dst(%dma_wait3A_265 : memref<4096xf32, #tpu.memory_space<hbm>>)
      } else {
      }
    }
    %scan3A_83 = arith.constant 256 : i32
    %scan3A_84 = arith.constant 0 : i32
    %scan3A_85 = arith.constant 0 : i32
    %scan3A_86 = arith.constant 192 : i32
    %scan3A_87 = arith.addi %scan3A_85, %scan3A_86 : i32
    %scan3A_88 = arith.constant 1 : i32
    scf.for %scan3A_114 = %scan3A_85 to %scan3A_87 step %scan3A_88  : i32 {
      %mul3A_115 = arith.constant 16 : i32
      %mul3A_116 = arith.muli %scan3A_114, %mul3A_115 : i32
      %add3A_117 = vector.broadcast %mul3A_116 : i32 to vector<16xi32>
      %add3A_118 = arith.addi %add3A_117, %iota3A : vector<16xi32>
      %add3A_119 = arith.constant 1 : i32
      %add3A_120 = vector.broadcast %add3A_119 : i32 to vector<16xi32>
      %add3A_121 = arith.addi %add3A_12, %add3A_120 : vector<16xi32>
      %add3A_122 = arith.addi %add3A_118, %add3A_121 : vector<16xi32>
      %jit3A = arith.constant 0 : i32
      %jit3A_123 = arith.constant 254 : i32
      %max3A = vector.broadcast %jit3A : i32 to vector<16xi32>
      %max3A_124 = arith.maxsi %max3A, %add3A_122 : vector<16xi32>
      %min3A = vector.broadcast %jit3A_123 : i32 to vector<16xi32>
      %min3A_125 = arith.minsi %min3A, %max3A_124 : vector<16xi32>
      %mul3A_126 = arith.constant 16 : i32
      %mul3A_127 = vector.broadcast %mul3A_126 : i32 to vector<16xi32>
      %mul3A_128 = arith.muli %min3A_125, %mul3A_127 : vector<16xi32>
      %add3A_129 = arith.addi %mul3A_128, %broadcast_in_dim3A : vector<16xi32>
      %gather3A = tpu.vector_load_idx %arg5[%add3A_129] : memref<4080xf32, #tpu.memory_space<vmem>>[vector<16xi32>], vector<16xf32>,
      %mul3A_130 = arith.constant 16 : i32
      %mul3A_131 = arith.muli %scan3A_114, %mul3A_130 : i32
      %add3A_132 = arith.constant 18432 : i32
      %add3A_133 = arith.addi %add3A_132, %mul3A_131 : i32
      %swap3A = arith.index_cast %add3A_133 : i32 to index
      %swap3A_134 = tpu.vector_load %arg7[%swap3A] {strides = array<i32>} : memref<24576xf32, #tpu.memory_space<vmem>>, vector<16xf32>,
      tpu.vector_store %arg7[%swap3A], %gather3A {strides = array<i32>} : memref<24576xf32, #tpu.memory_space<vmem>>, vector<16xf32>,
    }
    %scan3A_89 = arith.constant 192 : i32
    %scan3A_90 = arith.constant 0 : i32
    %scan3A_91 = arith.constant 0 : i32
    %scan3A_92 = arith.constant 256 : i32
    %scan3A_93 = arith.addi %scan3A_91, %scan3A_92 : i32
    %scan3A_94 = arith.constant 1 : i32
    scf.for %scan3A_114 = %scan3A_91 to %scan3A_93 step %scan3A_94  : i32 {
      %shift_right_arithmetic3A_115 = arith.constant 1 : i32
      %shift_right_arithmetic3A_116 = arith.shrsi %scan3A_114, %shift_right_arithmetic3A_115 : i32
      %and3A_117 = arith.constant 1 : i32
      %and3A_118 = arith.andi %scan3A_114, %and3A_117 : i32
      %mul3A_119 = arith.constant 8 : i32
      %mul3A_120 = arith.muli %mul3A_119, %shift_right_arithmetic3A_116 : i32
      %sub3A_121 = arith.constant 1016 : i32
      %sub3A_122 = arith.subi %sub3A_121, %mul3A_120 : i32
      %mul3A_123 = arith.constant 8 : i32
      %mul3A_124 = arith.muli %mul3A_123, %and3A_118 : i32
      %mul3A_125 = arith.constant 128 : i32
      %mul3A_126 = arith.muli %mul3A_125, %mul3A_124 : i32
      %add3A_127 = arith.addi %sub3A_122, %mul3A_126 : i32
      %mul3A_128 = arith.constant 256 : i32
      %mul3A_129 = arith.muli %shift_right_arithmetic3A_1, %mul3A_128 : i32
      %jit3A = arith.constant 8 : i32
      %div3A = arith.divsi %mul3A_4, %jit3A : i32
      %sign3A = arith.constant 0 : i32
      %sign3A_130 = arith.cmpi sgt, %mul3A_4, %sign3A : i32
      %sign3A_131 = arith.extui %sign3A_130 : i1 to i32
      %sign3A_132 = arith.constant 0 : i32
      %sign3A_133 = arith.cmpi slt, %mul3A_4, %sign3A_132 : i32
      %sign3A_134 = arith.extui %sign3A_133 : i1 to i32
      %sign3A_135 = arith.subi %sign3A_131, %sign3A_134 : i32
      %sign3A_136 = arith.constant 0 : i32
      %sign3A_137 = arith.cmpi sgt, %jit3A, %sign3A_136 : i32
      %sign3A_138 = arith.extui %sign3A_137 : i1 to i32
      %sign3A_139 = arith.constant 0 : i32
      %sign3A_140 = arith.cmpi slt, %jit3A, %sign3A_139 : i32
      %sign3A_141 = arith.extui %sign3A_140 : i1 to i32
      %sign3A_142 = arith.subi %sign3A_138, %sign3A_141 : i32
      %ne3A = arith.cmpi ne, %sign3A_135, %sign3A_142 : i32
      %rem3A = arith.remsi %mul3A_4, %jit3A : i32
      %ne3A_143 = arith.constant 0 : i32
      %ne3A_144 = arith.cmpi ne, %rem3A, %ne3A_143 : i32
      %and3A_145 = arith.andi %ne3A, %ne3A_144 : i1
      %sub3A_146 = arith.constant 1 : i32
      %sub3A_147 = arith.subi %div3A, %sub3A_146 : i32
      %select_n3A = arith.select %and3A_145, %sub3A_147, %div3A : i32
      %add3A_148 = arith.addi %select_n3A, %shift_right_arithmetic3A_116 : i32
      %add3A_149 = arith.addi %mul3A_129, %add3A_148 : i32
      %mul3A_150 = arith.constant 16384 : i32
      %mul3A_151 = arith.muli %add3A_149, %mul3A_150 : i32
      %mul3A_152 = arith.constant 8 : i32
      %mul3A_153 = arith.muli %mul3A_152, %and3A_118 : i32
      %mul3A_154 = arith.constant 1024 : i32
      %mul3A_155 = arith.muli %mul3A_153, %mul3A_154 : i32
      %add3A_156 = arith.addi %mul3A_151, %mul3A_155 : i32
      %add3A_157 = arith.constant 768 : i32
      %add3A_158 = arith.addi %add3A_156, %add3A_157 : i32
      %add3A_159 = arith.constant 18432 : i32
      %add3A_160 = arith.addi %add3A_159, %add3A_127 : i32
      %add3A_161 = arith.constant 0 : i32
      %add3A_162 = arith.addi %add3A_160, %add3A_161 : i32
      %multiple_of3A = tpu.assume_multiple %add3A_162, 8 : i32
      %add3A_163 = arith.constant 0 : i32
      %add3A_164 = arith.addi %add3A_158, %add3A_163 : i32
      %multiple_of3A_165 = tpu.assume_multiple %add3A_164, 128 : i32
      %dma_start3A = tpu.memref_slice %arg7[%multiple_of3A] : memref<24576xf32, #tpu.memory_space<vmem>> -> memref<128xf32, #tpu.memory_space<vmem>>
      %dma_start3A_166 = tpu.memref_slice %arg4[%multiple_of3A_165] : memref<67108864xf32, #tpu.memory_space<hbm>> -> memref<128xf32, #tpu.memory_space<hbm>>
      %dma_start3A_167 = tpu.memref_slice %arg4[%multiple_of3A_165] : memref<67108864xf32, #tpu.memory_space<hbm>> -> memref<128xf32, #tpu.memory_space<hbm>>
      %dma_start3A_168 = tpu.memref_slice %arg7[%multiple_of3A] : memref<24576xf32, #tpu.memory_space<vmem>> -> memref<128xf32, #tpu.memory_space<vmem>>
      tpu.enqueue_dma source(%dma_start3A_168 : memref<128xf32, #tpu.memory_space<vmem>>) target(%dma_start3A_167 : memref<128xf32, #tpu.memory_space<hbm>>) target_semaphore(%arg8 : memref<!tpu.dma_semaphore, #tpu.memory_space<semaphore_mem>>)
      %add3A_169 = arith.constant 18432 : i32
      %add3A_170 = arith.addi %add3A_169, %add3A_127 : i32
      %add3A_171 = arith.constant 128 : i32
      %add3A_172 = arith.addi %add3A_170, %add3A_171 : i32
      %multiple_of3A_173 = tpu.assume_multiple %add3A_172, 8 : i32
      %add3A_174 = arith.constant 1024 : i32
      %add3A_175 = arith.addi %add3A_158, %add3A_174 : i32
      %multiple_of3A_176 = tpu.assume_multiple %add3A_175, 128 : i32
      %dma_start3A_177 = tpu.memref_slice %arg7[%multiple_of3A_173] : memref<24576xf32, #tpu.memory_space<vmem>> -> memref<128xf32, #tpu.memory_space<vmem>>
      %dma_start3A_178 = tpu.memref_slice %arg4[%multiple_of3A_176] : memref<67108864xf32, #tpu.memory_space<hbm>> -> memref<128xf32, #tpu.memory_space<hbm>>
      %dma_start3A_179 = tpu.memref_slice %arg4[%multiple_of3A_176] : memref<67108864xf32, #tpu.memory_space<hbm>> -> memref<128xf32, #tpu.memory_space<hbm>>
      %dma_start3A_180 = tpu.memref_slice %arg7[%multiple_of3A_173] : memref<24576xf32, #tpu.memory_space<vmem>> -> memref<128xf32, #tpu.memory_space<vmem>>
      tpu.enqueue_dma source(%dma_start3A_180 : memref<128xf32, #tpu.memory_space<vmem>>) target(%dma_start3A_179 : memref<128xf32, #tpu.memory_space<hbm>>) target_semaphore(%arg8 : memref<!tpu.dma_semaphore, #tpu.memory_space<semaphore_mem>>)
      %add3A_181 = arith.constant 18432 : i32
      %add3A_182 = arith.addi %add3A_181, %add3A_127 : i32
      %add3A_183 = arith.constant 256 : i32
      %add3A_184 = arith.addi %add3A_182, %add3A_183 : i32
      %multiple_of3A_185 = tpu.assume_multiple %add3A_184, 8 : i32
      %add3A_186 = arith.constant 2048 : i32
      %add3A_187 = arith.addi %add3A_158, %add3A_186 : i32
      %multiple_of3A_188 = tpu.assume_multiple %add3A_187, 128 : i32
      %dma_start3A_189 = tpu.memref_slice %arg7[%multiple_of3A_185] : memref<24576xf32, #tpu.memory_space<vmem>> -> memref<128xf32, #tpu.memory_space<vmem>>
      %dma_start3A_190 = tpu.memref_slice %arg4[%multiple_of3A_188] : memref<67108864xf32, #tpu.memory_space<hbm>> -> memref<128xf32, #tpu.memory_space<hbm>>
      %dma_start3A_191 = tpu.memref_slice %arg4[%multiple_of3A_188] : memref<67108864xf32, #tpu.memory_space<hbm>> -> memref<128xf32, #tpu.memory_space<hbm>>
      %dma_start3A_192 = tpu.memref_slice %arg7[%multiple_of3A_185] : memref<24576xf32, #tpu.memory_space<vmem>> -> memref<128xf32, #tpu.memory_space<vmem>>
      tpu.enqueue_dma source(%dma_start3A_192 : memref<128xf32, #tpu.memory_space<vmem>>) target(%dma_start3A_191 : memref<128xf32, #tpu.memory_space<hbm>>) target_semaphore(%arg8 : memref<!tpu.dma_semaphore, #tpu.memory_space<semaphore_mem>>)
      %add3A_193 = arith.constant 18432 : i32
      %add3A_194 = arith.addi %add3A_193, %add3A_127 : i32
      %add3A_195 = arith.constant 384 : i32
      %add3A_196 = arith.addi %add3A_194, %add3A_195 : i32
      %multiple_of3A_197 = tpu.assume_multiple %add3A_196, 8 : i32
      %add3A_198 = arith.constant 3072 : i32
      %add3A_199 = arith.addi %add3A_158, %add3A_198 : i32
      %multiple_of3A_200 = tpu.assume_multiple %add3A_199, 128 : i32
      %dma_start3A_201 = tpu.memref_slice %arg7[%multiple_of3A_197] : memref<24576xf32, #tpu.memory_space<vmem>> -> memref<128xf32, #tpu.memory_space<vmem>>
      %dma_start3A_202 = tpu.memref_slice %arg4[%multiple_of3A_200] : memref<67108864xf32, #tpu.memory_space<hbm>> -> memref<128xf32, #tpu.memory_space<hbm>>
      %dma_start3A_203 = tpu.memref_slice %arg4[%multiple_of3A_200] : memref<67108864xf32, #tpu.memory_space<hbm>> -> memref<128xf32, #tpu.memory_space<hbm>>
      %dma_start3A_204 = tpu.memref_slice %arg7[%multiple_of3A_197] : memref<24576xf32, #tpu.memory_space<vmem>> -> memref<128xf32, #tpu.memory_space<vmem>>
      tpu.enqueue_dma source(%dma_start3A_204 : memref<128xf32, #tpu.memory_space<vmem>>) target(%dma_start3A_203 : memref<128xf32, #tpu.memory_space<hbm>>) target_semaphore(%arg8 : memref<!tpu.dma_semaphore, #tpu.memory_space<semaphore_mem>>)
      %add3A_205 = arith.constant 18432 : i32
      %add3A_206 = arith.addi %add3A_205, %add3A_127 : i32
      %add3A_207 = arith.constant 512 : i32
      %add3A_208 = arith.addi %add3A_206, %add3A_207 : i32
      %multiple_of3A_209 = tpu.assume_multiple %add3A_208, 8 : i32
      %add3A_210 = arith.constant 4096 : i32
      %add3A_211 = arith.addi %add3A_158, %add3A_210 : i32
      %multiple_of3A_212 = tpu.assume_multiple %add3A_211, 128 : i32
      %dma_start3A_213 = tpu.memref_slice %arg7[%multiple_of3A_209] : memref<24576xf32, #tpu.memory_space<vmem>> -> memref<128xf32, #tpu.memory_space<vmem>>
      %dma_start3A_214 = tpu.memref_slice %arg4[%multiple_of3A_212] : memref<67108864xf32, #tpu.memory_space<hbm>> -> memref<128xf32, #tpu.memory_space<hbm>>
      %dma_start3A_215 = tpu.memref_slice %arg4[%multiple_of3A_212] : memref<67108864xf32, #tpu.memory_space<hbm>> -> memref<128xf32, #tpu.memory_space<hbm>>
      %dma_start3A_216 = tpu.memref_slice %arg7[%multiple_of3A_209] : memref<24576xf32, #tpu.memory_space<vmem>> -> memref<128xf32, #tpu.memory_space<vmem>>
      tpu.enqueue_dma source(%dma_start3A_216 : memref<128xf32, #tpu.memory_space<vmem>>) target(%dma_start3A_215 : memref<128xf32, #tpu.memory_space<hbm>>) target_semaphore(%arg8 : memref<!tpu.dma_semaphore, #tpu.memory_space<semaphore_mem>>)
      %add3A_217 = arith.constant 18432 : i32
      %add3A_218 = arith.addi %add3A_217, %add3A_127 : i32
      %add3A_219 = arith.constant 640 : i32
      %add3A_220 = arith.addi %add3A_218, %add3A_219 : i32
      %multiple_of3A_221 = tpu.assume_multiple %add3A_220, 8 : i32
      %add3A_222 = arith.constant 5120 : i32
      %add3A_223 = arith.addi %add3A_158, %add3A_222 : i32
      %multiple_of3A_224 = tpu.assume_multiple %add3A_223, 128 : i32
      %dma_start3A_225 = tpu.memref_slice %arg7[%multiple_of3A_221] : memref<24576xf32, #tpu.memory_space<vmem>> -> memref<128xf32, #tpu.memory_space<vmem>>
      %dma_start3A_226 = tpu.memref_slice %arg4[%multiple_of3A_224] : memref<67108864xf32, #tpu.memory_space<hbm>> -> memref<128xf32, #tpu.memory_space<hbm>>
      %dma_start3A_227 = tpu.memref_slice %arg4[%multiple_of3A_224] : memref<67108864xf32, #tpu.memory_space<hbm>> -> memref<128xf32, #tpu.memory_space<hbm>>
      %dma_start3A_228 = tpu.memref_slice %arg7[%multiple_of3A_221] : memref<24576xf32, #tpu.memory_space<vmem>> -> memref<128xf32, #tpu.memory_space<vmem>>
      tpu.enqueue_dma source(%dma_start3A_228 : memref<128xf32, #tpu.memory_space<vmem>>) target(%dma_start3A_227 : memref<128xf32, #tpu.memory_space<hbm>>) target_semaphore(%arg8 : memref<!tpu.dma_semaphore, #tpu.memory_space<semaphore_mem>>)
      %add3A_229 = arith.constant 18432 : i32
      %add3A_230 = arith.addi %add3A_229, %add3A_127 : i32
      %add3A_231 = arith.constant 768 : i32
      %add3A_232 = arith.addi %add3A_230, %add3A_231 : i32
      %multiple_of3A_233 = tpu.assume_multiple %add3A_232, 8 : i32
      %add3A_234 = arith.constant 6144 : i32
      %add3A_235 = arith.addi %add3A_158, %add3A_234 : i32
      %multiple_of3A_236 = tpu.assume_multiple %add3A_235, 128 : i32
      %dma_start3A_237 = tpu.memref_slice %arg7[%multiple_of3A_233] : memref<24576xf32, #tpu.memory_space<vmem>> -> memref<128xf32, #tpu.memory_space<vmem>>
      %dma_start3A_238 = tpu.memref_slice %arg4[%multiple_of3A_236] : memref<67108864xf32, #tpu.memory_space<hbm>> -> memref<128xf32, #tpu.memory_space<hbm>>
      %dma_start3A_239 = tpu.memref_slice %arg4[%multiple_of3A_236] : memref<67108864xf32, #tpu.memory_space<hbm>> -> memref<128xf32, #tpu.memory_space<hbm>>
      %dma_start3A_240 = tpu.memref_slice %arg7[%multiple_of3A_233] : memref<24576xf32, #tpu.memory_space<vmem>> -> memref<128xf32, #tpu.memory_space<vmem>>
      tpu.enqueue_dma source(%dma_start3A_240 : memref<128xf32, #tpu.memory_space<vmem>>) target(%dma_start3A_239 : memref<128xf32, #tpu.memory_space<hbm>>) target_semaphore(%arg8 : memref<!tpu.dma_semaphore, #tpu.memory_space<semaphore_mem>>)
      %add3A_241 = arith.constant 18432 : i32
      %add3A_242 = arith.addi %add3A_241, %add3A_127 : i32
      %add3A_243 = arith.constant 896 : i32
      %add3A_244 = arith.addi %add3A_242, %add3A_243 : i32
      %multiple_of3A_245 = tpu.assume_multiple %add3A_244, 8 : i32
      %add3A_246 = arith.constant 7168 : i32
      %add3A_247 = arith.addi %add3A_158, %add3A_246 : i32
      %multiple_of3A_248 = tpu.assume_multiple %add3A_247, 128 : i32
      %dma_start3A_249 = tpu.memref_slice %arg7[%multiple_of3A_245] : memref<24576xf32, #tpu.memory_space<vmem>> -> memref<128xf32, #tpu.memory_space<vmem>>
      %dma_start3A_250 = tpu.memref_slice %arg4[%multiple_of3A_248] : memref<67108864xf32, #tpu.memory_space<hbm>> -> memref<128xf32, #tpu.memory_space<hbm>>
      %dma_start3A_251 = tpu.memref_slice %arg4[%multiple_of3A_248] : memref<67108864xf32, #tpu.memory_space<hbm>> -> memref<128xf32, #tpu.memory_space<hbm>>
      %dma_start3A_252 = tpu.memref_slice %arg7[%multiple_of3A_245] : memref<24576xf32, #tpu.memory_space<vmem>> -> memref<128xf32, #tpu.memory_space<vmem>>
      tpu.enqueue_dma source(%dma_start3A_252 : memref<128xf32, #tpu.memory_space<vmem>>) target(%dma_start3A_251 : memref<128xf32, #tpu.memory_space<hbm>>) target_semaphore(%arg8 : memref<!tpu.dma_semaphore, #tpu.memory_space<semaphore_mem>>)
      %add3A_253 = arith.constant 1536 : i32
      %add3A_254 = arith.addi %add3A_253, %scan3A_114 : i32
      %ge3A = arith.constant 128 : i32
      %ge3A_255 = arith.cmpi sge, %add3A_254, %ge3A : i32
      %and3A_256 = arith.constant 3 : i32
      %and3A_257 = arith.andi %add3A_254, %and3A_256 : i32
      %eq3A = arith.constant 3 : i32
      %eq3A_258 = arith.cmpi eq, %and3A_257, %eq3A : i32
      %and3A_259 = arith.andi %ge3A_255, %eq3A_258 : i1
      %convert_element_type3A = arith.extui %and3A_259 : i1 to i32
      %cond3A = arith.constant 0 : i32
      %cond3A_260 = arith.cmpi ne, %convert_element_type3A, %cond3A : i32
      scf.if %cond3A_260 {
        %mul3A_261 = arith.constant 2048 : i32
        %mul3A_262 = arith.muli %mul3A_4, %mul3A_261 : i32
        %dma_wait3A = arith.constant 0 : i32
        %dma_wait3A_263 = tpu.memref_slice %arg7[%dma_wait3A] : memref<24576xf32, #tpu.memory_space<vmem>> -> memref<4096xf32, #tpu.memory_space<vmem>>
        %dma_wait3A_264 = tpu.memref_slice %arg4[%mul3A_262] : memref<67108864xf32, #tpu.memory_space<hbm>> -> memref<4096xf32, #tpu.memory_space<hbm>>
        %dma_wait3A_265 = tpu.memref_slice %arg4[%mul3A_262] : memref<67108864xf32, #tpu.memory_space<hbm>> -> memref<4096xf32, #tpu.memory_space<hbm>>
        %dma_wait3A_266 = arith.constant 0 : i32
        %dma_wait3A_267 = tpu.memref_slice %arg7[%dma_wait3A_266] : memref<24576xf32, #tpu.memory_space<vmem>> -> memref<4096xf32, #tpu.memory_space<vmem>>
        tpu.wait_dma2 semaphore(%arg8 : memref<!tpu.dma_semaphore, #tpu.memory_space<semaphore_mem>>) src(%dma_wait3A_267 : memref<4096xf32, #tpu.memory_space<vmem>>) dst(%dma_wait3A_265 : memref<4096xf32, #tpu.memory_space<hbm>>)
      } else {
      }
    }
    %scan3A_95 = arith.constant 256 : i32
    %scan3A_96 = arith.constant 0 : i32
    %scan3A_97 = arith.constant 0 : i32
    %scan3A_98 = arith.constant 192 : i32
    %scan3A_99 = arith.addi %scan3A_97, %scan3A_98 : i32
    %scan3A_100 = arith.constant 1 : i32
    scf.for %scan3A_114 = %scan3A_97 to %scan3A_99 step %scan3A_100  : i32 {
      %mul3A_115 = arith.constant 16 : i32
      %mul3A_116 = arith.muli %scan3A_114, %mul3A_115 : i32
      %add3A_117 = vector.broadcast %mul3A_116 : i32 to vector<16xi32>
      %add3A_118 = arith.addi %add3A_117, %iota3A : vector<16xi32>
      %add3A_119 = arith.constant 0 : i32
      %add3A_120 = vector.broadcast %add3A_119 : i32 to vector<16xi32>
      %add3A_121 = arith.addi %add3A_12, %add3A_120 : vector<16xi32>
      %add3A_122 = arith.addi %add3A_118, %add3A_121 : vector<16xi32>
      %jit3A = arith.constant 0 : i32
      %jit3A_123 = arith.constant 254 : i32
      %max3A = vector.broadcast %jit3A : i32 to vector<16xi32>
      %max3A_124 = arith.maxsi %max3A, %add3A_122 : vector<16xi32>
      %min3A = vector.broadcast %jit3A_123 : i32 to vector<16xi32>
      %min3A_125 = arith.minsi %min3A, %max3A_124 : vector<16xi32>
      %mul3A_126 = arith.constant 16 : i32
      %mul3A_127 = vector.broadcast %mul3A_126 : i32 to vector<16xi32>
      %mul3A_128 = arith.muli %min3A_125, %mul3A_127 : vector<16xi32>
      %add3A_129 = arith.addi %mul3A_128, %broadcast_in_dim3A : vector<16xi32>
      %gather3A = tpu.vector_load_idx %arg5[%add3A_129] : memref<4080xf32, #tpu.memory_space<vmem>>[vector<16xi32>], vector<16xf32>,
      %mul3A_130 = arith.constant 16 : i32
      %mul3A_131 = arith.muli %scan3A_114, %mul3A_130 : i32
      %add3A_132 = arith.constant 21504 : i32
      %add3A_133 = arith.addi %add3A_132, %mul3A_131 : i32
      %swap3A = arith.index_cast %add3A_133 : i32 to index
      %swap3A_134 = tpu.vector_load %arg7[%swap3A] {strides = array<i32>} : memref<24576xf32, #tpu.memory_space<vmem>>, vector<16xf32>,
      tpu.vector_store %arg7[%swap3A], %gather3A {strides = array<i32>} : memref<24576xf32, #tpu.memory_space<vmem>>, vector<16xf32>,
    }
    %scan3A_101 = arith.constant 192 : i32
    %scan3A_102 = arith.constant 0 : i32
    %scan3A_103 = arith.constant 0 : i32
    %scan3A_104 = arith.constant 256 : i32
    %scan3A_105 = arith.addi %scan3A_103, %scan3A_104 : i32
    %scan3A_106 = arith.constant 1 : i32
    scf.for %scan3A_114 = %scan3A_103 to %scan3A_105 step %scan3A_106  : i32 {
      %shift_right_arithmetic3A_115 = arith.constant 1 : i32
      %shift_right_arithmetic3A_116 = arith.shrsi %scan3A_114, %shift_right_arithmetic3A_115 : i32
      %and3A_117 = arith.constant 1 : i32
      %and3A_118 = arith.andi %scan3A_114, %and3A_117 : i32
      %mul3A_119 = arith.constant 8 : i32
      %mul3A_120 = arith.muli %mul3A_119, %shift_right_arithmetic3A_116 : i32
      %sub3A_121 = arith.constant 1016 : i32
      %sub3A_122 = arith.subi %sub3A_121, %mul3A_120 : i32
      %mul3A_123 = arith.constant 8 : i32
      %mul3A_124 = arith.muli %mul3A_123, %and3A_118 : i32
      %mul3A_125 = arith.constant 128 : i32
      %mul3A_126 = arith.muli %mul3A_125, %mul3A_124 : i32
      %add3A_127 = arith.addi %sub3A_122, %mul3A_126 : i32
      %mul3A_128 = arith.constant 256 : i32
      %mul3A_129 = arith.muli %shift_right_arithmetic3A_1, %mul3A_128 : i32
      %jit3A = arith.constant 8 : i32
      %div3A = arith.divsi %mul3A_4, %jit3A : i32
      %sign3A = arith.constant 0 : i32
      %sign3A_130 = arith.cmpi sgt, %mul3A_4, %sign3A : i32
      %sign3A_131 = arith.extui %sign3A_130 : i1 to i32
      %sign3A_132 = arith.constant 0 : i32
      %sign3A_133 = arith.cmpi slt, %mul3A_4, %sign3A_132 : i32
      %sign3A_134 = arith.extui %sign3A_133 : i1 to i32
      %sign3A_135 = arith.subi %sign3A_131, %sign3A_134 : i32
      %sign3A_136 = arith.constant 0 : i32
      %sign3A_137 = arith.cmpi sgt, %jit3A, %sign3A_136 : i32
      %sign3A_138 = arith.extui %sign3A_137 : i1 to i32
      %sign3A_139 = arith.constant 0 : i32
      %sign3A_140 = arith.cmpi slt, %jit3A, %sign3A_139 : i32
      %sign3A_141 = arith.extui %sign3A_140 : i1 to i32
      %sign3A_142 = arith.subi %sign3A_138, %sign3A_141 : i32
      %ne3A = arith.cmpi ne, %sign3A_135, %sign3A_142 : i32
      %rem3A = arith.remsi %mul3A_4, %jit3A : i32
      %ne3A_143 = arith.constant 0 : i32
      %ne3A_144 = arith.cmpi ne, %rem3A, %ne3A_143 : i32
      %and3A_145 = arith.andi %ne3A, %ne3A_144 : i1
      %sub3A_146 = arith.constant 1 : i32
      %sub3A_147 = arith.subi %div3A, %sub3A_146 : i32
      %select_n3A = arith.select %and3A_145, %sub3A_147, %div3A : i32
      %add3A_148 = arith.addi %select_n3A, %shift_right_arithmetic3A_116 : i32
      %add3A_149 = arith.addi %mul3A_129, %add3A_148 : i32
      %mul3A_150 = arith.constant 16384 : i32
      %mul3A_151 = arith.muli %add3A_149, %mul3A_150 : i32
      %mul3A_152 = arith.constant 8 : i32
      %mul3A_153 = arith.muli %mul3A_152, %and3A_118 : i32
      %mul3A_154 = arith.constant 1024 : i32
      %mul3A_155 = arith.muli %mul3A_153, %mul3A_154 : i32
      %add3A_156 = arith.addi %mul3A_151, %mul3A_155 : i32
      %add3A_157 = arith.constant 896 : i32
      %add3A_158 = arith.addi %add3A_156, %add3A_157 : i32
      %add3A_159 = arith.constant 21504 : i32
      %add3A_160 = arith.addi %add3A_159, %add3A_127 : i32
      %add3A_161 = arith.constant 0 : i32
      %add3A_162 = arith.addi %add3A_160, %add3A_161 : i32
      %multiple_of3A = tpu.assume_multiple %add3A_162, 8 : i32
      %add3A_163 = arith.constant 0 : i32
      %add3A_164 = arith.addi %add3A_158, %add3A_163 : i32
      %multiple_of3A_165 = tpu.assume_multiple %add3A_164, 128 : i32
      %dma_start3A = tpu.memref_slice %arg7[%multiple_of3A] : memref<24576xf32, #tpu.memory_space<vmem>> -> memref<128xf32, #tpu.memory_space<vmem>>
      %dma_start3A_166 = tpu.memref_slice %arg4[%multiple_of3A_165] : memref<67108864xf32, #tpu.memory_space<hbm>> -> memref<128xf32, #tpu.memory_space<hbm>>
      %dma_start3A_167 = tpu.memref_slice %arg4[%multiple_of3A_165] : memref<67108864xf32, #tpu.memory_space<hbm>> -> memref<128xf32, #tpu.memory_space<hbm>>
      %dma_start3A_168 = tpu.memref_slice %arg7[%multiple_of3A] : memref<24576xf32, #tpu.memory_space<vmem>> -> memref<128xf32, #tpu.memory_space<vmem>>
      tpu.enqueue_dma source(%dma_start3A_168 : memref<128xf32, #tpu.memory_space<vmem>>) target(%dma_start3A_167 : memref<128xf32, #tpu.memory_space<hbm>>) target_semaphore(%arg8 : memref<!tpu.dma_semaphore, #tpu.memory_space<semaphore_mem>>)
      %add3A_169 = arith.constant 21504 : i32
      %add3A_170 = arith.addi %add3A_169, %add3A_127 : i32
      %add3A_171 = arith.constant 128 : i32
      %add3A_172 = arith.addi %add3A_170, %add3A_171 : i32
      %multiple_of3A_173 = tpu.assume_multiple %add3A_172, 8 : i32
      %add3A_174 = arith.constant 1024 : i32
      %add3A_175 = arith.addi %add3A_158, %add3A_174 : i32
      %multiple_of3A_176 = tpu.assume_multiple %add3A_175, 128 : i32
      %dma_start3A_177 = tpu.memref_slice %arg7[%multiple_of3A_173] : memref<24576xf32, #tpu.memory_space<vmem>> -> memref<128xf32, #tpu.memory_space<vmem>>
      %dma_start3A_178 = tpu.memref_slice %arg4[%multiple_of3A_176] : memref<67108864xf32, #tpu.memory_space<hbm>> -> memref<128xf32, #tpu.memory_space<hbm>>
      %dma_start3A_179 = tpu.memref_slice %arg4[%multiple_of3A_176] : memref<67108864xf32, #tpu.memory_space<hbm>> -> memref<128xf32, #tpu.memory_space<hbm>>
      %dma_start3A_180 = tpu.memref_slice %arg7[%multiple_of3A_173] : memref<24576xf32, #tpu.memory_space<vmem>> -> memref<128xf32, #tpu.memory_space<vmem>>
      tpu.enqueue_dma source(%dma_start3A_180 : memref<128xf32, #tpu.memory_space<vmem>>) target(%dma_start3A_179 : memref<128xf32, #tpu.memory_space<hbm>>) target_semaphore(%arg8 : memref<!tpu.dma_semaphore, #tpu.memory_space<semaphore_mem>>)
      %add3A_181 = arith.constant 21504 : i32
      %add3A_182 = arith.addi %add3A_181, %add3A_127 : i32
      %add3A_183 = arith.constant 256 : i32
      %add3A_184 = arith.addi %add3A_182, %add3A_183 : i32
      %multiple_of3A_185 = tpu.assume_multiple %add3A_184, 8 : i32
      %add3A_186 = arith.constant 2048 : i32
      %add3A_187 = arith.addi %add3A_158, %add3A_186 : i32
      %multiple_of3A_188 = tpu.assume_multiple %add3A_187, 128 : i32
      %dma_start3A_189 = tpu.memref_slice %arg7[%multiple_of3A_185] : memref<24576xf32, #tpu.memory_space<vmem>> -> memref<128xf32, #tpu.memory_space<vmem>>
      %dma_start3A_190 = tpu.memref_slice %arg4[%multiple_of3A_188] : memref<67108864xf32, #tpu.memory_space<hbm>> -> memref<128xf32, #tpu.memory_space<hbm>>
      %dma_start3A_191 = tpu.memref_slice %arg4[%multiple_of3A_188] : memref<67108864xf32, #tpu.memory_space<hbm>> -> memref<128xf32, #tpu.memory_space<hbm>>
      %dma_start3A_192 = tpu.memref_slice %arg7[%multiple_of3A_185] : memref<24576xf32, #tpu.memory_space<vmem>> -> memref<128xf32, #tpu.memory_space<vmem>>
      tpu.enqueue_dma source(%dma_start3A_192 : memref<128xf32, #tpu.memory_space<vmem>>) target(%dma_start3A_191 : memref<128xf32, #tpu.memory_space<hbm>>) target_semaphore(%arg8 : memref<!tpu.dma_semaphore, #tpu.memory_space<semaphore_mem>>)
      %add3A_193 = arith.constant 21504 : i32
      %add3A_194 = arith.addi %add3A_193, %add3A_127 : i32
      %add3A_195 = arith.constant 384 : i32
      %add3A_196 = arith.addi %add3A_194, %add3A_195 : i32
      %multiple_of3A_197 = tpu.assume_multiple %add3A_196, 8 : i32
      %add3A_198 = arith.constant 3072 : i32
      %add3A_199 = arith.addi %add3A_158, %add3A_198 : i32
      %multiple_of3A_200 = tpu.assume_multiple %add3A_199, 128 : i32
      %dma_start3A_201 = tpu.memref_slice %arg7[%multiple_of3A_197] : memref<24576xf32, #tpu.memory_space<vmem>> -> memref<128xf32, #tpu.memory_space<vmem>>
      %dma_start3A_202 = tpu.memref_slice %arg4[%multiple_of3A_200] : memref<67108864xf32, #tpu.memory_space<hbm>> -> memref<128xf32, #tpu.memory_space<hbm>>
      %dma_start3A_203 = tpu.memref_slice %arg4[%multiple_of3A_200] : memref<67108864xf32, #tpu.memory_space<hbm>> -> memref<128xf32, #tpu.memory_space<hbm>>
      %dma_start3A_204 = tpu.memref_slice %arg7[%multiple_of3A_197] : memref<24576xf32, #tpu.memory_space<vmem>> -> memref<128xf32, #tpu.memory_space<vmem>>
      tpu.enqueue_dma source(%dma_start3A_204 : memref<128xf32, #tpu.memory_space<vmem>>) target(%dma_start3A_203 : memref<128xf32, #tpu.memory_space<hbm>>) target_semaphore(%arg8 : memref<!tpu.dma_semaphore, #tpu.memory_space<semaphore_mem>>)
      %add3A_205 = arith.constant 21504 : i32
      %add3A_206 = arith.addi %add3A_205, %add3A_127 : i32
      %add3A_207 = arith.constant 512 : i32
      %add3A_208 = arith.addi %add3A_206, %add3A_207 : i32
      %multiple_of3A_209 = tpu.assume_multiple %add3A_208, 8 : i32
      %add3A_210 = arith.constant 4096 : i32
      %add3A_211 = arith.addi %add3A_158, %add3A_210 : i32
      %multiple_of3A_212 = tpu.assume_multiple %add3A_211, 128 : i32
      %dma_start3A_213 = tpu.memref_slice %arg7[%multiple_of3A_209] : memref<24576xf32, #tpu.memory_space<vmem>> -> memref<128xf32, #tpu.memory_space<vmem>>
      %dma_start3A_214 = tpu.memref_slice %arg4[%multiple_of3A_212] : memref<67108864xf32, #tpu.memory_space<hbm>> -> memref<128xf32, #tpu.memory_space<hbm>>
      %dma_start3A_215 = tpu.memref_slice %arg4[%multiple_of3A_212] : memref<67108864xf32, #tpu.memory_space<hbm>> -> memref<128xf32, #tpu.memory_space<hbm>>
      %dma_start3A_216 = tpu.memref_slice %arg7[%multiple_of3A_209] : memref<24576xf32, #tpu.memory_space<vmem>> -> memref<128xf32, #tpu.memory_space<vmem>>
      tpu.enqueue_dma source(%dma_start3A_216 : memref<128xf32, #tpu.memory_space<vmem>>) target(%dma_start3A_215 : memref<128xf32, #tpu.memory_space<hbm>>) target_semaphore(%arg8 : memref<!tpu.dma_semaphore, #tpu.memory_space<semaphore_mem>>)
      %add3A_217 = arith.constant 21504 : i32
      %add3A_218 = arith.addi %add3A_217, %add3A_127 : i32
      %add3A_219 = arith.constant 640 : i32
      %add3A_220 = arith.addi %add3A_218, %add3A_219 : i32
      %multiple_of3A_221 = tpu.assume_multiple %add3A_220, 8 : i32
      %add3A_222 = arith.constant 5120 : i32
      %add3A_223 = arith.addi %add3A_158, %add3A_222 : i32
      %multiple_of3A_224 = tpu.assume_multiple %add3A_223, 128 : i32
      %dma_start3A_225 = tpu.memref_slice %arg7[%multiple_of3A_221] : memref<24576xf32, #tpu.memory_space<vmem>> -> memref<128xf32, #tpu.memory_space<vmem>>
      %dma_start3A_226 = tpu.memref_slice %arg4[%multiple_of3A_224] : memref<67108864xf32, #tpu.memory_space<hbm>> -> memref<128xf32, #tpu.memory_space<hbm>>
      %dma_start3A_227 = tpu.memref_slice %arg4[%multiple_of3A_224] : memref<67108864xf32, #tpu.memory_space<hbm>> -> memref<128xf32, #tpu.memory_space<hbm>>
      %dma_start3A_228 = tpu.memref_slice %arg7[%multiple_of3A_221] : memref<24576xf32, #tpu.memory_space<vmem>> -> memref<128xf32, #tpu.memory_space<vmem>>
      tpu.enqueue_dma source(%dma_start3A_228 : memref<128xf32, #tpu.memory_space<vmem>>) target(%dma_start3A_227 : memref<128xf32, #tpu.memory_space<hbm>>) target_semaphore(%arg8 : memref<!tpu.dma_semaphore, #tpu.memory_space<semaphore_mem>>)
      %add3A_229 = arith.constant 21504 : i32
      %add3A_230 = arith.addi %add3A_229, %add3A_127 : i32
      %add3A_231 = arith.constant 768 : i32
      %add3A_232 = arith.addi %add3A_230, %add3A_231 : i32
      %multiple_of3A_233 = tpu.assume_multiple %add3A_232, 8 : i32
      %add3A_234 = arith.constant 6144 : i32
      %add3A_235 = arith.addi %add3A_158, %add3A_234 : i32
      %multiple_of3A_236 = tpu.assume_multiple %add3A_235, 128 : i32
      %dma_start3A_237 = tpu.memref_slice %arg7[%multiple_of3A_233] : memref<24576xf32, #tpu.memory_space<vmem>> -> memref<128xf32, #tpu.memory_space<vmem>>
      %dma_start3A_238 = tpu.memref_slice %arg4[%multiple_of3A_236] : memref<67108864xf32, #tpu.memory_space<hbm>> -> memref<128xf32, #tpu.memory_space<hbm>>
      %dma_start3A_239 = tpu.memref_slice %arg4[%multiple_of3A_236] : memref<67108864xf32, #tpu.memory_space<hbm>> -> memref<128xf32, #tpu.memory_space<hbm>>
      %dma_start3A_240 = tpu.memref_slice %arg7[%multiple_of3A_233] : memref<24576xf32, #tpu.memory_space<vmem>> -> memref<128xf32, #tpu.memory_space<vmem>>
      tpu.enqueue_dma source(%dma_start3A_240 : memref<128xf32, #tpu.memory_space<vmem>>) target(%dma_start3A_239 : memref<128xf32, #tpu.memory_space<hbm>>) target_semaphore(%arg8 : memref<!tpu.dma_semaphore, #tpu.memory_space<semaphore_mem>>)
      %add3A_241 = arith.constant 21504 : i32
      %add3A_242 = arith.addi %add3A_241, %add3A_127 : i32
      %add3A_243 = arith.constant 896 : i32
      %add3A_244 = arith.addi %add3A_242, %add3A_243 : i32
      %multiple_of3A_245 = tpu.assume_multiple %add3A_244, 8 : i32
      %add3A_246 = arith.constant 7168 : i32
      %add3A_247 = arith.addi %add3A_158, %add3A_246 : i32
      %multiple_of3A_248 = tpu.assume_multiple %add3A_247, 128 : i32
      %dma_start3A_249 = tpu.memref_slice %arg7[%multiple_of3A_245] : memref<24576xf32, #tpu.memory_space<vmem>> -> memref<128xf32, #tpu.memory_space<vmem>>
      %dma_start3A_250 = tpu.memref_slice %arg4[%multiple_of3A_248] : memref<67108864xf32, #tpu.memory_space<hbm>> -> memref<128xf32, #tpu.memory_space<hbm>>
      %dma_start3A_251 = tpu.memref_slice %arg4[%multiple_of3A_248] : memref<67108864xf32, #tpu.memory_space<hbm>> -> memref<128xf32, #tpu.memory_space<hbm>>
      %dma_start3A_252 = tpu.memref_slice %arg7[%multiple_of3A_245] : memref<24576xf32, #tpu.memory_space<vmem>> -> memref<128xf32, #tpu.memory_space<vmem>>
      tpu.enqueue_dma source(%dma_start3A_252 : memref<128xf32, #tpu.memory_space<vmem>>) target(%dma_start3A_251 : memref<128xf32, #tpu.memory_space<hbm>>) target_semaphore(%arg8 : memref<!tpu.dma_semaphore, #tpu.memory_space<semaphore_mem>>)
      %add3A_253 = arith.constant 1792 : i32
      %add3A_254 = arith.addi %add3A_253, %scan3A_114 : i32
      %ge3A = arith.constant 128 : i32
      %ge3A_255 = arith.cmpi sge, %add3A_254, %ge3A : i32
      %and3A_256 = arith.constant 3 : i32
      %and3A_257 = arith.andi %add3A_254, %and3A_256 : i32
      %eq3A = arith.constant 3 : i32
      %eq3A_258 = arith.cmpi eq, %and3A_257, %eq3A : i32
      %and3A_259 = arith.andi %ge3A_255, %eq3A_258 : i1
      %convert_element_type3A = arith.extui %and3A_259 : i1 to i32
      %cond3A = arith.constant 0 : i32
      %cond3A_260 = arith.cmpi ne, %convert_element_type3A, %cond3A : i32
      scf.if %cond3A_260 {
        %mul3A_261 = arith.constant 2048 : i32
        %mul3A_262 = arith.muli %mul3A_4, %mul3A_261 : i32
        %dma_wait3A = arith.constant 0 : i32
        %dma_wait3A_263 = tpu.memref_slice %arg7[%dma_wait3A] : memref<24576xf32, #tpu.memory_space<vmem>> -> memref<4096xf32, #tpu.memory_space<vmem>>
        %dma_wait3A_264 = tpu.memref_slice %arg4[%mul3A_262] : memref<67108864xf32, #tpu.memory_space<hbm>> -> memref<4096xf32, #tpu.memory_space<hbm>>
        %dma_wait3A_265 = tpu.memref_slice %arg4[%mul3A_262] : memref<67108864xf32, #tpu.memory_space<hbm>> -> memref<4096xf32, #tpu.memory_space<hbm>>
        %dma_wait3A_266 = arith.constant 0 : i32
        %dma_wait3A_267 = tpu.memref_slice %arg7[%dma_wait3A_266] : memref<24576xf32, #tpu.memory_space<vmem>> -> memref<4096xf32, #tpu.memory_space<vmem>>
        tpu.wait_dma2 semaphore(%arg8 : memref<!tpu.dma_semaphore, #tpu.memory_space<semaphore_mem>>) src(%dma_wait3A_267 : memref<4096xf32, #tpu.memory_space<vmem>>) dst(%dma_wait3A_265 : memref<4096xf32, #tpu.memory_space<hbm>>)
      } else {
      }
    }
    %scan3A_107 = arith.constant 256 : i32
    %scan3A_108 = arith.constant 0 : i32
    %scan3A_109 = arith.constant 0 : i32
    %scan3A_110 = arith.constant 32 : i32
    %scan3A_111 = arith.addi %scan3A_109, %scan3A_110 : i32
    %scan3A_112 = arith.constant 1 : i32
    scf.for %scan3A_114 = %scan3A_109 to %scan3A_111 step %scan3A_112  : i32 {
      %mul3A_115 = arith.constant 2048 : i32
      %mul3A_116 = arith.muli %mul3A_4, %mul3A_115 : i32
      %dma_wait3A = arith.constant 0 : i32
      %dma_wait3A_117 = tpu.memref_slice %arg7[%dma_wait3A] : memref<24576xf32, #tpu.memory_space<vmem>> -> memref<4096xf32, #tpu.memory_space<vmem>>
      %dma_wait3A_118 = tpu.memref_slice %arg4[%mul3A_116] : memref<67108864xf32, #tpu.memory_space<hbm>> -> memref<4096xf32, #tpu.memory_space<hbm>>
      %dma_wait3A_119 = tpu.memref_slice %arg4[%mul3A_116] : memref<67108864xf32, #tpu.memory_space<hbm>> -> memref<4096xf32, #tpu.memory_space<hbm>>
      %dma_wait3A_120 = arith.constant 0 : i32
      %dma_wait3A_121 = tpu.memref_slice %arg7[%dma_wait3A_120] : memref<24576xf32, #tpu.memory_space<vmem>> -> memref<4096xf32, #tpu.memory_space<vmem>>
      tpu.wait_dma2 semaphore(%arg8 : memref<!tpu.dma_semaphore, #tpu.memory_space<semaphore_mem>>) src(%dma_wait3A_121 : memref<4096xf32, #tpu.memory_space<vmem>>) dst(%dma_wait3A_119 : memref<4096xf32, #tpu.memory_space<hbm>>)
    }
    %scan3A_113 = arith.constant 32 : i32
    return
  }
}

</mosaic_0001>

<sc_bundles>
// kernel: kernel.3.cloned.1.call-start
scs
__scs_entry_jumppad:
0x0: {  	(pc) =	sbr.rel $0x88, $3  }
0x1: {  	(tag) =	ssettag $0x0;
	lr =	simm.s32 $0x1  }
0x2: {  	[smem:$0x3F9E] =	sst lr;
	_ =	strace $0xD0000000  }
0x3: {  	_ = 	snop  }
0x4: {  	_ = 	snop  }
0x5: {  	_ = 	snop  }
0x6: {  	_ = 	snop  }
0x7: {  	_ = 	snop  }
__scs_overlays_trampoline_lowered:
0x8: {  	[smem:$0x3FAD] =	sst s0  }
0x9: {  	[smem:$0x3FAE] =	sst s1  }
0xa: {  	[smem:$0x3FAF] =	sst s2  }
0xb: {  	[smem:$0x3FB0] =	sst s3  }
0xc: {  	[smem:$0x3FB1] =	sst s4  }
0xd: {  	[smem:$0x3FB2] =	sst s5  }
0xe: {  	[smem:$0x3FB3] =	sst s6  }
0xf: {  	[smem:$0x3FB4] =	sst s7  }
0x10: {  	[smem:$0x3FB5] =	sst s8  }
0x11: {  	[smem:$0x3FB6] =	sst s9;
	s0 =	simm.s32 @!p0 $0x0  }
0x12: {  	s1 =	sld [smem:$0x3F9C];
	s0 =	simm.s32 @p0 $0x1  }
0x13: {  	[smem:$0x3FB7] =	sst s0;
	s0 =	simm.s32 @!p1 $0x0  }
0x14: {  	s2 =	sld [smem:$0x3F9B];
	s0 =	simm.s32 @p1 $0x1  }
0x15: {  	[smem:$0x3FB8] =	sst s0;
	s0 =	simm.s32 @!p2 $0x0  }
0x16: {  	s3 =	sld [smem:$0x3FDB];
	s0 =	simm.s32 @p2 $0x1  }
0x17: {  	s4 =	simm.s32 $0x1BF5;
	[smem:$0x3FBA] =	sst s0  }
0x18: {  	s0 =	sld [smem:$0x3F9D];
	_ =	swait.ge [sflag:s4], $0x0  }
0x19: {  	s7 =	sld [smem:$0x3F9E]  }
0x1a: {  	s8 =	sadd.s32 $0xFFFFE003, lr  }
0x1b: {  	s9 =	sadd.s32 $0xFFFFFEF7, lr;
	s5 =	simm.s32 $0xFFFFFFFF;
	p2 =	slt.u32 s8, $0xFFFFF086  }
0x1c: {  	p1 =	slt.u32 s9, $0xF7A;
	s5 =	simm.s32 @!p2 $0x0  }
0x1d: {  	s5 =	simm.s32 @p1 $0x1;
	p0 =	seq.s32 s7, s2  }
0x1e: {  	s7 =	smul.u32 @!p0 $0xF7A, s2;
	p2 =	seq.s32 @!p0 s5, $0x0  }
0x1f: {  	s9 =	smul.u32 $0xF7A, s1;
	s8 =	simm.s32 @!p0 $0x1BF5;
	p2 =	por !p2, p0  }
0x20: {  	[sflag:s8] =	ssyncset.s32 @!p0 $0xFFFFF086;
	s6 =	sadd.s32 @!p0 s3, s7;
	s7 =	simm.s32 @!p0 $0x108  }
0x21: {  	s3 =	sadd.s32 s3, s9;
	s6 =	sadd.s32 @!p0 $0x88, s6;
	s7 =	simm.s32 @p2 $0x1082  }
0x22: {  	[simem:s7], [sflag:s8] =	dma.local @!p0 [hbm:s6], $0xF7A  }
0x23: {  	s9 =	sor.u32 $0xD0000000, s2;
	s6 =	simm.s32 $0x108;
	_ =	swait.ge @!p0 [sflag:s8], $0x0  }
0x24: {  	s3 =	sadd.s32 $0x88, s3;
	s6 =	simm.s32 @!p1 $0x1082;
	[sflag:s4] =	ssyncset.s32 $0xFFFFF086  }
0x25: {  	[simem:s6], [sflag:s4] =	dma.local [hbm:s3], $0xF7A  }
0x26: {  	[smem:$0x3F9E] =	sst s1;
	(tag) =	ssettag s2;
	_ =	strace s9  }
0x27: {  	s1 =	sld [smem:$0x3FAE]  }
0x28: {  	s2 =	sld [smem:$0x3FAF]  }
0x29: {  	s4 =	sld [smem:$0x3FB1]  }
0x2a: {  	p0 =	seq.s32 s5, $0x0;
	s5 =	sld [smem:$0x3FB2]  }
0x2b: {  	s6 =	sld [smem:$0x3FB3]  }
0x2c: {  	s7 =	sld [smem:$0x3FB4]  }
0x2d: {  	s3 =	simm.s32 $0x108;
	s8 =	sld [smem:$0x3FB5]  }
0x2e: {  	s3 =	simm.s32 @!p0 $0x1082;
	s9 =	sld [smem:$0x3FB6]  }
0x2f: {  	lr =	sadd.s32 s0, s3;
	s0 =	sld [smem:$0x3FAD]  }
0x30: {  	s3 =	sld [smem:$0x3FB0]  }
0x31: {  	[smem:$0x3FB9] =	sst s10  }
0x32: {  	s10 =	sld [smem:$0x3FB7];
	_ =	sdelay $0x3  }
0x33: {  	p0 =	seq.s32 s10, $0x1;
	s10 =	sld [smem:$0x3FB9];
	_ =	sdelay $0x3  }
0x34: {  	[smem:$0x3FB9] =	sst s10  }
0x35: {  	s10 =	sld [smem:$0x3FB8];
	_ =	sdelay $0x3  }
0x36: {  	p1 =	seq.s32 s10, $0x1;
	s10 =	sld [smem:$0x3FB9];
	_ =	sdelay $0x3  }
0x37: {  	[smem:$0x3FB9] =	sst s10  }
0x38: {  	s10 =	sld [smem:$0x3FBA]  }
0x39: {  	_ = 	snop;
	(pc) =	sbr.ind lr, $3  }
0x3a: {  	_ = 	snop  }
0x3b: {  	_ = 	snop  }
0x3c: {  	p2 =	seq.s32 s10, $0x1;
	s10 =	sld [smem:$0x3FB9]  }
0x3d: {  	_ =	shalt  }
0x3e: {  	_ =	shalt  }
0x3f: {  	_ =	shalt  }
0x40: {  	_ =	shalt  }
0x41: {  	_ =	shalt  }
0x42: {  	_ =	shalt  }
0x43: {  	_ =	shalt  }
0x44: {  	_ =	shalt  }
0x45: {  	_ =	shalt  }
0x46: {  	_ =	shalt  }
0x47: {  	_ =	shalt  }
0x48: {  	_ =	shalt  }
0x49: {  	_ =	shalt  }
0x4a: {  	_ =	shalt  }
0x4b: {  	_ =	shalt  }
0x4c: {  	_ =	shalt  }
0x4d: {  	_ =	shalt  }
0x4e: {  	_ =	shalt  }
0x4f: {  	_ =	shalt  }
0x50: {  	_ =	shalt  }
0x51: {  	_ =	shalt  }
0x52: {  	_ =	shalt  }
0x53: {  	_ =	shalt  }
0x54: {  	_ =	shalt  }
0x55: {  	_ =	shalt  }
0x56: {  	_ =	shalt  }
0x57: {  	_ =	shalt  }
0x58: {  	_ =	shalt  }
0x59: {  	_ =	shalt  }
0x5a: {  	_ =	shalt  }
0x5b: {  	_ =	shalt  }
0x5c: {  	_ =	shalt  }
0x5d: {  	_ =	shalt  }
0x5e: {  	_ =	shalt  }
0x5f: {  	_ =	shalt  }
0x60: {  	_ =	shalt  }
0x61: {  	_ =	shalt  }
0x62: {  	_ =	shalt  }
0x63: {  	_ =	shalt  }
0x64: {  	_ =	shalt  }
0x65: {  	_ =	shalt  }
0x66: {  	_ =	shalt  }
0x67: {  	_ =	shalt  }
0x68: {  	_ =	shalt  }
0x69: {  	_ =	shalt  }
0x6a: {  	_ =	shalt  }
0x6b: {  	_ =	shalt  }
0x6c: {  	_ =	shalt  }
0x6d: {  	_ =	shalt  }
0x6e: {  	_ =	shalt  }
0x6f: {  	_ =	shalt  }
0x70: {  	_ =	shalt  }
0x71: {  	_ =	shalt  }
0x72: {  	_ =	shalt  }
0x73: {  	_ =	shalt  }
0x74: {  	_ =	shalt  }
0x75: {  	_ =	shalt  }
0x76: {  	_ =	shalt  }
0x77: {  	_ =	shalt  }
0x78: {  	_ =	shalt  }
0x79: {  	_ =	shalt  }
0x7a: {  	_ =	shalt  }
0x7b: {  	_ =	shalt  }
0x7c: {  	_ =	shalt  }
0x7d: {  	_ =	shalt  }
0x7e: {  	_ =	shalt  }
0x7f: {  	_ =	shalt  }
0x80: {  	_ =	shalt  }
0x81: {  	_ =	shalt  }
0x82: {  	_ =	shalt  }
0x83: {  	_ =	shalt  }
0x84: {  	_ =	shalt  }
0x85: {  	_ =	shalt  }
0x86: {  	_ =	shalt  }
0x87: {  	_ =	shalt  }
.Lfunc_end0:
.L_simem_size_0:
called_computation_lowered:
.L_overlay_start_0:
0x88: {  	s2 =	sld [smem:$0x3FD9]  }
0x89: {  	s3 =	sld [smem:$0x3FFE];
	_ =	sdelay $0x1  }
0x8a: {  	s1 =	srdreg.scid  }
0x8b: {  	s0 =	sand.u32 $0x1, s1  }
0x8c: {  	s17 =	sshll.u32 s0, $0xA;
	s2 =	sadd.s32 s3, s2  }
0x8d: {  	s2 =	sadd.s32 s2, s17  }
0x8e: {  	[smem:$0x3FC5] =	sst s2  }
0x8f: {  	_ = 	snop  }
0x90: {  	s2 =	sld [smem:$0x3FD0];
	(tm) =	ssettm $0x1  }
0x91: {  	s18 =	sld [smem:$0x3FFB];
	_ =	sdelay $0x3  }
0x92: {  	_ =	strace s18  }
0x93: {  	s3 =	sld [smem:$0x3FFC];
	_ =	sdelay $0x3  }
0x94: {  	_ =	strace s3  }
0x95: {  	s3 =	sld [smem:$0x3FFD];
	_ =	sdelay $0x3  }
0x96: {  	_ =	strace s3  }
0x97: {  	_ =	strace $0x8FFFFFFF  }
0x98: {  	s19 =	sld [smem:$0x3FDB];
	_ =	sdelay $0x1  }
0x99: {  	s4 =	simm.s32 $_scs_section_size  }
0x9a: {  	s5 =	simm.s32 $_size__tile_overlayer_lowered;
	s6 =	simm.s32 $_tile_overlayer_lowered  }
0x9b: {  	s22 =	simm.s32 $0x1BFF;
	s21 =	sshll.u32 s6, $0x1;
	s3 =	sadd.s32 s4, s19  }
0x9c: {  	s7 =	simm.s32 $0x0;
	s20 =	sshll.u32 s5, $0x1;
	s5 =	sadd.s32 s21, s3  }
0x9d: {  	[timem:s7], [sflag:s22] =	dma.local [hbm:s5], s20  }
0x9e: {  	_ =	swait.ge [sflag:s22], s20  }
0x9f: {  	s4 =	ssub.s32 $0x0, s20;
	[sflag:s22] =	ssyncset.done $0x0  }
0xa0: {  	[sflag:s22] =	ssyncadd.s32 s4;
	_ =	sdelay $0x1  }
0xa1: {  	s23 =	simm.s32 $0x1B8B  }
0xa2: {  	_ =	swait.ge [sflag:s23], $0x1  }
0xa3: {  	[sflag:s23] =	ssyncset.done $0x0  }
0xa4: {  	s25 =	simm.s32 $0x1B8E;
	s24 =	sld [smem:$0x3FFE];
	[sflag:s23] =	ssyncadd.s32 $0xFFFFFFFF  }
0xa5: {  	s26 =	simm.s32 $execute0_lowered;
	[smem:$0x3FD2] =	sst s25  }
0xa6: {  	s5 =	sshll.u32 s26, $0x1;
	_ =	strace $0x80000046;
	[dreg:$0x1] =	wrdreg $0xFFFFFFFF  }
0xa7: {  	s28 =	simm.s32 $_size_execute0_lowered;
	s3 =	sadd.s32 s3, s5;
	[dreg:$0x0] =	wrdreg $0x0  }
0xa8: {  	s5 =	sshll.u32 s28, $0x1;
	[dreg:$0x2] =	wrdreg s3  }
0xa9: {  	[dreg:$0x3] =	wrdreg s5  }
0xaa: {  	[dreg:$0x4] =	wrdreg $0xC0  }
0xab: {  	_ =	task [dreg:s7], $0x5FFFF  }
0xac: {  	[dreg:$0x1] =	wrdreg $0xFFFFFFFF  }
0xad: {  	[dreg:$0x0] =	wrdreg $0x60  }
0xae: {  	[dreg:$0x2] =	wrdreg s24  }
0xaf: {  	[dreg:$0x3] =	wrdreg s2  }
0xb0: {  	[dreg:$0x4] =	wrdreg $0x9  }
0xb1: {  	_ =	task.clear_ibuf [dreg:s7], $0x5FFFF;
	_ =	strace $0x90000046  }
0xb2: {  	s29 =	simm.s32 $0x9;
	_ =	strace $0x80000048  }
0xb3: {  	_ =	swait.ge [sflag:s29], $0x1  }
0xb4: {  	[sflag:s29] =	ssyncadd.s32 $0xFFFFFFFF  }
0xb5: {  	_ =	strace $0x90000048  }
0xb6: {  	_ =	sfence  }
0xb7: {  	s30 =	sld [smem:$0x0];
	_ =	sdelay $0x2  }
0xb8: {  	s31 =	sshll.u32 s1, $0xD;
	s1 =	sshrl.u32 s1, $0x2  }
0xb9: {  	s3 =	sand.u32 $0x4000, s31;
	s1 =	sadd.s32 s1, s30  }
0xba: {  	s0 =	sor.u32 s3, s0;
	s1 =	sshll.u32 s1, $0x11  }
0xbb: {  	s0 =	sor.u32 s1, s0  }
0xbc: {  	s0 =	sadd.s32 $0x8F2B, s0  }
0xbd: {  	[sflag:s0] =	ssyncadd.remote.s32 $0x1  }
0xbe: {  	_ =	sfence.sel $0xFFFF  }
0xbf: {  	[dreg:$0x0] =	wrdreg $0xFFFFFFFF;
	(pc) =	sbr.abs _section_cstart, $3  }
0xc0: {  	[dreg:$0x1] =	wrdreg $0xFFFFFFFF  }
0xc1: {  	_ =	task.clear_ibuf [dreg:s7], $0x2FFFF;
	_ =	strace $0x9FFFFFFF  }
0xc2: {  	(tm) =	ssettm $0x7FFFFFFF  }
0xc3: {  	_ =	shalt  }
tec
execute0_lowered:
.L_overlay_start_1:
0x0: {  	(tag) =	ssettag $0x1  }
0x1: {  	s0 =	rddreg [dreg:$0x0]  }
0x2: {  	s22 =	rddreg [dreg:$0x1];
	s2 =	simm.s32 $0x0  }
0x3: {  	[smem:$0x7FF] =	sst s2;
	s1 =	sadd.s32 $0x400, s0  }
0x4: {  	s0 =	sadd.s32 $0x600, s0;
	_ =	strace $0x80000047;
	[dreg:$0x1d] =	wrdreg s1  }
0x5: {  	s7 =	sadd.s32 $0x80, s22;
	[dreg:$0x1e] =	wrdreg s0  }
0x6: {  	s5 =	srdreg.scid;
	s8 =	sadd.s32 $0x100, s22;
	[dreg:$0x3] =	wrdreg s7  }
0x7: {  	s6 =	sand.u32 $0x1, s5;
	s5 =	sadd.s32 $0x180, s22;
	[dreg:$0x4] =	wrdreg s8  }
0x8: {  	s9 =	sadd.s32 $0x10, s22;
	[dreg:$0x5] =	wrdreg s5  }
0x9: {  	s11 =	sadd.s32 $0x90, s22;
	[dreg:$0x6] =	wrdreg s9  }
0xa: {  	s14 =	sadd.s32 $0x110, s22;
	[dreg:$0x7] =	wrdreg s11  }
0xb: {  	s16 =	sadd.s32 $0x20, s22;
	[dreg:$0x8] =	wrdreg s14  }
0xc: {  	s17 =	sadd.s32 $0xA0, s22;
	[dreg:$0x9] =	wrdreg s16  }
0xd: {  	s18 =	sadd.s32 $0x120, s22;
	[dreg:$0xa] =	wrdreg s17  }
0xe: {  	s19 =	sadd.s32 $0x30, s22;
	[dreg:$0xb] =	wrdreg s18  }
0xf: {  	s20 =	sadd.s32 $0xB0, s22;
	[dreg:$0xc] =	wrdreg s19  }
0x10: {  	s21 =	sadd.s32 $0x130, s22;
	[dreg:$0xd] =	wrdreg s20  }
0x11: {  	s23 =	sadd.s32 $0x40, s22;
	[dreg:$0xe] =	wrdreg s21  }
0x12: {  	s24 =	sadd.s32 $0xC0, s22;
	[dreg:$0xf] =	wrdreg s23  }
0x13: {  	s25 =	sadd.s32 $0x280, s22;
	[dreg:$0x10] =	wrdreg s24  }
0x14: {  	s30 =	sadd.s32 $0x300, s22;
	[dreg:$0x1f] =	wrdreg s25  }
0x15: {  	s31 =	sadd.s32 $0x380, s22;
	[smem:$0x7FC] =	sst s30  }
0x16: {  	s5 =	sadd.s32 $0x210, s22;
	[smem:$0x7FD] =	sst s31  }
0x17: {  	s8 =	sadd.s32 $0x290, s22;
	[dreg:$0x1b] =	wrdreg s5  }
0x18: {  	s7 =	sadd.s32 $0x140, s22;
	[smem:$0x7E4] =	sst s8  }
0x19: {  	s9 =	sadd.s32 $0x50, s22;
	[dreg:$0x11] =	wrdreg s7  }
0x1a: {  	s14 =	sadd.s32 $0x390, s22;
	[dreg:$0x12] =	wrdreg s9  }
0x1b: {  	s11 =	sadd.s32 $0xD0, s22;
	[smem:$0x7E6] =	sst s14  }
0x1c: {  	s18 =	sadd.s32 $0x220, s22;
	[dreg:$0x13] =	wrdreg s11  }
0x1d: {  	s17 =	sadd.s32 $0x60, s22;
	[smem:$0x7E7] =	sst s18  }
0x1e: {  	s13 =	stileid.u32;
	s20 =	sadd.s32 $0x2A0, s22;
	[dreg:$0x15] =	wrdreg s17  }
0x1f: {  	s15 =	sshll.u32 s13, $0x13;
	s19 =	sadd.s32 $0xE0, s22;
	[smem:$0x7E8] =	sst s20  }
0x20: {  	s3 =	ssub.s32 $0x2, s6;
	s23 =	sadd.s32 $0x320, s22;
	[dreg:$0x16] =	wrdreg s19  }
0x21: {  	s10 =	sshll.u32 s6, $0xA;
	s21 =	sadd.s32 $0x160, s22;
	[dreg:$0x1c] =	wrdreg s23  }
0x22: {  	s1 =	sshll.u32 s6, $0x12;
	s24 =	sadd.s32 $0x70, s22;
	[dreg:$0x17] =	wrdreg s21  }
0x23: {  	s12 =	sxor.u32 $0xFFFFFC80, s10;
	s10 =	sadd.s32 $0x310, s22;
	[dreg:$0x18] =	wrdreg s24  }
0x24: {  	s6 =	sor.u32 s15, s1;
	s15 =	sadd.s32 $0x150, s22;
	[smem:$0x7E5] =	sst s10  }
0x25: {  	s7 =	sadd.s32 $0x3A0, s22;
	[dreg:$0x14] =	wrdreg s15  }
0x26: {  	s8 =	sadd.s32 $0xF0, s22;
	[smem:$0x7E9] =	sst s7  }
0x27: {  	s11 =	sadd.s32 $0x2B0, s22;
	[dreg:$0x19] =	wrdreg s8  }
0x28: {  	s14 =	sadd.s32 $0x3B0, s22;
	[smem:$0x7EB] =	sst s11  }
0x29: {  	s26 =	sadd.s32 $0x200, s22;
	s17 =	sadd.s32 $0x3C0, s22;
	[smem:$0x7ED] =	sst s14  }
0x2a: {  	v2 =	vmov s13;
	s13 =	sadd.s32 $0x270, s22;
	s20 =	sadd.s32 $0x2D0, s22;
	[smem:$0x7F0] =	sst s17  }
0x2b: {  	s28 =	smov.u32 s22;
	s23 =	sadd.s32 $0x2E0, s22;
	[smem:$0x7F2] =	sst s20  }
0x2c: {  	s16 =	sadd.s32 $0x1A0, s22;
	s24 =	sadd.s32 $0x1C0, s22;
	[smem:$0x7F5] =	sst s23  }
0x2d: {  	s29 =	smov.u32 s26;
	s18 =	sadd.s32 $0x1D0, s22;
	[smem:$0x7F9] =	sst s24  }
0x2e: {  	s4 =	sshrl.u32 s3, $0x1;
	s21 =	sadd.s32 $0x1E0, s22;
	[smem:$0x7FA] =	sst s18  }
0x2f: {  	s9 =	sadd.s32 $0x1B0, s22;
	s7 =	sadd.s32 $0x230, s22;
	[smem:$0x7FB] =	sst s21  }
0x30: {  	s5 =	sadd.s32 $0x330, s22;
	s10 =	sadd.s32 $0x170, s22;
	[smem:$0x7EA] =	sst s7  }
0x31: {  	s1 =	sadd.s32 $0x340, s22;
	s15 =	sadd.s32 $0x240, s22;
	[dreg:$0x1a] =	wrdreg s10  }
0x32: {  	s0 =	ssub.s32 s3, s4;
	s8 =	sadd.s32 $0x250, s22;
	[smem:$0x7EE] =	sst s15  }
0x33: {  	s4 =	smov.u32 s9;
	s9 =	sadd.s32 $0x3D0, s22;
	[smem:$0x7F1] =	sst s8  }
0x34: {  	s19 =	simm.s32 $0x0;
	s3 =	sadd.s32 $0x190, s22;
	[smem:$0x7F3] =	sst s9  }
0x35: {  	s11 =	sadd.s32 $0x3E0, s22;
	s0 =	smax.u32 s0, $0x1;
	[smem:$0x7F8] =	sst s4  }
0x36: {  	s10 =	sadd.s32 $0x260, s22;
	[smem:$0x7EC] =	sst s0;
	s0 =	smov.u32 s3  }
0x37: {  	v0 =	vlaneseq.u32;
	s3 =	smov.u32 s16;
	s16 =	sadd.s32 $0x2C0, s22;
	[smem:$0x7F4] =	sst s10  }
0x38: {  	v3 =	vadd.s32 $0x7, v0;
	v1 =	vmov s12;
	s12 =	sadd.s32 $0x1F0, s22;
	s14 =	sadd.s32 $0x2F0, s22;
	[smem:$0x7EF] =	sst s16  }
0x39: {  	v4 =	vadd.s32 $0x6, v0;
	v5 =	vadd.s32 $0x5, v0;
	v6 =	vadd.s32 $0x4, v0;
	s8 =	sadd.s32 $0x350, s22;
	s15 =	sadd.s32 $0x370, s22;
	[smem:$0x7F6] =	sst s0  }
0x3a: {  	v7 =	vadd.s32 $0x3, v0;
	v8 =	vadd.s32 $0x2, v0;
	v9 =	vadd.s32 $0x1, v0;
	s10 =	sadd.s32 $0x360, s22;
	s16 =	sadd.s32 $0x3F0, s22;
	[smem:$0x7F7] =	sst s3  }
.LBB2_1:
0x3b: {  	[smem:$0x7E3] =	sst s19  }
0x3c: {  	s17 =	rddreg [dreg:$0x1d];
	s18 =	simm.s32 $0x2  }
0x3d: {  	[tilespmem:s2], [sflag:$0x2] =	stream.linear.gather [hbm4b:s17+s2], $0x1000, $0x38;
	[tilespmem:$0x7080] =	vst v63  }
0x3e: {  	_ =	swait.ge [sflag:s18], $0x1000  }
0x3f: {  	[sflag:s18] =	ssyncset.done $0x0  }
0x40: {  	s20 =	simm.s32 $0x1000;
	s19 =	rddreg [dreg:$0x1e];
	[sflag:s18] =	ssyncadd.s32 $0xFFFFF000  }
0x41: {  	[tilespmem:s20], [sflag:$0x2] =	stream.linear.gather [hbm4b:s19+s2], $0x80, $0x38;
	[tilespmem:$0x7080] =	vst v63  }
0x42: {  	_ =	swait.ge [sflag:s18], $0x80  }
0x43: {  	[sflag:s18] =	ssyncset.done $0x0  }
0x44: {  	[sflag:s18] =	ssyncadd.s32 $0xFFFFFF80  }
0x45: {  	v10 =	vld [tilespmem:$0x1000];
	_ =	sdelay $0x4  }
0x46: {  	v10 =	vadd.s32 v1, v10  }
0x47: {  	v11 =	vadd.s32 v3, v10  }
0x48: {  	v12 =	vadd.s32 s2, v11  }
0x49: {  	vm0 =	vgt.s32 v12, $0x0  }
0x4a: {  	v12 =	vnsel vm0, $0x0, v12  }
0x4b: {  	v12 =	vmin.u32 v12, $0xFE  }
0x4c: {  	v12 =	vshll.u32 v12, $0x4  }
0x4d: {  	s21 =	simm.s32 $0x10;
	v12 =	vor.u32 v2, v12  }
0x4e: {  	v13 =	vadd.s32 s21, v11  }
0x4f: {  	vm14 =	vgt.s32 v13, $0x0  }
0x50: {  	v13 =	vnsel vm14, $0x0, v13  }
0x51: {  	v13 =	vmin.u32 v13, $0xFE  }
0x52: {  	v13 =	vshll.u32 v13, $0x4;
	v12 =	vld.idx.msk [tilespmem:v12+s2+$0x0], $0xffff  }
0x53: {  	s23 =	simm.s32 $0x20;
	v13 =	vor.u32 v2, v13  }
0x54: {  	v14 =	vadd.s32 s23, v11  }
0x55: {  	vm15 =	vgt.s32 v14, $0x0  }
0x56: {  	s18 =	simm.s32 $0x1080;
	v14 =	vnsel vm15, $0x0, v14  }
0x57: {  	v14 =	vmin.u32 v14, $0xFE;
	[tilespmem:s18+$0x0] =	vst v12  }
0x58: {  	v14 =	vshll.u32 v14, $0x4;
	v12 =	vld.idx.msk [tilespmem:v13+s2+$0x0], $0xffff  }
0x59: {  	v13 =	vor.u32 v2, v14  }
0x5a: {  	s24 =	simm.s32 $0x30  }
0x5b: {  	s19 =	simm.s32 $0x40;
	v14 =	vadd.s32 s24, v11  }
.LBB2_2:
0x5c: {  	p0 =	seq.s32 s19, $0xBF0;
	vm0 =	vgt.s32 v14, $0x0;
	s18 =	sadd.s32 $0x10, s18  }
0x5d: {  	s17 =	simm.s32 $0x0;
	v14 =	vnsel vm0, $0x0, v14;
	[tilespmem:s18+$0x0] =	vst v12  }
.Ltmp0:
0x5e: {  	v14 =	vmin.u32 v14, $0xFE;
	v12 =	vld.idx.msk [tilespmem:v13+s17+$0x0], $0xffff;
	(pc) =	sbr.rel @!p0 .LBB2_2-.Ltmp0, $3  }
0x5f: {  	v13 =	vshll.u32 v14, $0x4  }
0x60: {  	v13 =	vor.u32 v2, v13;
	_ =	sdelay $0x1  }
0x61: {  	v14 =	vadd.s32 s19, v11;
	s19 =	sadd.s32 $0x10, s19  }
0x62: {  	_ = 	snop  }
0x63: {  	vm0 =	vgt.s32 v14, $0x0  }
0x64: {  	s18 =	sadd.s32 $0x10, s18;
	v11 =	vnsel vm0, $0x0, v14  }
0x65: {  	[tilespmem:s18+$0x0] =	vst v12;
	v11 =	vmin.u32 v11, $0xFE  }
0x66: {  	v12 =	vld.idx.msk [tilespmem:v13+s17+$0x0], $0xffff;
	v11 =	vshll.u32 v11, $0x4  }
0x67: {  	v11 =	vor.u32 v2, v11;
	_ =	sdelay $0x2  }
0x68: {  	s18 =	sadd.s32 $0x10, s18  }
0x69: {  	[tilespmem:s18+$0x0] =	vst v12  }
0x6a: {  	p1 =	por $0x0, $0x0;
	v11 =	vld.idx.msk [tilespmem:v11+s17+$0x0], $0xffff  }
.Ltmp1:
0x6b: {  	_ = 	snop;
	(pc) =	sbr.rel @p1 .LBB2_4-.Ltmp1, $3  }
0x6c: {  	_ =	sdelay $0x1  }
0x6d: {  	s18 =	sadd.s32 $0x10, s18  }
0x6e: {  	p0 =	por $0x0, $0x0;
	[tilespmem:s18+$0x0] =	vst v11;
	s18 =	simm.s32 $0x400  }
0x6f: {  	s19 =	sand.u32 $0x400, s17;
	s20 =	simm.s32 $0x0  }
0x70: {  	s23 =	rddreg [dreg:$0x3];
	s20 =	ssub.s32 s19, s20  }
0x71: {  	s9 =	rddreg [dreg:$0x4];
	s0 =	sadd.s32 $0x1478, s20  }
0x72: {  	[smem:$0x7E2] =	sst s0  }
0x73: {  	s21 =	sadd.s32 $0x0, s6;
	s30 =	smov.u32 s31;
	s31 =	sld [smem:$0x7E2]  }
0x74: {  	s3 =	rddreg [dreg:$0x5];
	p0 =	por $0x1, $0x1;
	s19 =	sor.u32 s19, s21  }
0x75: {  	p3 =	por $0x0, $0x0;
	s21 =	sadd.s32 s22, s19;
	s24 =	sadd.s32 $0x14F8, s20  }
0x76: {  	[hbm4b:s21+s2] =	stream.linear.scatter [tilespmem:s31], [sflag:$0x1], $0x80, $0x38;
	[tilespmem:$0x7080] =	vst v63  }
0x77: {  	s4 =	sadd.s32 $0x1578, s20;
	s7 =	sadd.s32 s19, s3;
	s31 =	sadd.s32 s19, s23  }
0x78: {  	[hbm4b:s31+s2] =	stream.linear.scatter [tilespmem:s24], [sflag:$0x1], $0x80, $0x38;
	[tilespmem:$0x7080] =	vst v63  }
0x79: {  	s3 =	sadd.s32 s19, s25;
	s0 =	sadd.s32 s19, s9;
	s9 =	sadd.s32 $0x15F8, s20  }
0x7a: {  	[hbm4b:s0+s2] =	stream.linear.scatter [tilespmem:s4], [sflag:$0x1], $0x80, $0x38;
	[tilespmem:$0x7080] =	vst v63  }
0x7b: {  	s23 =	sadd.s32 s19, s26;
	s24 =	sadd.s32 $0x1678, s20;
	s31 =	sld [smem:$0x7FC]  }
0x7c: {  	[hbm4b:s7+s2] =	stream.linear.scatter [tilespmem:s9], [sflag:$0x1], $0x80, $0x38;
	[tilespmem:$0x7080] =	vst v63  }
0x7d: {  	s4 =	sadd.s32 $0x16F8, s20;
	s0 =	sand.u32 $0x3, s17;
	s17 =	simm.s32 $0x1  }
0x7e: {  	[hbm4b:s23+s2] =	stream.linear.scatter [tilespmem:s24], [sflag:$0x1], $0x80, $0x38;
	[tilespmem:$0x7080] =	vst v63  }
0x7f: {  	p1 =	sne.s32 @!p0 s0, $0x3;
	s0 =	smov.u32 s30;
	s7 =	sadd.s32 s19, s31  }
0x80: {  	[hbm4b:s3+s2] =	stream.linear.scatter [tilespmem:s4], [sflag:$0x1], $0x80, $0x38;
	[tilespmem:$0x7080] =	vst v63  }
.Ltmp2:
0x81: {  	s9 =	sadd.s32 $0x1778, s20;
	p2 =	por p1, p0;
	(pc) =	sbr.rel @p3 .LBB2_6-.Ltmp2, $4  }
0x82: {  	p0 =	por $0x1, $0x1;
	s23 =	sadd.s32 s19, s30;
	s24 =	sadd.s32 $0x17F8, s20  }
0x83: {  	[hbm4b:s7+s2] =	stream.linear.scatter [tilespmem:s9], [sflag:$0x1], $0x80, $0x38;
	[tilespmem:$0x7080] =	vst v63  }
0x84: {  	s19 =	simm.s32 $0x800;
	s20 =	simm.s32 @!p2 $0x1;
	s30 =	smov.u32 s25  }
0x85: {  	[hbm4b:s23+s2] =	stream.linear.scatter [tilespmem:s24], [sflag:$0x1], $0x80, $0x38;
	[tilespmem:$0x7080] =	vst v63  }
.LBB2_7:
0x86: {  	s21 =	sshrl.u32 s17, $0x1  }
0x87: {  	s22 =	sand.u32 $0x400, s18;
	_ =	swait.ge @!p2 [sflag:s20], $0x1000;
	s18 =	smov.u32 s19  }
0x88: {  	s19 =	sadd.s32 $0x400, s19;
	s23 =	sshll.u32 s21, $0x3;
	s21 =	sshll.u32 s21, $0xB  }
0x89: {  	[sflag:s20] =	ssyncset.done @!p2 $0x0;
	s3 =	rddreg [dreg:$0x3];
	s21 =	sadd.s32 s6, s21  }
0x8a: {  	s23 =	ssub.s32 s22, s23;
	[sflag:s20] =	ssyncadd.s32 @!p2 $0xFFFFF000;
	s20 =	sor.u32 s22, s21  }
0x8b: {  	s26 =	rddreg [dreg:$0x4];
	s24 =	sadd.s32 $0x1478, s23;
	s25 =	sadd.s32 s28, s20  }
0x8c: {  	[hbm4b:s25+s2] =	stream.linear.scatter [tilespmem:s24], [sflag:$0x1], $0x80, $0x38;
	[tilespmem:$0x7080] =	vst v63  }
0x8d: {  	s9 =	rddreg [dreg:$0x5];
	s7 =	sadd.s32 $0x14F8, s23;
	s4 =	sadd.s32 s20, s3  }
0x8e: {  	[hbm4b:s4+s2] =	stream.linear.scatter [tilespmem:s7], [sflag:$0x1], $0x80, $0x38;
	[tilespmem:$0x7080] =	vst v63  }
0x8f: {  	p1 =	seq.s32 s19, $0x40000;
	s22 =	sadd.s32 s20, s26;
	s24 =	sadd.s32 $0x1578, s23  }
0x90: {  	[hbm4b:s22+s2] =	stream.linear.scatter [tilespmem:s24], [sflag:$0x1], $0x80, $0x38;
	[tilespmem:$0x7080] =	vst v63  }
0x91: {  	p2 =	slt.u32 s17, $0x80;
	s26 =	sadd.s32 $0x15F8, s23;
	s25 =	sadd.s32 s20, s9  }
0x92: {  	[hbm4b:s25+s2] =	stream.linear.scatter [tilespmem:s26], [sflag:$0x1], $0x80, $0x38;
	[tilespmem:$0x7080] =	vst v63  }
0x93: {  	s3 =	sadd.s32 s20, s29;
	s9 =	sadd.s32 $0x16F8, s23;
	s4 =	sadd.s32 $0x1678, s23  }
0x94: {  	[hbm4b:s3+s2] =	stream.linear.scatter [tilespmem:s4], [sflag:$0x1], $0x80, $0x38;
	[tilespmem:$0x7080] =	vst v63  }
0x95: {  	s7 =	sadd.s32 s20, s30;
	s22 =	sadd.s32 s20, s31;
	s25 =	sand.u32 $0x3, s17  }
0x96: {  	[hbm4b:s7+s2] =	stream.linear.scatter [tilespmem:s9], [sflag:$0x1], $0x80, $0x38;
	[tilespmem:$0x7080] =	vst v63  }
.Ltmp3:
0x97: {  	s24 =	sadd.s32 $0x1778, s23;
	p3 =	sne.s32 @!p2 s25, $0x3;
	(pc) =	sbr.rel @!p1 .LBB2_7-.Ltmp3, $4  }
0x98: {  	[hbm4b:s22+s2] =	stream.linear.scatter [tilespmem:s24], [sflag:$0x1], $0x80, $0x38;
	[tilespmem:$0x7080] =	vst v63  }
0x99: {  	s20 =	sadd.s32 s20, s0;
	s26 =	sadd.s32 $0x17F8, s23;
	p2 =	por p3, p2  }
0x9a: {  	[hbm4b:s20+s2] =	stream.linear.scatter [tilespmem:s26], [sflag:$0x1], $0x80, $0x38;
	[tilespmem:$0x7080] =	vst v63  }
0x9b: {  	s17 =	sadd.s32 $0x1, s17;
	s20 =	simm.s32 @!p2 $0x1  }
0x9c: {  	s26 =	smov.u32 s29;
	s22 =	smov.u32 s28;
	s25 =	smov.u32 s30  }
0x9d: {  	s30 =	smov.u32 s31;
	s31 =	smov.u32 s0;
	s0 =	sld [smem:$0x7F6]  }
.LBB2_9:
0x9e: {  	s19 =	sshrl.u32 s17, $0x1;
	p0 =	por p2, !p0  }
0x9f: {  	_ =	swait.ge @!p0 [sflag:s20], $0x1000;
	s21 =	sshll.u32 s19, $0x3;
	s19 =	sshll.u32 s19, $0xB  }
0xa0: {  	s18 =	sand.u32 $0x400, s18;
	[sflag:s20] =	ssyncset.done @!p0 $0x0;
	s19 =	sadd.s32 s6, s19  }
0xa1: {  	s21 =	ssub.s32 s18, s21;
	s7 =	rddreg [dreg:$0x3];
	s18 =	sor.u32 s18, s19  }
0xa2: {  	[sflag:s20] =	ssyncadd.s32 @!p0 $0xFFFFF000;
	s9 =	sadd.s32 $0x1478, s21;
	s22 =	sadd.s32 s22, s18  }
0xa3: {  	[hbm4b:s22+s2] =	stream.linear.scatter [tilespmem:s9], [sflag:$0x1], $0x80, $0x38;
	[tilespmem:$0x7080] =	vst v63  }
0xa4: {  	s23 =	rddreg [dreg:$0x4];
	s19 =	sadd.s32 s18, s7;
	s22 =	sadd.s32 $0x14F8, s21  }
0xa5: {  	[hbm4b:s19+s2] =	stream.linear.scatter [tilespmem:s22], [sflag:$0x1], $0x80, $0x38;
	[tilespmem:$0x7080] =	vst v63  }
0xa6: {  	s24 =	rddreg [dreg:$0x5];
	s4 =	sadd.s32 $0x1578, s21;
	s3 =	sadd.s32 s18, s23  }
0xa7: {  	[hbm4b:s3+s2] =	stream.linear.scatter [tilespmem:s4], [sflag:$0x1], $0x80, $0x38;
	[tilespmem:$0x7080] =	vst v63  }
0xa8: {  	s7 =	sadd.s32 s18, s24;
	s9 =	sadd.s32 $0x15F8, s21  }
0xa9: {  	[hbm4b:s7+s2] =	stream.linear.scatter [tilespmem:s9], [sflag:$0x1], $0x80, $0x38;
	[tilespmem:$0x7080] =	vst v63  }
0xaa: {  	s20 =	sadd.s32 s18, s26;
	s22 =	sadd.s32 $0x1678, s21  }
0xab: {  	[hbm4b:s20+s2] =	stream.linear.scatter [tilespmem:s22], [sflag:$0x1], $0x80, $0x38;
	[tilespmem:$0x7080] =	vst v63  }
0xac: {  	p0 =	slt.u32 s17, $0x80;
	s22 =	sand.u32 $0x3, s17  }
0xad: {  	s23 =	sadd.s32 s18, s25;
	s24 =	sadd.s32 $0x16F8, s21;
	p1 =	sne.s32 @!p0 s22, $0x3  }
0xae: {  	[hbm4b:s23+s2] =	stream.linear.scatter [tilespmem:s24], [sflag:$0x1], $0x80, $0x38;
	[tilespmem:$0x7080] =	vst v63  }
0xaf: {  	s25 =	sadd.s32 s18, s30;
	s26 =	sadd.s32 $0x1778, s21;
	p0 =	por p1, p0  }
0xb0: {  	[hbm4b:s25+s2] =	stream.linear.scatter [tilespmem:s26], [sflag:$0x1], $0x80, $0x38;
	[tilespmem:$0x7080] =	vst v63  }
0xb1: {  	s30 =	sadd.s32 s18, s31;
	s31 =	sadd.s32 $0x17F8, s21;
	s17 =	simm.s32 @!p0 $0x1  }
0xb2: {  	[hbm4b:s30+s2] =	stream.linear.scatter [tilespmem:s31], [sflag:$0x1], $0x80, $0x38;
	[tilespmem:$0x7080] =	vst v63  }
0xb3: {  	_ =	swait.ge @!p0 [sflag:s17], $0x1000  }
0xb4: {  	[sflag:s17] =	ssyncset.done @!p0 $0x0  }
0xb5: {  	v11 =	vadd.s32 v4, v10;
	[sflag:s17] =	ssyncadd.s32 @!p0 $0xFFFFF000;
	s17 =	simm.s32 $0x0  }
0xb6: {  	v12 =	vadd.s32 s17, v11  }
0xb7: {  	vm0 =	vgt.s32 v12, $0x0  }
0xb8: {  	v12 =	vnsel vm0, $0x0, v12  }
0xb9: {  	v12 =	vmin.u32 v12, $0xFE  }
0xba: {  	v12 =	vshll.u32 v12, $0x4  }
0xbb: {  	s18 =	simm.s32 $0x10;
	v12 =	vor.u32 v2, v12  }
0xbc: {  	v13 =	vadd.s32 s18, v11  }
0xbd: {  	vm15 =	vgt.s32 v13, $0x0  }
0xbe: {  	v13 =	vnsel vm15, $0x0, v13  }
0xbf: {  	v13 =	vmin.u32 v13, $0xFE  }
0xc0: {  	v14 =	vshll.u32 v13, $0x4;
	v13 =	vld.idx.msk [tilespmem:v12+s17+$0x0], $0xffff  }
0xc1: {  	v12 =	vor.u32 v2, v14  }
0xc2: {  	s19 =	simm.s32 $0x20  }
0xc3: {  	s21 =	simm.s32 $0x30;
	s20 =	simm.s32 $0x0;
	s26 =	rddreg [dreg:$0x1b];
	v14 =	vadd.s32 s19, v11  }
.LBB2_10:
0xc4: {  	p0 =	seq.s32 s21, $0xBF0;
	vm0 =	vgt.s32 v14, $0x0;
	s22 =	sand.u32 $0xFF0, s20;
	s20 =	smov.u32 s18  }
0xc5: {  	s18 =	smov.u32 s19;
	s19 =	smov.u32 s21;
	v14 =	vnsel vm0, $0x0, v14;
	[tilespmem:s22+$0x1C80] =	vst v13  }
.Ltmp4:
0xc6: {  	v14 =	vmin.u32 v14, $0xFE;
	v13 =	vld.idx.msk [tilespmem:v12+s17+$0x0], $0xffff;
	(pc) =	sbr.rel @!p0 .LBB2_10-.Ltmp4, $3  }
0xc7: {  	v12 =	vshll.u32 v14, $0x4  }
0xc8: {  	v12 =	vor.u32 v2, v12;
	_ =	sdelay $0x1  }
0xc9: {  	s21 =	sadd.s32 $0x10, s21;
	v14 =	vadd.s32 s19, v11  }
0xca: {  	_ = 	snop  }
0xcb: {  	vm0 =	vgt.s32 v14, $0x0  }
0xcc: {  	s20 =	sand.u32 $0xFF0, s20;
	v11 =	vnsel vm0, $0x0, v14  }
0xcd: {  	[tilespmem:s20+$0x1C80] =	vst v13;
	v11 =	vmin.u32 v11, $0xFE  }
0xce: {  	v12 =	vld.idx.msk [tilespmem:v12+s17+$0x0], $0xffff;
	v11 =	vshll.u32 v11, $0x4  }
0xcf: {  	v11 =	vor.u32 v2, v11;
	_ =	sdelay $0x2  }
0xd0: {  	s18 =	sand.u32 $0xFF0, s18  }
0xd1: {  	[tilespmem:s18+$0x1C80] =	vst v12  }
0xd2: {  	v11 =	vld.idx.msk [tilespmem:v11+s17+$0x0], $0xffff  }
0xd3: {  	s24 =	rddreg [dreg:$0x6]  }
0xd4: {  	s23 =	sand.u32 $0xFF0, s19;
	s25 =	sand.u32 $0x400, s17;
	s4 =	rddreg [dreg:$0x7]  }
0xd5: {  	s3 =	simm.s32 $0x0;
	s21 =	sadd.s32 $0x0, s6;
	s30 =	sld [smem:$0x7E4]  }
0xd6: {  	s31 =	sld [smem:$0x7E5];
	s20 =	ssub.s32 s25, s3;
	s19 =	sor.u32 s25, s21  }
0xd7: {  	s22 =	sadd.s32 $0x2078, s20;
	s7 =	sadd.s32 s19, s4;
	s18 =	sadd.s32 s19, s24;
	[tilespmem:s23+$0x1C80] =	vst v11  }
0xd8: {  	[hbm4b:s18+s2] =	stream.linear.scatter [tilespmem:s22], [sflag:$0x1], $0x80, $0x38;
	[tilespmem:$0x7080] =	vst v63  }
0xd9: {  	s9 =	sadd.s32 $0x20F8, s20;
	s25 =	sadd.s32 $0x21F8, s20;
	s23 =	rddreg [dreg:$0x8]  }
0xda: {  	[hbm4b:s7+s2] =	stream.linear.scatter [tilespmem:s9], [sflag:$0x1], $0x80, $0x38;
	[tilespmem:$0x7080] =	vst v63  }
0xdb: {  	s26 =	sadd.s32 s19, s26;
	s22 =	sadd.s32 s19, s23;
	s23 =	sadd.s32 $0x2178, s20  }
0xdc: {  	[hbm4b:s22+s2] =	stream.linear.scatter [tilespmem:s23], [sflag:$0x1], $0x80, $0x38;
	[tilespmem:$0x7080] =	vst v63  }
0xdd: {  	s3 =	sadd.s32 $0x2278, s20;
	s4 =	simm.s32 $0x400;
	s24 =	sadd.s32 s19, s0  }
0xde: {  	[hbm4b:s24+s2] =	stream.linear.scatter [tilespmem:s25], [sflag:$0x1], $0x80, $0x38;
	[tilespmem:$0x7080] =	vst v63  }
0xdf: {  	s21 =	sadd.s32 s19, s31;
	s18 =	simm.s32 $0x800;
	s7 =	sadd.s32 s19, s30  }
0xe0: {  	[hbm4b:s26+s2] =	stream.linear.scatter [tilespmem:s3], [sflag:$0x1], $0x80, $0x38;
	[tilespmem:$0x7080] =	vst v63  }
0xe1: {  	s9 =	sadd.s32 $0x22F8, s20;
	s24 =	sand.u32 $0x3, s17;
	s3 =	sld [smem:$0x7E6]  }
0xe2: {  	[hbm4b:s7+s2] =	stream.linear.scatter [tilespmem:s9], [sflag:$0x1], $0x80, $0x38;
	[tilespmem:$0x7080] =	vst v63  }
0xe3: {  	s23 =	sadd.s32 $0x2378, s20;
	s17 =	simm.s32 $0x1;
	p1 =	sne.s32 s24, $0x3  }
0xe4: {  	[hbm4b:s21+s2] =	stream.linear.scatter [tilespmem:s23], [sflag:$0x1], $0x80, $0x38;
	[tilespmem:$0x7080] =	vst v63  }
0xe5: {  	s26 =	sadd.s32 $0x23F8, s20;
	s25 =	sadd.s32 s19, s3;
	s19 =	simm.s32 @!p1 $0x1  }
0xe6: {  	[hbm4b:s25+s2] =	stream.linear.scatter [tilespmem:s26], [sflag:$0x1], $0x80, $0x38;
	[tilespmem:$0x7080] =	vst v63  }
0xe7: {  	s20 =	sand.u32 $0x400, s4;
	s21 =	simm.s32 $0x0;
	_ =	swait.ge @!p1 [sflag:s19], $0x1000  }
.LBB2_12:
0xe8: {  	s22 =	sshll.u32 s21, $0xB;
	s23 =	rddreg [dreg:$0x6]  }
0xe9: {  	[sflag:s19] =	ssyncset.done @!p1 $0x0;
	s7 =	sshll.u32 s21, $0x3;
	s22 =	sadd.s32 s6, s22  }
0xea: {  	[sflag:s19] =	ssyncadd.s32 @!p1 $0xFFFFF000;
	s19 =	ssub.s32 s20, s7;
	s20 =	sor.u32 s20, s22  }
0xeb: {  	s9 =	rddreg [dreg:$0x7];
	s24 =	sadd.s32 $0x2078, s19;
	s22 =	sadd.s32 s20, s23  }
0xec: {  	[hbm4b:s22+s2] =	stream.linear.scatter [tilespmem:s24], [sflag:$0x1], $0x80, $0x38;
	[tilespmem:$0x7080] =	vst v63  }
0xed: {  	s26 =	rddreg [dreg:$0x8];
	s4 =	sadd.s32 $0x20F8, s19;
	s21 =	sadd.s32 s20, s9  }
0xee: {  	[hbm4b:s21+s2] =	stream.linear.scatter [tilespmem:s4], [sflag:$0x1], $0x80, $0x38;
	[tilespmem:$0x7080] =	vst v63  }
0xef: {  	s7 =	sadd.s32 s20, s26;
	s9 =	sadd.s32 $0x2178, s19  }
0xf0: {  	[hbm4b:s7+s2] =	stream.linear.scatter [tilespmem:s9], [sflag:$0x1], $0x80, $0x38;
	[tilespmem:$0x7080] =	vst v63  }
0xf1: {  	s26 =	rddreg [dreg:$0x1b];
	s23 =	sadd.s32 $0x21F8, s19;
	s22 =	sadd.s32 s20, s0  }
0xf2: {  	[hbm4b:s22+s2] =	stream.linear.scatter [tilespmem:s23], [sflag:$0x1], $0x80, $0x38;
	[tilespmem:$0x7080] =	vst v63  }
0xf3: {  	s25 =	smov.u32 s18;
	s24 =	sadd.s32 s20, s26;
	s4 =	sadd.s32 $0x2278, s19  }
0xf4: {  	[hbm4b:s24+s2] =	stream.linear.scatter [tilespmem:s4], [sflag:$0x1], $0x80, $0x38;
	[tilespmem:$0x7080] =	vst v63  }
0xf5: {  	s18 =	sadd.s32 $0x400, s18;
	s7 =	sadd.s32 s20, s30;
	s9 =	sadd.s32 $0x22F8, s19  }
0xf6: {  	[hbm4b:s7+s2] =	stream.linear.scatter [tilespmem:s9], [sflag:$0x1], $0x80, $0x38;
	[tilespmem:$0x7080] =	vst v63  }
0xf7: {  	p0 =	seq.s32 s18, $0x40000;
	s22 =	sadd.s32 s20, s31;
	s23 =	sadd.s32 $0x2378, s19  }
0xf8: {  	[hbm4b:s22+s2] =	stream.linear.scatter [tilespmem:s23], [sflag:$0x1], $0x80, $0x38;
	[tilespmem:$0x7080] =	vst v63  }
.Ltmp5:
0xf9: {  	s24 =	sand.u32 $0x3, s17;
	(pc) =	sbr.rel @!p0 .LBB2_12-.Ltmp5, $4  }
0xfa: {  	s20 =	sadd.s32 s20, s3;
	s19 =	sadd.s32 $0x23F8, s19;
	p1 =	sne.s32 s24, $0x3  }
0xfb: {  	[hbm4b:s20+s2] =	stream.linear.scatter [tilespmem:s19], [sflag:$0x1], $0x80, $0x38;
	[tilespmem:$0x7080] =	vst v63  }
0xfc: {  	s17 =	sadd.s32 $0x1, s17;
	s19 =	simm.s32 @!p1 $0x1  }
0xfd: {  	s21 =	sshrl.u32 s17, $0x1;
	s20 =	sand.u32 $0x400, s25;
	_ =	swait.ge @!p1 [sflag:s19], $0x1000  }
0xfe: {  	s18 =	sshll.u32 s21, $0xB;
	s22 =	rddreg [dreg:$0x6]  }
0xff: {  	[sflag:s19] =	ssyncset.done @!p1 $0x0;
	s25 =	sshll.u32 s21, $0x3;
	s18 =	sadd.s32 s6, s18  }
0x100: {  	[sflag:s19] =	ssyncadd.s32 @!p1 $0xFFFFF000;
	s19 =	ssub.s32 s20, s25;
	s18 =	sor.u32 s20, s18  }
0x101: {  	s4 =	rddreg [dreg:$0x7];
	s9 =	sadd.s32 $0x2078, s19;
	s7 =	sadd.s32 s18, s22  }
0x102: {  	[hbm4b:s7+s2] =	stream.linear.scatter [tilespmem:s9], [sflag:$0x1], $0x80, $0x38;
	[tilespmem:$0x7080] =	vst v63  }
0x103: {  	s23 =	rddreg [dreg:$0x8];
	s24 =	sadd.s32 $0x20F8, s19;
	s20 =	sadd.s32 s18, s4  }
0x104: {  	[hbm4b:s20+s2] =	stream.linear.scatter [tilespmem:s24], [sflag:$0x1], $0x80, $0x38;
	[tilespmem:$0x7080] =	vst v63  }
0x105: {  	s25 =	sadd.s32 s18, s23;
	s4 =	sadd.s32 $0x2178, s19  }
0x106: {  	[hbm4b:s25+s2] =	stream.linear.scatter [tilespmem:s4], [sflag:$0x1], $0x80, $0x38;
	[tilespmem:$0x7080] =	vst v63  }
0x107: {  	s7 =	sadd.s32 s18, s0;
	s9 =	sadd.s32 $0x21F8, s19  }
0x108: {  	[hbm4b:s7+s2] =	stream.linear.scatter [tilespmem:s9], [sflag:$0x1], $0x80, $0x38;
	[tilespmem:$0x7080] =	vst v63  }
0x109: {  	s21 =	sadd.s32 s18, s26;
	s22 =	sadd.s32 $0x2278, s19  }
0x10a: {  	[hbm4b:s21+s2] =	stream.linear.scatter [tilespmem:s22], [sflag:$0x1], $0x80, $0x38;
	[tilespmem:$0x7080] =	vst v63  }
0x10b: {  	s17 =	sand.u32 $0x3, s17;
	s23 =	sadd.s32 s18, s30;
	s24 =	sadd.s32 $0x22F8, s19  }
0x10c: {  	[hbm4b:s23+s2] =	stream.linear.scatter [tilespmem:s24], [sflag:$0x1], $0x80, $0x38;
	[tilespmem:$0x7080] =	vst v63  }
0x10d: {  	p0 =	sne.s32 s17, $0x3;
	s26 =	sadd.s32 $0x2378, s19;
	s25 =	sadd.s32 s18, s31  }
0x10e: {  	[hbm4b:s25+s2] =	stream.linear.scatter [tilespmem:s26], [sflag:$0x1], $0x80, $0x38;
	[tilespmem:$0x7080] =	vst v63  }
0x10f: {  	s17 =	simm.s32 @!p0 $0x1;
	s19 =	sadd.s32 $0x23F8, s19;
	s18 =	sadd.s32 s18, s3  }
0x110: {  	[hbm4b:s18+s2] =	stream.linear.scatter [tilespmem:s19], [sflag:$0x1], $0x80, $0x38;
	[tilespmem:$0x7080] =	vst v63  }
0x111: {  	_ =	swait.ge @!p0 [sflag:s17], $0x1000  }
0x112: {  	[sflag:s17] =	ssyncset.done @!p0 $0x0  }
0x113: {  	v11 =	vadd.s32 v5, v10;
	[sflag:s17] =	ssyncadd.s32 @!p0 $0xFFFFF000;
	s17 =	simm.s32 $0x0  }
0x114: {  	v12 =	vadd.s32 s17, v11  }
0x115: {  	vm0 =	vgt.s32 v12, $0x0  }
0x116: {  	v12 =	vnsel vm0, $0x0, v12  }
0x117: {  	v12 =	vmin.u32 v12, $0xFE  }
0x118: {  	v12 =	vshll.u32 v12, $0x4  }
0x119: {  	s18 =	simm.s32 $0x10;
	v12 =	vor.u32 v2, v12  }
0x11a: {  	v13 =	vadd.s32 s18, v11  }
0x11b: {  	vm15 =	vgt.s32 v13, $0x0  }
0x11c: {  	v13 =	vnsel vm15, $0x0, v13  }
0x11d: {  	v13 =	vmin.u32 v13, $0xFE  }
0x11e: {  	s3 =	sld [smem:$0x7F7];
	v14 =	vshll.u32 v13, $0x4;
	v13 =	vld.idx.msk [tilespmem:v12+s17+$0x0], $0xffff  }
0x11f: {  	s30 =	sld [smem:$0x7E7];
	v12 =	vor.u32 v2, v14  }
0x120: {  	s19 =	simm.s32 $0x20;
	s31 =	sld [smem:$0x7E8]  }
0x121: {  	s20 =	simm.s32 $0x0;
	s21 =	simm.s32 $0x30;
	s25 =	rddreg [dreg:$0x1c];
	v14 =	vadd.s32 s19, v11  }
.LBB2_14:
0x122: {  	p0 =	seq.s32 s21, $0xBF0;
	vm0 =	vgt.s32 v14, $0x0;
	s22 =	sand.u32 $0xFF0, s20;
	s20 =	smov.u32 s18  }
0x123: {  	s18 =	smov.u32 s19;
	s19 =	smov.u32 s21;
	v14 =	vnsel vm0, $0x0, v14;
	[tilespmem:s22+$0x2880] =	vst v13  }
.Ltmp6:
0x124: {  	v14 =	vmin.u32 v14, $0xFE;
	v13 =	vld.idx.msk [tilespmem:v12+s17+$0x0], $0xffff;
	(pc) =	sbr.rel @!p0 .LBB2_14-.Ltmp6, $3  }
0x125: {  	v12 =	vshll.u32 v14, $0x4  }
0x126: {  	v12 =	vor.u32 v2, v12;
	_ =	sdelay $0x1  }
0x127: {  	s21 =	sadd.s32 $0x10, s21;
	v14 =	vadd.s32 s19, v11  }
0x128: {  	_ = 	snop  }
0x129: {  	vm0 =	vgt.s32 v14, $0x0  }
0x12a: {  	s20 =	sand.u32 $0xFF0, s20;
	v11 =	vnsel vm0, $0x0, v14  }
0x12b: {  	[tilespmem:s20+$0x2880] =	vst v13;
	v11 =	vmin.u32 v11, $0xFE  }
0x12c: {  	v12 =	vld.idx.msk [tilespmem:v12+s17+$0x0], $0xffff;
	v11 =	vshll.u32 v11, $0x4  }
0x12d: {  	v11 =	vor.u32 v2, v11;
	_ =	sdelay $0x2  }
0x12e: {  	s18 =	sand.u32 $0xFF0, s18  }
0x12f: {  	[tilespmem:s18+$0x2880] =	vst v12  }
0x130: {  	v11 =	vld.idx.msk [tilespmem:v11+s17+$0x0], $0xffff;
	_ =	sdelay $0x1  }
0x131: {  	s22 =	sand.u32 $0xFF0, s19;
	s23 =	rddreg [dreg:$0x9]  }
0x132: {  	s24 =	sand.u32 $0x400, s17;
	s26 =	simm.s32 $0x0;
	s21 =	sadd.s32 $0x0, s6  }
0x133: {  	s4 =	rddreg [dreg:$0xa];
	s20 =	ssub.s32 s24, s26;
	s19 =	sor.u32 s24, s21  }
0x134: {  	s7 =	sadd.s32 s19, s4;
	s18 =	sadd.s32 s19, s23;
	[tilespmem:s22+$0x2880] =	vst v11;
	s22 =	sadd.s32 $0x2C78, s20  }
0x135: {  	[hbm4b:s18+s2] =	stream.linear.scatter [tilespmem:s22], [sflag:$0x1], $0x80, $0x38;
	[tilespmem:$0x7080] =	vst v63  }
0x136: {  	s9 =	sadd.s32 $0x2CF8, s20;
	s24 =	sadd.s32 $0x2DF8, s20;
	s23 =	rddreg [dreg:$0xb]  }
0x137: {  	[hbm4b:s7+s2] =	stream.linear.scatter [tilespmem:s9], [sflag:$0x1], $0x80, $0x38;
	[tilespmem:$0x7080] =	vst v63  }
0x138: {  	s26 =	sadd.s32 s19, s30;
	s21 =	sadd.s32 s19, s23;
	s22 =	sadd.s32 $0x2D78, s20  }
0x139: {  	[hbm4b:s21+s2] =	stream.linear.scatter [tilespmem:s22], [sflag:$0x1], $0x80, $0x38;
	[tilespmem:$0x7080] =	vst v63  }
0x13a: {  	s4 =	sadd.s32 $0x2E78, s20;
	s23 =	sadd.s32 s19, s3;
	s18 =	simm.s32 $0x800  }
0x13b: {  	[hbm4b:s23+s2] =	stream.linear.scatter [tilespmem:s24], [sflag:$0x1], $0x80, $0x38;
	[tilespmem:$0x7080] =	vst v63  }
0x13c: {  	s7 =	sadd.s32 s19, s31;
	s9 =	sadd.s32 $0x2EF8, s20;
	s22 =	simm.s32 $0x400  }
0x13d: {  	[hbm4b:s26+s2] =	stream.linear.scatter [tilespmem:s4], [sflag:$0x1], $0x80, $0x38;
	[tilespmem:$0x7080] =	vst v63  }
0x13e: {  	s21 =	sadd.s32 s19, s25;
	s24 =	sand.u32 $0x3, s17;
	s4 =	sld [smem:$0x7E9]  }
0x13f: {  	[hbm4b:s7+s2] =	stream.linear.scatter [tilespmem:s9], [sflag:$0x1], $0x80, $0x38;
	[tilespmem:$0x7080] =	vst v63  }
0x140: {  	s23 =	sadd.s32 $0x2F78, s20;
	s17 =	simm.s32 $0x1;
	p1 =	sne.s32 s24, $0x3  }
0x141: {  	[hbm4b:s21+s2] =	stream.linear.scatter [tilespmem:s23], [sflag:$0x1], $0x80, $0x38;
	[tilespmem:$0x7080] =	vst v63  }
0x142: {  	s26 =	sadd.s32 $0x2FF8, s20;
	s25 =	sadd.s32 s19, s4;
	s19 =	simm.s32 @!p1 $0x1  }
0x143: {  	[hbm4b:s25+s2] =	stream.linear.scatter [tilespmem:s26], [sflag:$0x1], $0x80, $0x38;
	[tilespmem:$0x7080] =	vst v63  }
0x144: {  	s20 =	sand.u32 $0x400, s22;
	s21 =	simm.s32 $0x0;
	_ =	swait.ge @!p1 [sflag:s19], $0x1000  }
.LBB2_16:
0x145: {  	s22 =	sshll.u32 s21, $0xB;
	s23 =	rddreg [dreg:$0x9]  }
0x146: {  	[sflag:s19] =	ssyncset.done @!p1 $0x0;
	s9 =	sshll.u32 s21, $0x3;
	s22 =	sadd.s32 s6, s22  }
0x147: {  	[sflag:s19] =	ssyncadd.s32 @!p1 $0xFFFFF000;
	s19 =	ssub.s32 s20, s9;
	s20 =	sor.u32 s20, s22  }
0x148: {  	s24 =	rddreg [dreg:$0xa];
	s7 =	sadd.s32 $0x2C78, s19;
	s22 =	sadd.s32 s20, s23  }
0x149: {  	[hbm4b:s22+s2] =	stream.linear.scatter [tilespmem:s7], [sflag:$0x1], $0x80, $0x38;
	[tilespmem:$0x7080] =	vst v63  }
0x14a: {  	s26 =	rddreg [dreg:$0xb];
	s9 =	sadd.s32 $0x2CF8, s19;
	s21 =	sadd.s32 s20, s24  }
0x14b: {  	[hbm4b:s21+s2] =	stream.linear.scatter [tilespmem:s9], [sflag:$0x1], $0x80, $0x38;
	[tilespmem:$0x7080] =	vst v63  }
0x14c: {  	s23 =	sadd.s32 s20, s26;
	s24 =	sadd.s32 $0x2D78, s19  }
0x14d: {  	[hbm4b:s23+s2] =	stream.linear.scatter [tilespmem:s24], [sflag:$0x1], $0x80, $0x38;
	[tilespmem:$0x7080] =	vst v63  }
0x14e: {  	s25 =	smov.u32 s18;
	s7 =	sadd.s32 s20, s3;
	s9 =	sadd.s32 $0x2DF8, s19  }
0x14f: {  	[hbm4b:s7+s2] =	stream.linear.scatter [tilespmem:s9], [sflag:$0x1], $0x80, $0x38;
	[tilespmem:$0x7080] =	vst v63  }
0x150: {  	s18 =	sadd.s32 $0x400, s18;
	s23 =	sadd.s32 s20, s30;
	s24 =	sadd.s32 $0x2E78, s19  }
0x151: {  	[hbm4b:s23+s2] =	stream.linear.scatter [tilespmem:s24], [sflag:$0x1], $0x80, $0x38;
	[tilespmem:$0x7080] =	vst v63  }
0x152: {  	s26 =	rddreg [dreg:$0x1c];
	s7 =	sadd.s32 s20, s31;
	s9 =	sadd.s32 $0x2EF8, s19  }
0x153: {  	[hbm4b:s7+s2] =	stream.linear.scatter [tilespmem:s9], [sflag:$0x1], $0x80, $0x38;
	[tilespmem:$0x7080] =	vst v63  }
0x154: {  	p0 =	seq.s32 s18, $0x40000;
	s22 =	sadd.s32 s20, s26;
	s23 =	sadd.s32 $0x2F78, s19  }
0x155: {  	[hbm4b:s22+s2] =	stream.linear.scatter [tilespmem:s23], [sflag:$0x1], $0x80, $0x38;
	[tilespmem:$0x7080] =	vst v63  }
.Ltmp7:
0x156: {  	s24 =	sand.u32 $0x3, s17;
	(pc) =	sbr.rel @!p0 .LBB2_16-.Ltmp7, $4  }
0x157: {  	s20 =	sadd.s32 s20, s4;
	s19 =	sadd.s32 $0x2FF8, s19;
	p1 =	sne.s32 s24, $0x3  }
0x158: {  	[hbm4b:s20+s2] =	stream.linear.scatter [tilespmem:s19], [sflag:$0x1], $0x80, $0x38;
	[tilespmem:$0x7080] =	vst v63  }
0x159: {  	s17 =	sadd.s32 $0x1, s17;
	s19 =	simm.s32 @!p1 $0x1  }
0x15a: {  	s21 =	sshrl.u32 s17, $0x1;
	s20 =	sand.u32 $0x400, s25;
	_ =	swait.ge @!p1 [sflag:s19], $0x1000  }
0x15b: {  	s18 =	sshll.u32 s21, $0xB;
	s22 =	rddreg [dreg:$0x9]  }
0x15c: {  	[sflag:s19] =	ssyncset.done @!p1 $0x0;
	s24 =	sshll.u32 s21, $0x3;
	s18 =	sadd.s32 s6, s18  }
0x15d: {  	[sflag:s19] =	ssyncadd.s32 @!p1 $0xFFFFF000;
	s19 =	ssub.s32 s20, s24;
	s18 =	sor.u32 s20, s18  }
0x15e: {  	s25 =	rddreg [dreg:$0xa];
	s9 =	sadd.s32 $0x2C78, s19;
	s7 =	sadd.s32 s18, s22  }
0x15f: {  	[hbm4b:s7+s2] =	stream.linear.scatter [tilespmem:s9], [sflag:$0x1], $0x80, $0x38;
	[tilespmem:$0x7080] =	vst v63  }
0x160: {  	s23 =	rddreg [dreg:$0xb];
	s20 =	sadd.s32 s18, s25;
	s22 =	sadd.s32 $0x2CF8, s19  }
0x161: {  	[hbm4b:s20+s2] =	stream.linear.scatter [tilespmem:s22], [sflag:$0x1], $0x80, $0x38;
	[tilespmem:$0x7080] =	vst v63  }
0x162: {  	s24 =	sadd.s32 s18, s23;
	s25 =	sadd.s32 $0x2D78, s19  }
0x163: {  	[hbm4b:s24+s2] =	stream.linear.scatter [tilespmem:s25], [sflag:$0x1], $0x80, $0x38;
	[tilespmem:$0x7080] =	vst v63  }
0x164: {  	s7 =	sadd.s32 s18, s3;
	s9 =	sadd.s32 $0x2DF8, s19  }
0x165: {  	[hbm4b:s7+s2] =	stream.linear.scatter [tilespmem:s9], [sflag:$0x1], $0x80, $0x38;
	[tilespmem:$0x7080] =	vst v63  }
0x166: {  	s21 =	sadd.s32 s18, s30;
	s22 =	sadd.s32 $0x2E78, s19  }
0x167: {  	[hbm4b:s21+s2] =	stream.linear.scatter [tilespmem:s22], [sflag:$0x1], $0x80, $0x38;
	[tilespmem:$0x7080] =	vst v63  }
0x168: {  	s17 =	sand.u32 $0x3, s17;
	s23 =	sadd.s32 s18, s31;
	s24 =	sadd.s32 $0x2EF8, s19  }
0x169: {  	[hbm4b:s23+s2] =	stream.linear.scatter [tilespmem:s24], [sflag:$0x1], $0x80, $0x38;
	[tilespmem:$0x7080] =	vst v63  }
0x16a: {  	p0 =	sne.s32 s17, $0x3;
	s25 =	sadd.s32 s18, s26;
	s26 =	sadd.s32 $0x2F78, s19  }
0x16b: {  	[hbm4b:s25+s2] =	stream.linear.scatter [tilespmem:s26], [sflag:$0x1], $0x80, $0x38;
	[tilespmem:$0x7080] =	vst v63  }
0x16c: {  	s17 =	simm.s32 @!p0 $0x1;
	s18 =	sadd.s32 s18, s4;
	s19 =	sadd.s32 $0x2FF8, s19  }
0x16d: {  	[hbm4b:s18+s2] =	stream.linear.scatter [tilespmem:s19], [sflag:$0x1], $0x80, $0x38;
	[tilespmem:$0x7080] =	vst v63  }
0x16e: {  	_ =	swait.ge @!p0 [sflag:s17], $0x1000  }
0x16f: {  	[sflag:s17] =	ssyncset.done @!p0 $0x0  }
0x170: {  	v11 =	vadd.s32 v6, v10;
	[sflag:s17] =	ssyncadd.s32 @!p0 $0xFFFFF000;
	s17 =	simm.s32 $0x0  }
0x171: {  	v12 =	vadd.s32 s17, v11  }
0x172: {  	vm0 =	vgt.s32 v12, $0x0  }
0x173: {  	v12 =	vnsel vm0, $0x0, v12  }
0x174: {  	v12 =	vmin.u32 v12, $0xFE  }
0x175: {  	v12 =	vshll.u32 v12, $0x4  }
0x176: {  	s18 =	simm.s32 $0x10;
	v12 =	vor.u32 v2, v12  }
0x177: {  	v13 =	vadd.s32 s18, v11  }
0x178: {  	vm15 =	vgt.s32 v13, $0x0  }
0x179: {  	v13 =	vnsel vm15, $0x0, v13  }
0x17a: {  	v13 =	vmin.u32 v13, $0xFE  }
0x17b: {  	v14 =	vshll.u32 v13, $0x4;
	v13 =	vld.idx.msk [tilespmem:v12+s17+$0x0], $0xffff  }
0x17c: {  	s4 =	sld [smem:$0x7F8];
	v12 =	vor.u32 v2, v14  }
0x17d: {  	s20 =	simm.s32 $0x0;
	s19 =	simm.s32 $0x20;
	s30 =	sld [smem:$0x7EA]  }
0x17e: {  	s21 =	simm.s32 $0x30;
	s25 =	smov.u32 s5;
	s31 =	sld [smem:$0x7EB];
	v14 =	vadd.s32 s19, v11  }
.LBB2_18:
0x17f: {  	p0 =	seq.s32 s21, $0xBF0;
	vm0 =	vgt.s32 v14, $0x0;
	s22 =	sand.u32 $0xFF0, s20;
	s20 =	smov.u32 s18  }
0x180: {  	s18 =	smov.u32 s19;
	s19 =	smov.u32 s21;
	v14 =	vnsel vm0, $0x0, v14;
	[tilespmem:s22+$0x3480] =	vst v13  }
.Ltmp8:
0x181: {  	v14 =	vmin.u32 v14, $0xFE;
	v13 =	vld.idx.msk [tilespmem:v12+s17+$0x0], $0xffff;
	(pc) =	sbr.rel @!p0 .LBB2_18-.Ltmp8, $3  }
0x182: {  	v12 =	vshll.u32 v14, $0x4  }
0x183: {  	v12 =	vor.u32 v2, v12;
	_ =	sdelay $0x1  }
0x184: {  	s21 =	sadd.s32 $0x10, s21;
	v14 =	vadd.s32 s19, v11  }
0x185: {  	_ = 	snop  }
0x186: {  	vm0 =	vgt.s32 v14, $0x0  }
0x187: {  	s20 =	sand.u32 $0xFF0, s20;
	v11 =	vnsel vm0, $0x0, v14  }
0x188: {  	[tilespmem:s20+$0x3480] =	vst v13;
	v11 =	vmin.u32 v11, $0xFE  }
0x189: {  	v12 =	vld.idx.msk [tilespmem:v12+s17+$0x0], $0xffff;
	v11 =	vshll.u32 v11, $0x4  }
0x18a: {  	v11 =	vor.u32 v2, v11;
	_ =	sdelay $0x2  }
0x18b: {  	s18 =	sand.u32 $0xFF0, s18  }
0x18c: {  	[tilespmem:s18+$0x3480] =	vst v12  }
0x18d: {  	v11 =	vld.idx.msk [tilespmem:v11+s17+$0x0], $0xffff;
	_ =	sdelay $0x1  }
0x18e: {  	s7 =	sand.u32 $0xFF0, s19;
	s9 =	rddreg [dreg:$0xc]  }
0x18f: {  	s22 =	sand.u32 $0x400, s17;
	s23 =	simm.s32 $0x0;
	s21 =	sadd.s32 $0x0, s6  }
0x190: {  	s24 =	rddreg [dreg:$0xd];
	s20 =	ssub.s32 s22, s23;
	s19 =	sor.u32 s22, s21  }
0x191: {  	s23 =	rddreg [dreg:$0xe];
	s22 =	sadd.s32 $0x3878, s20;
	s18 =	sadd.s32 s19, s9;
	[tilespmem:s7+$0x3480] =	vst v11  }
0x192: {  	[hbm4b:s18+s2] =	stream.linear.scatter [tilespmem:s22], [sflag:$0x1], $0x80, $0x38;
	[tilespmem:$0x7080] =	vst v63  }
0x193: {  	s26 =	sadd.s32 s19, s24;
	s3 =	sadd.s32 $0x38F8, s20;
	s21 =	sadd.s32 s19, s4  }
0x194: {  	[hbm4b:s26+s2] =	stream.linear.scatter [tilespmem:s3], [sflag:$0x1], $0x80, $0x38;
	[tilespmem:$0x7080] =	vst v63  }
0x195: {  	s24 =	sadd.s32 $0x3A78, s20;
	s9 =	sadd.s32 $0x3978, s20;
	s7 =	sadd.s32 s19, s23  }
0x196: {  	[hbm4b:s7+s2] =	stream.linear.scatter [tilespmem:s9], [sflag:$0x1], $0x80, $0x38;
	[tilespmem:$0x7080] =	vst v63  }
0x197: {  	s23 =	sadd.s32 s19, s30;
	s22 =	sadd.s32 $0x39F8, s20;
	s18 =	simm.s32 $0x800  }
0x198: {  	[hbm4b:s21+s2] =	stream.linear.scatter [tilespmem:s22], [sflag:$0x1], $0x80, $0x38;
	[tilespmem:$0x7080] =	vst v63  }
0x199: {  	s26 =	sadd.s32 s19, s31;
	s3 =	sadd.s32 $0x3AF8, s20;
	s7 =	sadd.s32 s19, s25  }
0x19a: {  	[hbm4b:s23+s2] =	stream.linear.scatter [tilespmem:s24], [sflag:$0x1], $0x80, $0x38;
	[tilespmem:$0x7080] =	vst v63  }
0x19b: {  	s9 =	sadd.s32 $0x3B78, s20;
	s23 =	sand.u32 $0x3, s17;
	s24 =	sld [smem:$0x7ED]  }
0x19c: {  	[hbm4b:s26+s2] =	stream.linear.scatter [tilespmem:s3], [sflag:$0x1], $0x80, $0x38;
	[tilespmem:$0x7080] =	vst v63  }
0x19d: {  	s22 =	simm.s32 $0x400;
	s21 =	simm.s32 $0x0;
	p1 =	sne.s32 s23, $0x3  }
0x19e: {  	[hbm4b:s7+s2] =	stream.linear.scatter [tilespmem:s9], [sflag:$0x1], $0x80, $0x38;
	[tilespmem:$0x7080] =	vst v63  }
0x19f: {  	s26 =	sadd.s32 $0x3BF8, s20;
	s25 =	sadd.s32 s19, s24;
	s19 =	simm.s32 @!p1 $0x1  }
0x1a0: {  	[hbm4b:s25+s2] =	stream.linear.scatter [tilespmem:s26], [sflag:$0x1], $0x80, $0x38;
	[tilespmem:$0x7080] =	vst v63  }
0x1a1: {  	s17 =	simm.s32 $0x1;
	s20 =	sand.u32 $0x400, s22;
	_ =	swait.ge @!p1 [sflag:s19], $0x1000  }
.LBB2_20:
0x1a2: {  	s22 =	sshll.u32 s21, $0xB;
	s23 =	rddreg [dreg:$0xc]  }
0x1a3: {  	[sflag:s19] =	ssyncset.done @!p1 $0x0;
	s3 =	sshll.u32 s21, $0x3;
	s22 =	sadd.s32 s6, s22  }
0x1a4: {  	[sflag:s19] =	ssyncadd.s32 @!p1 $0xFFFFF000;
	s19 =	ssub.s32 s20, s3;
	s20 =	sor.u32 s20, s22  }
0x1a5: {  	s7 =	rddreg [dreg:$0xd];
	s9 =	sadd.s32 $0x3878, s19;
	s22 =	sadd.s32 s20, s23  }
0x1a6: {  	[hbm4b:s22+s2] =	stream.linear.scatter [tilespmem:s9], [sflag:$0x1], $0x80, $0x38;
	[tilespmem:$0x7080] =	vst v63  }
0x1a7: {  	s26 =	rddreg [dreg:$0xe];
	s3 =	sadd.s32 $0x38F8, s19;
	s21 =	sadd.s32 s20, s7  }
0x1a8: {  	[hbm4b:s21+s2] =	stream.linear.scatter [tilespmem:s3], [sflag:$0x1], $0x80, $0x38;
	[tilespmem:$0x7080] =	vst v63  }
0x1a9: {  	s7 =	sadd.s32 s20, s26;
	s9 =	sadd.s32 $0x3978, s19  }
0x1aa: {  	[hbm4b:s7+s2] =	stream.linear.scatter [tilespmem:s9], [sflag:$0x1], $0x80, $0x38;
	[tilespmem:$0x7080] =	vst v63  }
0x1ab: {  	s23 =	sadd.s32 $0x39F8, s19;
	s22 =	sadd.s32 s20, s4  }
0x1ac: {  	[hbm4b:s22+s2] =	stream.linear.scatter [tilespmem:s23], [sflag:$0x1], $0x80, $0x38;
	[tilespmem:$0x7080] =	vst v63  }
0x1ad: {  	s25 =	smov.u32 s18;
	s26 =	sadd.s32 s20, s30;
	s3 =	sadd.s32 $0x3A78, s19  }
0x1ae: {  	[hbm4b:s26+s2] =	stream.linear.scatter [tilespmem:s3], [sflag:$0x1], $0x80, $0x38;
	[tilespmem:$0x7080] =	vst v63  }
0x1af: {  	s18 =	sadd.s32 $0x400, s18;
	s7 =	sadd.s32 s20, s31;
	s9 =	sadd.s32 $0x3AF8, s19  }
0x1b0: {  	[hbm4b:s7+s2] =	stream.linear.scatter [tilespmem:s9], [sflag:$0x1], $0x80, $0x38;
	[tilespmem:$0x7080] =	vst v63  }
0x1b1: {  	p0 =	seq.s32 s18, $0x40000;
	s22 =	sadd.s32 s20, s5;
	s23 =	sadd.s32 $0x3B78, s19  }
0x1b2: {  	[hbm4b:s22+s2] =	stream.linear.scatter [tilespmem:s23], [sflag:$0x1], $0x80, $0x38;
	[tilespmem:$0x7080] =	vst v63  }
.Ltmp9:
0x1b3: {  	s26 =	sand.u32 $0x3, s17;
	(pc) =	sbr.rel @!p0 .LBB2_20-.Ltmp9, $4  }
0x1b4: {  	s20 =	sadd.s32 s20, s24;
	s19 =	sadd.s32 $0x3BF8, s19;
	p1 =	sne.s32 s26, $0x3  }
0x1b5: {  	[hbm4b:s20+s2] =	stream.linear.scatter [tilespmem:s19], [sflag:$0x1], $0x80, $0x38;
	[tilespmem:$0x7080] =	vst v63  }
0x1b6: {  	s17 =	sadd.s32 $0x1, s17;
	s19 =	simm.s32 @!p1 $0x1  }
0x1b7: {  	s21 =	sshrl.u32 s17, $0x1;
	s20 =	sand.u32 $0x400, s25;
	_ =	swait.ge @!p1 [sflag:s19], $0x1000  }
0x1b8: {  	s18 =	sshll.u32 s21, $0xB;
	s22 =	rddreg [dreg:$0xc]  }
0x1b9: {  	[sflag:s19] =	ssyncset.done @!p1 $0x0;
	s26 =	sshll.u32 s21, $0x3;
	s18 =	sadd.s32 s6, s18  }
0x1ba: {  	[sflag:s19] =	ssyncadd.s32 @!p1 $0xFFFFF000;
	s19 =	ssub.s32 s20, s26;
	s18 =	sor.u32 s20, s18  }
0x1bb: {  	s3 =	rddreg [dreg:$0xd];
	s9 =	sadd.s32 $0x3878, s19;
	s7 =	sadd.s32 s18, s22  }
0x1bc: {  	[hbm4b:s7+s2] =	stream.linear.scatter [tilespmem:s9], [sflag:$0x1], $0x80, $0x38;
	[tilespmem:$0x7080] =	vst v63  }
0x1bd: {  	s23 =	rddreg [dreg:$0xe];
	s20 =	sadd.s32 s18, s3;
	s22 =	sadd.s32 $0x38F8, s19  }
0x1be: {  	[hbm4b:s20+s2] =	stream.linear.scatter [tilespmem:s22], [sflag:$0x1], $0x80, $0x38;
	[tilespmem:$0x7080] =	vst v63  }
0x1bf: {  	s26 =	sadd.s32 $0x3978, s19;
	s25 =	sadd.s32 s18, s23  }
0x1c0: {  	[hbm4b:s25+s2] =	stream.linear.scatter [tilespmem:s26], [sflag:$0x1], $0x80, $0x38;
	[tilespmem:$0x7080] =	vst v63  }
0x1c1: {  	s3 =	sadd.s32 s18, s4;
	s4 =	sadd.s32 $0x39F8, s19  }
0x1c2: {  	[hbm4b:s3+s2] =	stream.linear.scatter [tilespmem:s4], [sflag:$0x1], $0x80, $0x38;
	[tilespmem:$0x7080] =	vst v63  }
0x1c3: {  	s7 =	sadd.s32 s18, s30;
	s9 =	sadd.s32 $0x3A78, s19  }
0x1c4: {  	[hbm4b:s7+s2] =	stream.linear.scatter [tilespmem:s9], [sflag:$0x1], $0x80, $0x38;
	[tilespmem:$0x7080] =	vst v63  }
0x1c5: {  	s17 =	sand.u32 $0x3, s17;
	s23 =	sadd.s32 $0x3AF8, s19;
	s22 =	sadd.s32 s18, s31  }
0x1c6: {  	[hbm4b:s22+s2] =	stream.linear.scatter [tilespmem:s23], [sflag:$0x1], $0x80, $0x38;
	[tilespmem:$0x7080] =	vst v63  }
0x1c7: {  	p0 =	sne.s32 s17, $0x3;
	s25 =	sadd.s32 s18, s5;
	s26 =	sadd.s32 $0x3B78, s19  }
0x1c8: {  	[hbm4b:s25+s2] =	stream.linear.scatter [tilespmem:s26], [sflag:$0x1], $0x80, $0x38;
	[tilespmem:$0x7080] =	vst v63  }
0x1c9: {  	s17 =	simm.s32 @!p0 $0x1;
	s18 =	sadd.s32 s18, s24;
	s19 =	sadd.s32 $0x3BF8, s19  }
0x1ca: {  	[hbm4b:s18+s2] =	stream.linear.scatter [tilespmem:s19], [sflag:$0x1], $0x80, $0x38;
	[tilespmem:$0x7080] =	vst v63  }
0x1cb: {  	_ =	swait.ge @!p0 [sflag:s17], $0x1000  }
0x1cc: {  	[sflag:s17] =	ssyncset.done @!p0 $0x0  }
0x1cd: {  	v11 =	vadd.s32 v7, v10;
	[sflag:s17] =	ssyncadd.s32 @!p0 $0xFFFFF000;
	s17 =	simm.s32 $0x0  }
0x1ce: {  	v12 =	vadd.s32 s17, v11  }
0x1cf: {  	vm0 =	vgt.s32 v12, $0x0  }
0x1d0: {  	v12 =	vnsel vm0, $0x0, v12  }
0x1d1: {  	v12 =	vmin.u32 v12, $0xFE  }
0x1d2: {  	v12 =	vshll.u32 v12, $0x4  }
0x1d3: {  	s18 =	simm.s32 $0x10;
	v12 =	vor.u32 v2, v12  }
0x1d4: {  	v13 =	vadd.s32 s18, v11  }
0x1d5: {  	vm15 =	vgt.s32 v13, $0x0  }
0x1d6: {  	v13 =	vnsel vm15, $0x0, v13  }
0x1d7: {  	v13 =	vmin.u32 v13, $0xFE  }
0x1d8: {  	v14 =	vshll.u32 v13, $0x4;
	v13 =	vld.idx.msk [tilespmem:v12+s17+$0x0], $0xffff  }
0x1d9: {  	s24 =	sld [smem:$0x7F9];
	v12 =	vor.u32 v2, v14  }
0x1da: {  	s21 =	simm.s32 $0x30;
	s19 =	simm.s32 $0x20;
	s30 =	sld [smem:$0x7EE]  }
0x1db: {  	s20 =	simm.s32 $0x0;
	s25 =	smov.u32 s1;
	s31 =	sld [smem:$0x7EF];
	v14 =	vadd.s32 s19, v11  }
.LBB2_22:
0x1dc: {  	p0 =	seq.s32 s21, $0xBF0;
	vm0 =	vgt.s32 v14, $0x0;
	s22 =	sand.u32 $0xFF0, s20;
	s20 =	smov.u32 s18  }
0x1dd: {  	s18 =	smov.u32 s19;
	s19 =	smov.u32 s21;
	v14 =	vnsel vm0, $0x0, v14;
	[tilespmem:s22+$0x4080] =	vst v13  }
.Ltmp10:
0x1de: {  	v14 =	vmin.u32 v14, $0xFE;
	v13 =	vld.idx.msk [tilespmem:v12+s17+$0x0], $0xffff;
	(pc) =	sbr.rel @!p0 .LBB2_22-.Ltmp10, $3  }
0x1df: {  	v12 =	vshll.u32 v14, $0x4  }
0x1e0: {  	v12 =	vor.u32 v2, v12;
	_ =	sdelay $0x1  }
0x1e1: {  	s21 =	sadd.s32 $0x10, s21;
	v14 =	vadd.s32 s19, v11  }
0x1e2: {  	_ = 	snop  }
0x1e3: {  	vm0 =	vgt.s32 v14, $0x0  }
0x1e4: {  	s20 =	sand.u32 $0xFF0, s20;
	v11 =	vnsel vm0, $0x0, v14  }
0x1e5: {  	[tilespmem:s20+$0x4080] =	vst v13;
	v11 =	vmin.u32 v11, $0xFE  }
0x1e6: {  	v12 =	vld.idx.msk [tilespmem:v12+s17+$0x0], $0xffff;
	v11 =	vshll.u32 v11, $0x4  }
0x1e7: {  	v11 =	vor.u32 v2, v11;
	_ =	sdelay $0x2  }
0x1e8: {  	s18 =	sand.u32 $0xFF0, s18  }
0x1e9: {  	[tilespmem:s18+$0x4080] =	vst v12  }
0x1ea: {  	v11 =	vld.idx.msk [tilespmem:v11+s17+$0x0], $0xffff;
	_ =	sdelay $0x1  }
0x1eb: {  	s7 =	sand.u32 $0xFF0, s19  }
0x1ec: {  	s22 =	sand.u32 $0x400, s17;
	s23 =	simm.s32 $0x0;
	s21 =	sadd.s32 $0x0, s6  }
0x1ed: {  	s9 =	rddreg [dreg:$0xf];
	s20 =	ssub.s32 s22, s23;
	s19 =	sor.u32 s22, s21  }
0x1ee: {  	s26 =	rddreg [dreg:$0x10];
	s22 =	sadd.s32 $0x4478, s20;
	s18 =	sadd.s32 s19, s9;
	[tilespmem:s7+$0x4080] =	vst v11  }
0x1ef: {  	[hbm4b:s18+s2] =	stream.linear.scatter [tilespmem:s22], [sflag:$0x1], $0x80, $0x38;
	[tilespmem:$0x7080] =	vst v63  }
0x1f0: {  	s23 =	rddreg [dreg:$0x11];
	s3 =	sadd.s32 s19, s26;
	s4 =	sadd.s32 $0x44F8, s20  }
0x1f1: {  	[hbm4b:s3+s2] =	stream.linear.scatter [tilespmem:s4], [sflag:$0x1], $0x80, $0x38;
	[tilespmem:$0x7080] =	vst v63  }
0x1f2: {  	s9 =	sadd.s32 $0x4578, s20;
	s7 =	sadd.s32 s19, s23  }
0x1f3: {  	[hbm4b:s7+s2] =	stream.linear.scatter [tilespmem:s9], [sflag:$0x1], $0x80, $0x38;
	[tilespmem:$0x7080] =	vst v63  }
0x1f4: {  	s21 =	sadd.s32 s19, s24;
	s22 =	sadd.s32 $0x45F8, s20  }
0x1f5: {  	[hbm4b:s21+s2] =	stream.linear.scatter [tilespmem:s22], [sflag:$0x1], $0x80, $0x38;
	[tilespmem:$0x7080] =	vst v63  }
0x1f6: {  	s26 =	sadd.s32 $0x4678, s20;
	s23 =	sadd.s32 s19, s30  }
0x1f7: {  	[hbm4b:s23+s2] =	stream.linear.scatter [tilespmem:s26], [sflag:$0x1], $0x80, $0x38;
	[tilespmem:$0x7080] =	vst v63  }
0x1f8: {  	s3 =	sadd.s32 s19, s31;
	s4 =	sadd.s32 $0x46F8, s20  }
0x1f9: {  	[hbm4b:s3+s2] =	stream.linear.scatter [tilespmem:s4], [sflag:$0x1], $0x80, $0x38;
	[tilespmem:$0x7080] =	vst v63  }
0x1fa: {  	s7 =	sadd.s32 s19, s25;
	s9 =	sadd.s32 $0x4778, s20  }
0x1fb: {  	[hbm4b:s7+s2] =	stream.linear.scatter [tilespmem:s9], [sflag:$0x1], $0x80, $0x38;
	[tilespmem:$0x7080] =	vst v63  }
0x1fc: {  	s7 =	sld [smem:$0x7F0]  }
0x1fd: {  	s18 =	simm.s32 $0x800;
	s23 =	sand.u32 $0x3, s17  }
0x1fe: {  	s22 =	simm.s32 $0x400;
	s21 =	simm.s32 $0x0;
	p1 =	sne.s32 s23, $0x3  }
0x1ff: {  	s26 =	sadd.s32 $0x47F8, s20;
	s25 =	sadd.s32 s19, s7;
	s19 =	simm.s32 @!p1 $0x1  }
0x200: {  	[hbm4b:s25+s2] =	stream.linear.scatter [tilespmem:s26], [sflag:$0x1], $0x80, $0x38;
	[tilespmem:$0x7080] =	vst v63  }
0x201: {  	s17 =	simm.s32 $0x1;
	s20 =	sand.u32 $0x400, s22;
	_ =	swait.ge @!p1 [sflag:s19], $0x1000  }
.LBB2_24:
0x202: {  	s22 =	sshll.u32 s21, $0xB;
	s23 =	rddreg [dreg:$0xf]  }
0x203: {  	[sflag:s19] =	ssyncset.done @!p1 $0x0;
	s3 =	sshll.u32 s21, $0x3;
	s22 =	sadd.s32 s6, s22  }
0x204: {  	[sflag:s19] =	ssyncadd.s32 @!p1 $0xFFFFF000;
	s19 =	ssub.s32 s20, s3;
	s20 =	sor.u32 s20, s22  }
0x205: {  	s4 =	rddreg [dreg:$0x10];
	s9 =	sadd.s32 $0x4478, s19;
	s22 =	sadd.s32 s20, s23  }
0x206: {  	[hbm4b:s22+s2] =	stream.linear.scatter [tilespmem:s9], [sflag:$0x1], $0x80, $0x38;
	[tilespmem:$0x7080] =	vst v63  }
0x207: {  	s26 =	rddreg [dreg:$0x11];
	s3 =	sadd.s32 $0x44F8, s19;
	s21 =	sadd.s32 s20, s4  }
0x208: {  	[hbm4b:s21+s2] =	stream.linear.scatter [tilespmem:s3], [sflag:$0x1], $0x80, $0x38;
	[tilespmem:$0x7080] =	vst v63  }
0x209: {  	s4 =	sadd.s32 s20, s26;
	s9 =	sadd.s32 $0x4578, s19  }
0x20a: {  	[hbm4b:s4+s2] =	stream.linear.scatter [tilespmem:s9], [sflag:$0x1], $0x80, $0x38;
	[tilespmem:$0x7080] =	vst v63  }
0x20b: {  	s23 =	sadd.s32 $0x45F8, s19;
	s22 =	sadd.s32 s20, s24  }
0x20c: {  	[hbm4b:s22+s2] =	stream.linear.scatter [tilespmem:s23], [sflag:$0x1], $0x80, $0x38;
	[tilespmem:$0x7080] =	vst v63  }
0x20d: {  	s25 =	smov.u32 s18;
	s26 =	sadd.s32 s20, s30;
	s3 =	sadd.s32 $0x4678, s19  }
0x20e: {  	[hbm4b:s26+s2] =	stream.linear.scatter [tilespmem:s3], [sflag:$0x1], $0x80, $0x38;
	[tilespmem:$0x7080] =	vst v63  }
0x20f: {  	s18 =	sadd.s32 $0x400, s18;
	s4 =	sadd.s32 s20, s31;
	s9 =	sadd.s32 $0x46F8, s19  }
0x210: {  	[hbm4b:s4+s2] =	stream.linear.scatter [tilespmem:s9], [sflag:$0x1], $0x80, $0x38;
	[tilespmem:$0x7080] =	vst v63  }
0x211: {  	p0 =	seq.s32 s18, $0x40000;
	s22 =	sadd.s32 s20, s1;
	s23 =	sadd.s32 $0x4778, s19  }
0x212: {  	[hbm4b:s22+s2] =	stream.linear.scatter [tilespmem:s23], [sflag:$0x1], $0x80, $0x38;
	[tilespmem:$0x7080] =	vst v63  }
.Ltmp11:
0x213: {  	s26 =	sand.u32 $0x3, s17;
	(pc) =	sbr.rel @!p0 .LBB2_24-.Ltmp11, $4  }
0x214: {  	s20 =	sadd.s32 s20, s7;
	s19 =	sadd.s32 $0x47F8, s19;
	p1 =	sne.s32 s26, $0x3  }
0x215: {  	[hbm4b:s20+s2] =	stream.linear.scatter [tilespmem:s19], [sflag:$0x1], $0x80, $0x38;
	[tilespmem:$0x7080] =	vst v63  }
0x216: {  	s17 =	sadd.s32 $0x1, s17;
	s19 =	simm.s32 @!p1 $0x1  }
0x217: {  	s21 =	sshrl.u32 s17, $0x1;
	s20 =	sand.u32 $0x400, s25;
	_ =	swait.ge @!p1 [sflag:s19], $0x1000  }
0x218: {  	s18 =	sshll.u32 s21, $0xB;
	s22 =	rddreg [dreg:$0xf]  }
0x219: {  	[sflag:s19] =	ssyncset.done @!p1 $0x0;
	s26 =	sshll.u32 s21, $0x3;
	s18 =	sadd.s32 s6, s18  }
0x21a: {  	[sflag:s19] =	ssyncadd.s32 @!p1 $0xFFFFF000;
	s19 =	ssub.s32 s20, s26;
	s18 =	sor.u32 s20, s18  }
0x21b: {  	s3 =	rddreg [dreg:$0x10];
	s9 =	sadd.s32 $0x4478, s19;
	s4 =	sadd.s32 s18, s22  }
0x21c: {  	[hbm4b:s4+s2] =	stream.linear.scatter [tilespmem:s9], [sflag:$0x1], $0x80, $0x38;
	[tilespmem:$0x7080] =	vst v63  }
0x21d: {  	s23 =	rddreg [dreg:$0x11];
	s25 =	sadd.s32 $0x44F8, s19;
	s20 =	sadd.s32 s18, s3  }
0x21e: {  	[hbm4b:s20+s2] =	stream.linear.scatter [tilespmem:s25], [sflag:$0x1], $0x80, $0x38;
	[tilespmem:$0x7080] =	vst v63  }
0x21f: {  	s26 =	sadd.s32 s18, s23;
	s3 =	sadd.s32 $0x4578, s19  }
0x220: {  	[hbm4b:s26+s2] =	stream.linear.scatter [tilespmem:s3], [sflag:$0x1], $0x80, $0x38;
	[tilespmem:$0x7080] =	vst v63  }
0x221: {  	s4 =	sadd.s32 s18, s24;
	s9 =	sadd.s32 $0x45F8, s19  }
0x222: {  	[hbm4b:s4+s2] =	stream.linear.scatter [tilespmem:s9], [sflag:$0x1], $0x80, $0x38;
	[tilespmem:$0x7080] =	vst v63  }
0x223: {  	s21 =	sadd.s32 s18, s30;
	s22 =	sadd.s32 $0x4678, s19  }
0x224: {  	[hbm4b:s21+s2] =	stream.linear.scatter [tilespmem:s22], [sflag:$0x1], $0x80, $0x38;
	[tilespmem:$0x7080] =	vst v63  }
0x225: {  	s17 =	sand.u32 $0x3, s17;
	s23 =	sadd.s32 s18, s31;
	s24 =	sadd.s32 $0x46F8, s19  }
0x226: {  	[hbm4b:s23+s2] =	stream.linear.scatter [tilespmem:s24], [sflag:$0x1], $0x80, $0x38;
	[tilespmem:$0x7080] =	vst v63  }
0x227: {  	p0 =	sne.s32 s17, $0x3;
	s25 =	sadd.s32 s18, s1;
	s26 =	sadd.s32 $0x4778, s19  }
0x228: {  	[hbm4b:s25+s2] =	stream.linear.scatter [tilespmem:s26], [sflag:$0x1], $0x80, $0x38;
	[tilespmem:$0x7080] =	vst v63  }
0x229: {  	s17 =	simm.s32 @!p0 $0x1;
	s18 =	sadd.s32 s18, s7;
	s19 =	sadd.s32 $0x47F8, s19  }
0x22a: {  	[hbm4b:s18+s2] =	stream.linear.scatter [tilespmem:s19], [sflag:$0x1], $0x80, $0x38;
	[tilespmem:$0x7080] =	vst v63  }
0x22b: {  	_ =	swait.ge @!p0 [sflag:s17], $0x1000  }
0x22c: {  	[sflag:s17] =	ssyncset.done @!p0 $0x0  }
0x22d: {  	v11 =	vadd.s32 v8, v10;
	[sflag:s17] =	ssyncadd.s32 @!p0 $0xFFFFF000;
	s17 =	simm.s32 $0x0  }
0x22e: {  	v12 =	vadd.s32 s17, v11  }
0x22f: {  	vm0 =	vgt.s32 v12, $0x0  }
0x230: {  	v12 =	vnsel vm0, $0x0, v12  }
0x231: {  	v12 =	vmin.u32 v12, $0xFE  }
0x232: {  	v12 =	vshll.u32 v12, $0x4  }
0x233: {  	s18 =	simm.s32 $0x10;
	v12 =	vor.u32 v2, v12  }
0x234: {  	v13 =	vadd.s32 s18, v11  }
0x235: {  	vm15 =	vgt.s32 v13, $0x0  }
0x236: {  	v13 =	vnsel vm15, $0x0, v13  }
0x237: {  	v13 =	vmin.u32 v13, $0xFE  }
0x238: {  	v14 =	vshll.u32 v13, $0x4;
	v13 =	vld.idx.msk [tilespmem:v12+s17+$0x0], $0xffff  }
0x239: {  	s7 =	sld [smem:$0x7FA];
	v12 =	vor.u32 v2, v14  }
0x23a: {  	s20 =	simm.s32 $0x0;
	s19 =	simm.s32 $0x20;
	s30 =	sld [smem:$0x7F1]  }
0x23b: {  	s21 =	simm.s32 $0x30;
	s25 =	smov.u32 s8;
	s31 =	sld [smem:$0x7F2];
	v14 =	vadd.s32 s19, v11  }
.LBB2_26:
0x23c: {  	p0 =	seq.s32 s21, $0xBF0;
	vm0 =	vgt.s32 v14, $0x0;
	s22 =	sand.u32 $0xFF0, s20;
	s20 =	smov.u32 s18  }
0x23d: {  	s18 =	smov.u32 s19;
	s19 =	smov.u32 s21;
	v14 =	vnsel vm0, $0x0, v14;
	[tilespmem:s22+$0x4C80] =	vst v13  }
.Ltmp12:
0x23e: {  	v14 =	vmin.u32 v14, $0xFE;
	v13 =	vld.idx.msk [tilespmem:v12+s17+$0x0], $0xffff;
	(pc) =	sbr.rel @!p0 .LBB2_26-.Ltmp12, $3  }
0x23f: {  	v12 =	vshll.u32 v14, $0x4  }
0x240: {  	v12 =	vor.u32 v2, v12;
	_ =	sdelay $0x1  }
0x241: {  	s21 =	sadd.s32 $0x10, s21;
	v14 =	vadd.s32 s19, v11  }
0x242: {  	_ = 	snop  }
0x243: {  	vm0 =	vgt.s32 v14, $0x0  }
0x244: {  	s20 =	sand.u32 $0xFF0, s20;
	v11 =	vnsel vm0, $0x0, v14  }
0x245: {  	[tilespmem:s20+$0x4C80] =	vst v13;
	v11 =	vmin.u32 v11, $0xFE  }
0x246: {  	v12 =	vld.idx.msk [tilespmem:v12+s17+$0x0], $0xffff;
	v11 =	vshll.u32 v11, $0x4  }
0x247: {  	v11 =	vor.u32 v2, v11;
	_ =	sdelay $0x2  }
0x248: {  	s18 =	sand.u32 $0xFF0, s18  }
0x249: {  	[tilespmem:s18+$0x4C80] =	vst v12  }
0x24a: {  	v11 =	vld.idx.msk [tilespmem:v11+s17+$0x0], $0xffff;
	_ =	sdelay $0x1  }
0x24b: {  	s4 =	sand.u32 $0xFF0, s19  }
0x24c: {  	s22 =	sand.u32 $0x400, s17;
	s23 =	simm.s32 $0x0;
	s21 =	sadd.s32 $0x0, s6  }
0x24d: {  	s9 =	rddreg [dreg:$0x12];
	s20 =	ssub.s32 s22, s23;
	s19 =	sor.u32 s22, s21  }
0x24e: {  	s24 =	rddreg [dreg:$0x13];
	s22 =	sadd.s32 $0x5078, s20;
	s18 =	sadd.s32 s19, s9;
	[tilespmem:s4+$0x4C80] =	vst v11  }
0x24f: {  	[hbm4b:s18+s2] =	stream.linear.scatter [tilespmem:s22], [sflag:$0x1], $0x80, $0x38;
	[tilespmem:$0x7080] =	vst v63  }
0x250: {  	s23 =	rddreg [dreg:$0x14];
	s26 =	sadd.s32 s19, s24;
	s3 =	sadd.s32 $0x50F8, s20  }
0x251: {  	[hbm4b:s26+s2] =	stream.linear.scatter [tilespmem:s3], [sflag:$0x1], $0x80, $0x38;
	[tilespmem:$0x7080] =	vst v63  }
0x252: {  	s9 =	sadd.s32 $0x5178, s20;
	s4 =	sadd.s32 s19, s23  }
0x253: {  	[hbm4b:s4+s2] =	stream.linear.scatter [tilespmem:s9], [sflag:$0x1], $0x80, $0x38;
	[tilespmem:$0x7080] =	vst v63  }
0x254: {  	s23 =	sadd.s32 $0x51F8, s20;
	s22 =	sadd.s32 s19, s7  }
0x255: {  	[hbm4b:s22+s2] =	stream.linear.scatter [tilespmem:s23], [sflag:$0x1], $0x80, $0x38;
	[tilespmem:$0x7080] =	vst v63  }
0x256: {  	s24 =	sadd.s32 s19, s30;
	s21 =	sadd.s32 s19, s25;
	s26 =	sadd.s32 $0x5278, s20  }
0x257: {  	[hbm4b:s24+s2] =	stream.linear.scatter [tilespmem:s26], [sflag:$0x1], $0x80, $0x38;
	[tilespmem:$0x7080] =	vst v63  }
0x258: {  	s18 =	simm.s32 $0x800;
	s4 =	sadd.s32 s19, s31;
	s9 =	sadd.s32 $0x52F8, s20  }
0x259: {  	[hbm4b:s4+s2] =	stream.linear.scatter [tilespmem:s9], [sflag:$0x1], $0x80, $0x38;
	[tilespmem:$0x7080] =	vst v63  }
0x25a: {  	s3 =	simm.s32 $0x400;
	s24 =	sand.u32 $0x3, s17;
	s9 =	sld [smem:$0x7F3]  }
0x25b: {  	s23 =	sadd.s32 $0x5378, s20;
	s26 =	sadd.s32 $0x53F8, s20;
	p1 =	sne.s32 s24, $0x3  }
0x25c: {  	[hbm4b:s21+s2] =	stream.linear.scatter [tilespmem:s23], [sflag:$0x1], $0x80, $0x38;
	[tilespmem:$0x7080] =	vst v63  }
0x25d: {  	s17 =	simm.s32 $0x1;
	s25 =	sadd.s32 s19, s9;
	s19 =	simm.s32 @!p1 $0x1  }
0x25e: {  	[hbm4b:s25+s2] =	stream.linear.scatter [tilespmem:s26], [sflag:$0x1], $0x80, $0x38;
	[tilespmem:$0x7080] =	vst v63  }
0x25f: {  	s20 =	sand.u32 $0x400, s3;
	s21 =	simm.s32 $0x0;
	_ =	swait.ge @!p1 [sflag:s19], $0x1000  }
.LBB2_28:
0x260: {  	s22 =	sshll.u32 s21, $0xB;
	s23 =	rddreg [dreg:$0x12]  }
0x261: {  	[sflag:s19] =	ssyncset.done @!p1 $0x0;
	s26 =	sshll.u32 s21, $0x3;
	s22 =	sadd.s32 s6, s22  }
0x262: {  	[sflag:s19] =	ssyncadd.s32 @!p1 $0xFFFFF000;
	s19 =	ssub.s32 s20, s26;
	s20 =	sor.u32 s20, s22  }
0x263: {  	s3 =	rddreg [dreg:$0x13];
	s4 =	sadd.s32 $0x5078, s19;
	s22 =	sadd.s32 s20, s23  }
0x264: {  	[hbm4b:s22+s2] =	stream.linear.scatter [tilespmem:s4], [sflag:$0x1], $0x80, $0x38;
	[tilespmem:$0x7080] =	vst v63  }
0x265: {  	s26 =	rddreg [dreg:$0x14];
	s24 =	sadd.s32 $0x50F8, s19;
	s21 =	sadd.s32 s20, s3  }
0x266: {  	[hbm4b:s21+s2] =	stream.linear.scatter [tilespmem:s24], [sflag:$0x1], $0x80, $0x38;
	[tilespmem:$0x7080] =	vst v63  }
0x267: {  	s3 =	sadd.s32 s20, s26;
	s4 =	sadd.s32 $0x5178, s19  }
0x268: {  	[hbm4b:s3+s2] =	stream.linear.scatter [tilespmem:s4], [sflag:$0x1], $0x80, $0x38;
	[tilespmem:$0x7080] =	vst v63  }
0x269: {  	s23 =	sadd.s32 $0x51F8, s19;
	s22 =	sadd.s32 s20, s7  }
0x26a: {  	[hbm4b:s22+s2] =	stream.linear.scatter [tilespmem:s23], [sflag:$0x1], $0x80, $0x38;
	[tilespmem:$0x7080] =	vst v63  }
0x26b: {  	s25 =	smov.u32 s18;
	s26 =	sadd.s32 $0x5278, s19;
	s24 =	sadd.s32 s20, s30  }
0x26c: {  	[hbm4b:s24+s2] =	stream.linear.scatter [tilespmem:s26], [sflag:$0x1], $0x80, $0x38;
	[tilespmem:$0x7080] =	vst v63  }
0x26d: {  	s18 =	sadd.s32 $0x400, s18;
	s3 =	sadd.s32 s20, s31;
	s4 =	sadd.s32 $0x52F8, s19  }
0x26e: {  	[hbm4b:s3+s2] =	stream.linear.scatter [tilespmem:s4], [sflag:$0x1], $0x80, $0x38;
	[tilespmem:$0x7080] =	vst v63  }
0x26f: {  	p0 =	seq.s32 s18, $0x40000;
	s23 =	sadd.s32 s20, s8;
	s24 =	sadd.s32 $0x5378, s19  }
0x270: {  	[hbm4b:s23+s2] =	stream.linear.scatter [tilespmem:s24], [sflag:$0x1], $0x80, $0x38;
	[tilespmem:$0x7080] =	vst v63  }
.Ltmp13:
0x271: {  	s26 =	sand.u32 $0x3, s17;
	(pc) =	sbr.rel @!p0 .LBB2_28-.Ltmp13, $4  }
0x272: {  	s20 =	sadd.s32 s20, s9;
	s19 =	sadd.s32 $0x53F8, s19;
	p1 =	sne.s32 s26, $0x3  }
0x273: {  	[hbm4b:s20+s2] =	stream.linear.scatter [tilespmem:s19], [sflag:$0x1], $0x80, $0x38;
	[tilespmem:$0x7080] =	vst v63  }
0x274: {  	s17 =	sadd.s32 $0x1, s17;
	s19 =	simm.s32 @!p1 $0x1  }
0x275: {  	s21 =	sshrl.u32 s17, $0x1;
	s20 =	sand.u32 $0x400, s25;
	_ =	swait.ge @!p1 [sflag:s19], $0x1000  }
0x276: {  	s18 =	sshll.u32 s21, $0xB;
	s22 =	rddreg [dreg:$0x12]  }
0x277: {  	[sflag:s19] =	ssyncset.done @!p1 $0x0;
	s3 =	sshll.u32 s21, $0x3;
	s18 =	sadd.s32 s6, s18  }
0x278: {  	[sflag:s19] =	ssyncadd.s32 @!p1 $0xFFFFF000;
	s19 =	ssub.s32 s20, s3;
	s18 =	sor.u32 s20, s18  }
0x279: {  	s4 =	rddreg [dreg:$0x13];
	s24 =	sadd.s32 $0x5078, s19;
	s22 =	sadd.s32 s18, s22  }
0x27a: {  	[hbm4b:s22+s2] =	stream.linear.scatter [tilespmem:s24], [sflag:$0x1], $0x80, $0x38;
	[tilespmem:$0x7080] =	vst v63  }
0x27b: {  	s23 =	rddreg [dreg:$0x14];
	s25 =	sadd.s32 $0x50F8, s19;
	s20 =	sadd.s32 s18, s4  }
0x27c: {  	[hbm4b:s20+s2] =	stream.linear.scatter [tilespmem:s25], [sflag:$0x1], $0x80, $0x38;
	[tilespmem:$0x7080] =	vst v63  }
0x27d: {  	s3 =	sadd.s32 $0x5178, s19;
	s26 =	sadd.s32 s18, s23  }
0x27e: {  	[hbm4b:s26+s2] =	stream.linear.scatter [tilespmem:s3], [sflag:$0x1], $0x80, $0x38;
	[tilespmem:$0x7080] =	vst v63  }
0x27f: {  	s4 =	sadd.s32 s18, s7;
	s7 =	sadd.s32 $0x51F8, s19  }
0x280: {  	[hbm4b:s4+s2] =	stream.linear.scatter [tilespmem:s7], [sflag:$0x1], $0x80, $0x38;
	[tilespmem:$0x7080] =	vst v63  }
0x281: {  	s21 =	sadd.s32 s18, s30;
	s22 =	sadd.s32 $0x5278, s19  }
0x282: {  	[hbm4b:s21+s2] =	stream.linear.scatter [tilespmem:s22], [sflag:$0x1], $0x80, $0x38;
	[tilespmem:$0x7080] =	vst v63  }
0x283: {  	s17 =	sand.u32 $0x3, s17;
	s23 =	sadd.s32 s18, s31;
	s24 =	sadd.s32 $0x52F8, s19  }
0x284: {  	[hbm4b:s23+s2] =	stream.linear.scatter [tilespmem:s24], [sflag:$0x1], $0x80, $0x38;
	[tilespmem:$0x7080] =	vst v63  }
0x285: {  	p0 =	sne.s32 s17, $0x3;
	s25 =	sadd.s32 s18, s8;
	s26 =	sadd.s32 $0x5378, s19  }
0x286: {  	[hbm4b:s25+s2] =	stream.linear.scatter [tilespmem:s26], [sflag:$0x1], $0x80, $0x38;
	[tilespmem:$0x7080] =	vst v63  }
0x287: {  	s17 =	simm.s32 @!p0 $0x1;
	s18 =	sadd.s32 s18, s9;
	s19 =	sadd.s32 $0x53F8, s19  }
0x288: {  	[hbm4b:s18+s2] =	stream.linear.scatter [tilespmem:s19], [sflag:$0x1], $0x80, $0x38;
	[tilespmem:$0x7080] =	vst v63  }
0x289: {  	_ =	swait.ge @!p0 [sflag:s17], $0x1000  }
0x28a: {  	[sflag:s17] =	ssyncset.done @!p0 $0x0  }
0x28b: {  	v11 =	vadd.s32 v9, v10;
	[sflag:s17] =	ssyncadd.s32 @!p0 $0xFFFFF000;
	s17 =	simm.s32 $0x0  }
0x28c: {  	v12 =	vadd.s32 s17, v11  }
0x28d: {  	vm0 =	vgt.s32 v12, $0x0  }
0x28e: {  	v12 =	vnsel vm0, $0x0, v12  }
0x28f: {  	v12 =	vmin.u32 v12, $0xFE  }
0x290: {  	v12 =	vshll.u32 v12, $0x4  }
0x291: {  	s18 =	simm.s32 $0x10;
	v12 =	vor.u32 v2, v12  }
0x292: {  	v13 =	vadd.s32 s18, v11  }
0x293: {  	vm15 =	vgt.s32 v13, $0x0  }
0x294: {  	v13 =	vnsel vm15, $0x0, v13  }
0x295: {  	v13 =	vmin.u32 v13, $0xFE  }
0x296: {  	v14 =	vshll.u32 v13, $0x4;
	v13 =	vld.idx.msk [tilespmem:v12+s17+$0x0], $0xffff  }
0x297: {  	s9 =	sld [smem:$0x7FB];
	v12 =	vor.u32 v2, v14  }
0x298: {  	s19 =	simm.s32 $0x20;
	s30 =	sld [smem:$0x7F4]  }
0x299: {  	s20 =	simm.s32 $0x0;
	s21 =	simm.s32 $0x30;
	s31 =	sld [smem:$0x7F5];
	v14 =	vadd.s32 s19, v11  }
.LBB2_30:
0x29a: {  	p0 =	seq.s32 s21, $0xBF0;
	vm0 =	vgt.s32 v14, $0x0;
	s22 =	sand.u32 $0xFF0, s20;
	s20 =	smov.u32 s18  }
0x29b: {  	s18 =	smov.u32 s19;
	s19 =	smov.u32 s21;
	v14 =	vnsel vm0, $0x0, v14;
	[tilespmem:s22+$0x5880] =	vst v13  }
.Ltmp14:
0x29c: {  	v14 =	vmin.u32 v14, $0xFE;
	v13 =	vld.idx.msk [tilespmem:v12+s17+$0x0], $0xffff;
	(pc) =	sbr.rel @!p0 .LBB2_30-.Ltmp14, $3  }
0x29d: {  	v12 =	vshll.u32 v14, $0x4  }
0x29e: {  	v12 =	vor.u32 v2, v12;
	_ =	sdelay $0x1  }
0x29f: {  	s21 =	sadd.s32 $0x10, s21;
	v14 =	vadd.s32 s19, v11  }
0x2a0: {  	_ = 	snop  }
0x2a1: {  	vm0 =	vgt.s32 v14, $0x0  }
0x2a2: {  	s20 =	sand.u32 $0xFF0, s20;
	v11 =	vnsel vm0, $0x0, v14  }
0x2a3: {  	[tilespmem:s20+$0x5880] =	vst v13;
	v11 =	vmin.u32 v11, $0xFE  }
0x2a4: {  	v12 =	vld.idx.msk [tilespmem:v12+s17+$0x0], $0xffff;
	v11 =	vshll.u32 v11, $0x4  }
0x2a5: {  	v11 =	vor.u32 v2, v11;
	_ =	sdelay $0x2  }
0x2a6: {  	s18 =	sand.u32 $0xFF0, s18  }
0x2a7: {  	[tilespmem:s18+$0x5880] =	vst v12  }
0x2a8: {  	v11 =	vld.idx.msk [tilespmem:v11+s17+$0x0], $0xffff;
	_ =	sdelay $0x1  }
0x2a9: {  	s23 =	sand.u32 $0xFF0, s19  }
0x2aa: {  	s25 =	sand.u32 $0x400, s17;
	s26 =	simm.s32 $0x0;
	s21 =	sadd.s32 $0x0, s6  }
0x2ab: {  	s24 =	rddreg [dreg:$0x15];
	s20 =	ssub.s32 s25, s26;
	s19 =	sor.u32 s25, s21  }
0x2ac: {  	s3 =	rddreg [dreg:$0x16];
	s22 =	sadd.s32 $0x5C78, s20;
	s18 =	sadd.s32 s19, s24;
	[tilespmem:s23+$0x5880] =	vst v11  }
0x2ad: {  	[hbm4b:s18+s2] =	stream.linear.scatter [tilespmem:s22], [sflag:$0x1], $0x80, $0x38;
	[tilespmem:$0x7080] =	vst v63  }
0x2ae: {  	s4 =	sadd.s32 s19, s3;
	s7 =	sadd.s32 $0x5CF8, s20;
	s23 =	rddreg [dreg:$0x17]  }
0x2af: {  	[hbm4b:s4+s2] =	stream.linear.scatter [tilespmem:s7], [sflag:$0x1], $0x80, $0x38;
	[tilespmem:$0x7080] =	vst v63  }
0x2b0: {  	s25 =	sadd.s32 s19, s30;
	s21 =	sadd.s32 s19, s23;
	s22 =	sadd.s32 $0x5D78, s20  }
0x2b1: {  	[hbm4b:s21+s2] =	stream.linear.scatter [tilespmem:s22], [sflag:$0x1], $0x80, $0x38;
	[tilespmem:$0x7080] =	vst v63  }
0x2b2: {  	s26 =	sadd.s32 $0x5E78, s20;
	s24 =	sadd.s32 $0x5DF8, s20;
	s23 =	sadd.s32 s19, s9  }
0x2b3: {  	[hbm4b:s23+s2] =	stream.linear.scatter [tilespmem:s24], [sflag:$0x1], $0x80, $0x38;
	[tilespmem:$0x7080] =	vst v63  }
0x2b4: {  	s3 =	simm.s32 $0x400;
	s18 =	simm.s32 $0x800;
	s4 =	sadd.s32 s19, s31  }
0x2b5: {  	[hbm4b:s25+s2] =	stream.linear.scatter [tilespmem:s26], [sflag:$0x1], $0x80, $0x38;
	[tilespmem:$0x7080] =	vst v63  }
0x2b6: {  	s7 =	sadd.s32 $0x5EF8, s20;
	s21 =	sadd.s32 s19, s10;
	s24 =	sand.u32 $0x3, s17  }
0x2b7: {  	[hbm4b:s4+s2] =	stream.linear.scatter [tilespmem:s7], [sflag:$0x1], $0x80, $0x38;
	[tilespmem:$0x7080] =	vst v63  }
0x2b8: {  	s23 =	sadd.s32 $0x5F78, s20;
	s17 =	simm.s32 $0x1;
	p1 =	sne.s32 s24, $0x3  }
0x2b9: {  	[hbm4b:s21+s2] =	stream.linear.scatter [tilespmem:s23], [sflag:$0x1], $0x80, $0x38;
	[tilespmem:$0x7080] =	vst v63  }
0x2ba: {  	s25 =	sadd.s32 s19, s11;
	s26 =	sadd.s32 $0x5FF8, s20;
	s19 =	simm.s32 @!p1 $0x1  }
0x2bb: {  	[hbm4b:s25+s2] =	stream.linear.scatter [tilespmem:s26], [sflag:$0x1], $0x80, $0x38;
	[tilespmem:$0x7080] =	vst v63  }
0x2bc: {  	s20 =	sand.u32 $0x400, s3;
	s21 =	simm.s32 $0x0;
	_ =	swait.ge @!p1 [sflag:s19], $0x1000  }
.LBB2_32:
0x2bd: {  	s22 =	sshll.u32 s21, $0xB;
	s23 =	rddreg [dreg:$0x15]  }
0x2be: {  	[sflag:s19] =	ssyncset.done @!p1 $0x0;
	s4 =	sshll.u32 s21, $0x3;
	s22 =	sadd.s32 s6, s22  }
0x2bf: {  	[sflag:s19] =	ssyncadd.s32 @!p1 $0xFFFFF000;
	s19 =	ssub.s32 s20, s4;
	s20 =	sor.u32 s20, s22  }
0x2c0: {  	s7 =	rddreg [dreg:$0x16];
	s24 =	sadd.s32 $0x5C78, s19;
	s22 =	sadd.s32 s20, s23  }
0x2c1: {  	[hbm4b:s22+s2] =	stream.linear.scatter [tilespmem:s24], [sflag:$0x1], $0x80, $0x38;
	[tilespmem:$0x7080] =	vst v63  }
0x2c2: {  	s26 =	rddreg [dreg:$0x17];
	s3 =	sadd.s32 $0x5CF8, s19;
	s21 =	sadd.s32 s20, s7  }
0x2c3: {  	[hbm4b:s21+s2] =	stream.linear.scatter [tilespmem:s3], [sflag:$0x1], $0x80, $0x38;
	[tilespmem:$0x7080] =	vst v63  }
0x2c4: {  	s4 =	sadd.s32 s20, s26;
	s7 =	sadd.s32 $0x5D78, s19  }
0x2c5: {  	[hbm4b:s4+s2] =	stream.linear.scatter [tilespmem:s7], [sflag:$0x1], $0x80, $0x38;
	[tilespmem:$0x7080] =	vst v63  }
0x2c6: {  	s23 =	sadd.s32 s20, s9;
	s24 =	sadd.s32 $0x5DF8, s19  }
0x2c7: {  	[hbm4b:s23+s2] =	stream.linear.scatter [tilespmem:s24], [sflag:$0x1], $0x80, $0x38;
	[tilespmem:$0x7080] =	vst v63  }
0x2c8: {  	s25 =	smov.u32 s18;
	s26 =	sadd.s32 s20, s30;
	s3 =	sadd.s32 $0x5E78, s19  }
0x2c9: {  	[hbm4b:s26+s2] =	stream.linear.scatter [tilespmem:s3], [sflag:$0x1], $0x80, $0x38;
	[tilespmem:$0x7080] =	vst v63  }
0x2ca: {  	s18 =	sadd.s32 $0x400, s18;
	s4 =	sadd.s32 s20, s31;
	s7 =	sadd.s32 $0x5EF8, s19  }
0x2cb: {  	[hbm4b:s4+s2] =	stream.linear.scatter [tilespmem:s7], [sflag:$0x1], $0x80, $0x38;
	[tilespmem:$0x7080] =	vst v63  }
0x2cc: {  	p0 =	seq.s32 s18, $0x40000;
	s23 =	sadd.s32 s20, s10;
	s24 =	sadd.s32 $0x5F78, s19  }
0x2cd: {  	[hbm4b:s23+s2] =	stream.linear.scatter [tilespmem:s24], [sflag:$0x1], $0x80, $0x38;
	[tilespmem:$0x7080] =	vst v63  }
.Ltmp15:
0x2ce: {  	s26 =	sand.u32 $0x3, s17;
	(pc) =	sbr.rel @!p0 .LBB2_32-.Ltmp15, $4  }
0x2cf: {  	s20 =	sadd.s32 s20, s11;
	s19 =	sadd.s32 $0x5FF8, s19;
	p1 =	sne.s32 s26, $0x3  }
0x2d0: {  	[hbm4b:s20+s2] =	stream.linear.scatter [tilespmem:s19], [sflag:$0x1], $0x80, $0x38;
	[tilespmem:$0x7080] =	vst v63  }
0x2d1: {  	s17 =	sadd.s32 $0x1, s17;
	s19 =	simm.s32 @!p1 $0x1  }
0x2d2: {  	s21 =	sshrl.u32 s17, $0x1;
	s20 =	sand.u32 $0x400, s25;
	_ =	swait.ge @!p1 [sflag:s19], $0x1000  }
0x2d3: {  	s18 =	sshll.u32 s21, $0xB;
	s22 =	rddreg [dreg:$0x15]  }
0x2d4: {  	[sflag:s19] =	ssyncset.done @!p1 $0x0;
	s4 =	sshll.u32 s21, $0x3;
	s18 =	sadd.s32 s6, s18  }
0x2d5: {  	[sflag:s19] =	ssyncadd.s32 @!p1 $0xFFFFF000;
	s19 =	ssub.s32 s20, s4;
	s18 =	sor.u32 s20, s18  }
0x2d6: {  	s7 =	rddreg [dreg:$0x16];
	s25 =	sadd.s32 $0x5C78, s19;
	s24 =	sadd.s32 s18, s22  }
0x2d7: {  	[hbm4b:s24+s2] =	stream.linear.scatter [tilespmem:s25], [sflag:$0x1], $0x80, $0x38;
	[tilespmem:$0x7080] =	vst v63  }
0x2d8: {  	s23 =	rddreg [dreg:$0x17];
	s26 =	sadd.s32 $0x5CF8, s19;
	s20 =	sadd.s32 s18, s7  }
0x2d9: {  	[hbm4b:s20+s2] =	stream.linear.scatter [tilespmem:s26], [sflag:$0x1], $0x80, $0x38;
	[tilespmem:$0x7080] =	vst v63  }
0x2da: {  	s4 =	sadd.s32 $0x5D78, s19;
	s3 =	sadd.s32 s18, s23  }
0x2db: {  	[hbm4b:s3+s2] =	stream.linear.scatter [tilespmem:s4], [sflag:$0x1], $0x80, $0x38;
	[tilespmem:$0x7080] =	vst v63  }
0x2dc: {  	s7 =	sadd.s32 s18, s9;
	s9 =	sadd.s32 $0x5DF8, s19  }
0x2dd: {  	[hbm4b:s7+s2] =	stream.linear.scatter [tilespmem:s9], [sflag:$0x1], $0x80, $0x38;
	[tilespmem:$0x7080] =	vst v63  }
0x2de: {  	s21 =	sadd.s32 s18, s30;
	s22 =	sadd.s32 $0x5E78, s19  }
0x2df: {  	[hbm4b:s21+s2] =	stream.linear.scatter [tilespmem:s22], [sflag:$0x1], $0x80, $0x38;
	[tilespmem:$0x7080] =	vst v63  }
0x2e0: {  	s17 =	sand.u32 $0x3, s17;
	s23 =	sadd.s32 s18, s31;
	s24 =	sadd.s32 $0x5EF8, s19  }
0x2e1: {  	[hbm4b:s23+s2] =	stream.linear.scatter [tilespmem:s24], [sflag:$0x1], $0x80, $0x38;
	[tilespmem:$0x7080] =	vst v63  }
0x2e2: {  	p0 =	sne.s32 s17, $0x3;
	s25 =	sadd.s32 s18, s10;
	s26 =	sadd.s32 $0x5F78, s19  }
0x2e3: {  	[hbm4b:s25+s2] =	stream.linear.scatter [tilespmem:s26], [sflag:$0x1], $0x80, $0x38;
	[tilespmem:$0x7080] =	vst v63  }
0x2e4: {  	s17 =	simm.s32 @!p0 $0x1;
	s18 =	sadd.s32 s18, s11;
	s19 =	sadd.s32 $0x5FF8, s19  }
0x2e5: {  	[hbm4b:s18+s2] =	stream.linear.scatter [tilespmem:s19], [sflag:$0x1], $0x80, $0x38;
	[tilespmem:$0x7080] =	vst v63  }
0x2e6: {  	_ =	swait.ge @!p0 [sflag:s17], $0x1000  }
0x2e7: {  	[sflag:s17] =	ssyncset.done @!p0 $0x0  }
0x2e8: {  	v10 =	vadd.s32 v0, v10;
	[sflag:s17] =	ssyncadd.s32 @!p0 $0xFFFFF000;
	s17 =	simm.s32 $0x0  }
0x2e9: {  	v11 =	vadd.s32 s17, v10  }
0x2ea: {  	vm0 =	vgt.s32 v11, $0x0  }
0x2eb: {  	v11 =	vnsel vm0, $0x0, v11  }
0x2ec: {  	v11 =	vmin.u32 v11, $0xFE  }
0x2ed: {  	v11 =	vshll.u32 v11, $0x4  }
0x2ee: {  	s18 =	simm.s32 $0x10;
	v11 =	vor.u32 v2, v11  }
0x2ef: {  	v12 =	vadd.s32 s18, v10  }
0x2f0: {  	vm15 =	vgt.s32 v12, $0x0  }
0x2f1: {  	v12 =	vnsel vm15, $0x0, v12  }
0x2f2: {  	v12 =	vmin.u32 v12, $0xFE  }
0x2f3: {  	v13 =	vshll.u32 v12, $0x4;
	v12 =	vld.idx.msk [tilespmem:v11+s17+$0x0], $0xffff  }
0x2f4: {  	v11 =	vor.u32 v2, v13  }
0x2f5: {  	s19 =	simm.s32 $0x20;
	s30 =	sld [smem:$0x7FC]  }
0x2f6: {  	s20 =	simm.s32 $0x0;
	s21 =	simm.s32 $0x30;
	s31 =	sld [smem:$0x7FD];
	v13 =	vadd.s32 s19, v10  }
.LBB2_34:
0x2f7: {  	p0 =	sne.s32 s21, $0xBF0;
	vm0 =	vgt.s32 v13, $0x0;
	s22 =	sand.u32 $0xFF0, s20;
	s20 =	smov.u32 s18  }
0x2f8: {  	s18 =	smov.u32 s19;
	s19 =	smov.u32 s21;
	v13 =	vnsel vm0, $0x0, v13;
	[tilespmem:s22+$0x6480] =	vst v12  }
.Ltmp16:
0x2f9: {  	v13 =	vmin.u32 v13, $0xFE;
	v12 =	vld.idx.msk [tilespmem:v11+s17+$0x0], $0xffff;
	(pc) =	sbr.rel @p0 .LBB2_34-.Ltmp16, $3  }
0x2fa: {  	v11 =	vshll.u32 v13, $0x4  }
0x2fb: {  	v11 =	vor.u32 v2, v11;
	_ =	sdelay $0x1  }
0x2fc: {  	s21 =	sadd.s32 $0x10, s21;
	v13 =	vadd.s32 s19, v10  }
0x2fd: {  	_ = 	snop  }
0x2fe: {  	vm0 =	vgt.s32 v13, $0x0  }
0x2ff: {  	s20 =	sand.u32 $0xFF0, s20;
	v10 =	vnsel vm0, $0x0, v13  }
0x300: {  	[tilespmem:s20+$0x6480] =	vst v12;
	v10 =	vmin.u32 v10, $0xFE  }
0x301: {  	v11 =	vld.idx.msk [tilespmem:v11+s17+$0x0], $0xffff;
	v10 =	vshll.u32 v10, $0x4  }
0x302: {  	v10 =	vor.u32 v2, v10;
	_ =	sdelay $0x2  }
0x303: {  	s18 =	sand.u32 $0xFF0, s18  }
0x304: {  	[tilespmem:s18+$0x6480] =	vst v11  }
0x305: {  	v10 =	vld.idx.msk [tilespmem:v10+s17+$0x0], $0xffff;
	_ =	sdelay $0x1  }
0x306: {  	s23 =	sand.u32 $0xFF0, s19  }
0x307: {  	s25 =	sand.u32 $0x400, s17;
	s21 =	simm.s32 $0x0;
	s22 =	sadd.s32 $0x0, s6  }
0x308: {  	s24 =	rddreg [dreg:$0x18];
	s21 =	ssub.s32 s25, s21;
	s20 =	sor.u32 s25, s22  }
0x309: {  	s26 =	rddreg [dreg:$0x19];
	s3 =	sadd.s32 s20, s24;
	s4 =	sadd.s32 $0x6878, s21;
	[tilespmem:s23+$0x6480] =	vst v10  }
0x30a: {  	[hbm4b:s3+s2] =	stream.linear.scatter [tilespmem:s4], [sflag:$0x1], $0x80, $0x38;
	[tilespmem:$0x7080] =	vst v63  }
0x30b: {  	s7 =	sadd.s32 s20, s26;
	s9 =	sadd.s32 $0x68F8, s21;
	s23 =	rddreg [dreg:$0x1a]  }
0x30c: {  	[hbm4b:s7+s2] =	stream.linear.scatter [tilespmem:s9], [sflag:$0x1], $0x80, $0x38;
	[tilespmem:$0x7080] =	vst v63  }
0x30d: {  	s24 =	sadd.s32 s20, s12;
	s22 =	sadd.s32 s20, s23;
	s23 =	sadd.s32 $0x6978, s21  }
0x30e: {  	[hbm4b:s22+s2] =	stream.linear.scatter [tilespmem:s23], [sflag:$0x1], $0x80, $0x38;
	[tilespmem:$0x7080] =	vst v63  }
0x30f: {  	s25 =	sadd.s32 $0x69F8, s21;
	s26 =	sadd.s32 s20, s13;
	s19 =	sadd.s32 s20, s15  }
0x310: {  	[hbm4b:s24+s2] =	stream.linear.scatter [tilespmem:s25], [sflag:$0x1], $0x80, $0x38;
	[tilespmem:$0x7080] =	vst v63  }
0x311: {  	s18 =	simm.s32 $0x800;
	s3 =	sadd.s32 $0x6A78, s21;
	s4 =	simm.s32 $0x400  }
0x312: {  	[hbm4b:s26+s2] =	stream.linear.scatter [tilespmem:s3], [sflag:$0x1], $0x80, $0x38;
	[tilespmem:$0x7080] =	vst v63  }
0x313: {  	s7 =	sadd.s32 s20, s14;
	s9 =	sadd.s32 $0x6AF8, s21;
	s24 =	sand.u32 $0x3, s17  }
0x314: {  	[hbm4b:s7+s2] =	stream.linear.scatter [tilespmem:s9], [sflag:$0x1], $0x80, $0x38;
	[tilespmem:$0x7080] =	vst v63  }
0x315: {  	s23 =	sadd.s32 $0x6B78, s21;
	s25 =	sadd.s32 s20, s16;
	p1 =	sne.s32 s24, $0x3  }
0x316: {  	[hbm4b:s19+s2] =	stream.linear.scatter [tilespmem:s23], [sflag:$0x1], $0x80, $0x38;
	[tilespmem:$0x7080] =	vst v63  }
0x317: {  	s17 =	simm.s32 $0x1;
	s26 =	sadd.s32 $0x6BF8, s21;
	s19 =	simm.s32 @!p1 $0x1  }
0x318: {  	[hbm4b:s25+s2] =	stream.linear.scatter [tilespmem:s26], [sflag:$0x1], $0x80, $0x38;
	[tilespmem:$0x7080] =	vst v63  }
0x319: {  	s20 =	sand.u32 $0x400, s4;
	s21 =	simm.s32 $0x0;
	_ =	swait.ge @!p1 [sflag:s19], $0x1000  }
.LBB2_36:
0x31a: {  	s22 =	sshll.u32 s21, $0xB;
	s23 =	rddreg [dreg:$0x18]  }
0x31b: {  	[sflag:s19] =	ssyncset.done @!p1 $0x0;
	s3 =	sshll.u32 s21, $0x3;
	s22 =	sadd.s32 s6, s22  }
0x31c: {  	[sflag:s19] =	ssyncadd.s32 @!p1 $0xFFFFF000;
	s19 =	ssub.s32 s20, s3;
	s20 =	sor.u32 s20, s22  }
0x31d: {  	s4 =	rddreg [dreg:$0x19];
	s7 =	sadd.s32 $0x6878, s19;
	s22 =	sadd.s32 s20, s23  }
0x31e: {  	[hbm4b:s22+s2] =	stream.linear.scatter [tilespmem:s7], [sflag:$0x1], $0x80, $0x38;
	[tilespmem:$0x7080] =	vst v63  }
0x31f: {  	s26 =	rddreg [dreg:$0x1a];
	s9 =	sadd.s32 $0x68F8, s19;
	s21 =	sadd.s32 s20, s4  }
0x320: {  	[hbm4b:s21+s2] =	stream.linear.scatter [tilespmem:s9], [sflag:$0x1], $0x80, $0x38;
	[tilespmem:$0x7080] =	vst v63  }
0x321: {  	s23 =	sadd.s32 $0x6978, s19;
	s22 =	sadd.s32 s20, s26  }
0x322: {  	[hbm4b:s22+s2] =	stream.linear.scatter [tilespmem:s23], [sflag:$0x1], $0x80, $0x38;
	[tilespmem:$0x7080] =	vst v63  }
0x323: {  	s24 =	sadd.s32 s20, s12;
	s26 =	sadd.s32 $0x69F8, s19  }
0x324: {  	[hbm4b:s24+s2] =	stream.linear.scatter [tilespmem:s26], [sflag:$0x1], $0x80, $0x38;
	[tilespmem:$0x7080] =	vst v63  }
0x325: {  	s25 =	smov.u32 s18;
	s3 =	sadd.s32 s20, s13;
	s4 =	sadd.s32 $0x6A78, s19  }
0x326: {  	[hbm4b:s3+s2] =	stream.linear.scatter [tilespmem:s4], [sflag:$0x1], $0x80, $0x38;
	[tilespmem:$0x7080] =	vst v63  }
0x327: {  	s18 =	sadd.s32 $0x400, s18;
	s7 =	sadd.s32 s20, s14;
	s9 =	sadd.s32 $0x6AF8, s19  }
0x328: {  	[hbm4b:s7+s2] =	stream.linear.scatter [tilespmem:s9], [sflag:$0x1], $0x80, $0x38;
	[tilespmem:$0x7080] =	vst v63  }
0x329: {  	p0 =	sne.s32 s18, $0x40000;
	s23 =	sadd.s32 s20, s15;
	s24 =	sadd.s32 $0x6B78, s19  }
0x32a: {  	[hbm4b:s23+s2] =	stream.linear.scatter [tilespmem:s24], [sflag:$0x1], $0x80, $0x38;
	[tilespmem:$0x7080] =	vst v63  }
.Ltmp17:
0x32b: {  	s26 =	sand.u32 $0x3, s17;
	(pc) =	sbr.rel @p0 .LBB2_36-.Ltmp17, $4  }
0x32c: {  	s20 =	sadd.s32 s20, s16;
	s19 =	sadd.s32 $0x6BF8, s19;
	p1 =	sne.s32 s26, $0x3  }
0x32d: {  	[hbm4b:s20+s2] =	stream.linear.scatter [tilespmem:s19], [sflag:$0x1], $0x80, $0x38;
	[tilespmem:$0x7080] =	vst v63  }
0x32e: {  	s17 =	sadd.s32 $0x1, s17;
	s19 =	simm.s32 @!p1 $0x1  }
0x32f: {  	s21 =	sshrl.u32 s17, $0x1;
	s20 =	sand.u32 $0x400, s25;
	_ =	swait.ge @!p1 [sflag:s19], $0x1000  }
0x330: {  	s18 =	sshll.u32 s21, $0xB;
	s22 =	rddreg [dreg:$0x18]  }
0x331: {  	[sflag:s19] =	ssyncset.done @!p1 $0x0;
	s3 =	sshll.u32 s21, $0x3;
	s18 =	sadd.s32 s6, s18  }
0x332: {  	[sflag:s19] =	ssyncadd.s32 @!p1 $0xFFFFF000;
	s19 =	ssub.s32 s20, s3;
	s18 =	sor.u32 s20, s18  }
0x333: {  	s4 =	rddreg [dreg:$0x19];
	s9 =	sadd.s32 $0x6878, s19;
	s7 =	sadd.s32 s18, s22  }
0x334: {  	[hbm4b:s7+s2] =	stream.linear.scatter [tilespmem:s9], [sflag:$0x1], $0x80, $0x38;
	[tilespmem:$0x7080] =	vst v63  }
0x335: {  	s23 =	rddreg [dreg:$0x1a];
	s20 =	sadd.s32 s18, s4;
	s22 =	sadd.s32 $0x68F8, s19  }
0x336: {  	[hbm4b:s20+s2] =	stream.linear.scatter [tilespmem:s22], [sflag:$0x1], $0x80, $0x38;
	[tilespmem:$0x7080] =	vst v63  }
0x337: {  	s24 =	sadd.s32 $0x6978, s19;
	s23 =	sadd.s32 s18, s23  }
0x338: {  	[hbm4b:s23+s2] =	stream.linear.scatter [tilespmem:s24], [sflag:$0x1], $0x80, $0x38;
	[tilespmem:$0x7080] =	vst v63  }
0x339: {  	s26 =	sadd.s32 $0x69F8, s19;
	s25 =	sadd.s32 s18, s12  }
0x33a: {  	[hbm4b:s25+s2] =	stream.linear.scatter [tilespmem:s26], [sflag:$0x1], $0x80, $0x38;
	[tilespmem:$0x7080] =	vst v63  }
0x33b: {  	s3 =	sadd.s32 s18, s13;
	s4 =	sadd.s32 $0x6A78, s19  }
0x33c: {  	[hbm4b:s3+s2] =	stream.linear.scatter [tilespmem:s4], [sflag:$0x1], $0x80, $0x38;
	[tilespmem:$0x7080] =	vst v63  }
0x33d: {  	s17 =	sand.u32 $0x3, s17;
	s7 =	sadd.s32 s18, s14;
	s9 =	sadd.s32 $0x6AF8, s19  }
0x33e: {  	[hbm4b:s7+s2] =	stream.linear.scatter [tilespmem:s9], [sflag:$0x1], $0x80, $0x38;
	[tilespmem:$0x7080] =	vst v63  }
0x33f: {  	p0 =	sne.s32 s17, $0x3;
	s22 =	sadd.s32 s18, s15;
	s23 =	sadd.s32 $0x6B78, s19  }
0x340: {  	[hbm4b:s22+s2] =	stream.linear.scatter [tilespmem:s23], [sflag:$0x1], $0x80, $0x38;
	[tilespmem:$0x7080] =	vst v63  }
0x341: {  	s17 =	simm.s32 @!p0 $0x1;
	s18 =	sadd.s32 s18, s16;
	s19 =	sadd.s32 $0x6BF8, s19  }
0x342: {  	[hbm4b:s18+s2] =	stream.linear.scatter [tilespmem:s19], [sflag:$0x1], $0x80, $0x38;
	[tilespmem:$0x7080] =	vst v63  }
0x343: {  	_ =	swait.ge @!p0 [sflag:s17], $0x1000  }
0x344: {  	[sflag:s17] =	ssyncset.done @!p0 $0x0  }
0x345: {  	s24 =	simm.s32 $0x1;
	[sflag:s17] =	ssyncadd.s32 @!p0 $0xFFFFF000  }
0x346: {  	_ =	swait.ge [sflag:s24], $0x1000  }
0x347: {  	[sflag:s24] =	ssyncset.done $0x0  }
0x348: {  	[sflag:s24] =	ssyncadd.s32 $0xFFFFF000  }
0x349: {  	_ =	swait.ge [sflag:s24], $0x1000  }
0x34a: {  	[sflag:s24] =	ssyncset.done $0x0  }
0x34b: {  	[sflag:s24] =	ssyncadd.s32 $0xFFFFF000  }
0x34c: {  	_ =	swait.ge [sflag:s24], $0x1000  }
0x34d: {  	[sflag:s24] =	ssyncset.done $0x0  }
0x34e: {  	[sflag:s24] =	ssyncadd.s32 $0xFFFFF000  }
0x34f: {  	_ =	swait.ge [sflag:s24], $0x1000  }
0x350: {  	[sflag:s24] =	ssyncset.done $0x0  }
0x351: {  	[sflag:s24] =	ssyncadd.s32 $0xFFFFF000  }
0x352: {  	_ =	swait.ge [sflag:s24], $0x1000  }
0x353: {  	[sflag:s24] =	ssyncset.done $0x0  }
0x354: {  	[sflag:s24] =	ssyncadd.s32 $0xFFFFF000  }
0x355: {  	_ =	swait.ge [sflag:s24], $0x1000  }
0x356: {  	[sflag:s24] =	ssyncset.done $0x0  }
0x357: {  	[sflag:s24] =	ssyncadd.s32 $0xFFFFF000  }
0x358: {  	_ =	swait.ge [sflag:s24], $0x1000  }
0x359: {  	[sflag:s24] =	ssyncset.done $0x0  }
0x35a: {  	[sflag:s24] =	ssyncadd.s32 $0xFFFFF000  }
0x35b: {  	_ =	swait.ge [sflag:s24], $0x1000  }
0x35c: {  	[sflag:s24] =	ssyncset.done $0x0  }
0x35d: {  	[sflag:s24] =	ssyncadd.s32 $0xFFFFF000  }
0x35e: {  	_ =	swait.ge [sflag:s24], $0x1000  }
0x35f: {  	[sflag:s24] =	ssyncset.done $0x0  }
0x360: {  	[sflag:s24] =	ssyncadd.s32 $0xFFFFF000  }
0x361: {  	_ =	swait.ge [sflag:s24], $0x1000  }
0x362: {  	[sflag:s24] =	ssyncset.done $0x0  }
0x363: {  	[sflag:s24] =	ssyncadd.s32 $0xFFFFF000  }
0x364: {  	_ =	swait.ge [sflag:s24], $0x1000  }
0x365: {  	[sflag:s24] =	ssyncset.done $0x0  }
0x366: {  	[sflag:s24] =	ssyncadd.s32 $0xFFFFF000  }
0x367: {  	_ =	swait.ge [sflag:s24], $0x1000  }
0x368: {  	[sflag:s24] =	ssyncset.done $0x0  }
0x369: {  	[sflag:s24] =	ssyncadd.s32 $0xFFFFF000  }
0x36a: {  	_ =	swait.ge [sflag:s24], $0x1000  }
0x36b: {  	[sflag:s24] =	ssyncset.done $0x0  }
0x36c: {  	[sflag:s24] =	ssyncadd.s32 $0xFFFFF000  }
0x36d: {  	_ =	swait.ge [sflag:s24], $0x1000  }
0x36e: {  	[sflag:s24] =	ssyncset.done $0x0  }
0x36f: {  	[sflag:s24] =	ssyncadd.s32 $0xFFFFF000  }
0x370: {  	_ =	swait.ge [sflag:s24], $0x1000  }
0x371: {  	[sflag:s24] =	ssyncset.done $0x0  }
0x372: {  	[sflag:s24] =	ssyncadd.s32 $0xFFFFF000  }
0x373: {  	_ =	swait.ge [sflag:s24], $0x1000  }
0x374: {  	[sflag:s24] =	ssyncset.done $0x0  }
0x375: {  	[sflag:s24] =	ssyncadd.s32 $0xFFFFF000  }
0x376: {  	_ =	swait.ge [sflag:s24], $0x1000  }
0x377: {  	[sflag:s24] =	ssyncset.done $0x0  }
0x378: {  	[sflag:s24] =	ssyncadd.s32 $0xFFFFF000  }
0x379: {  	_ =	swait.ge [sflag:s24], $0x1000  }
0x37a: {  	[sflag:s24] =	ssyncset.done $0x0  }
0x37b: {  	[sflag:s24] =	ssyncadd.s32 $0xFFFFF000  }
0x37c: {  	_ =	swait.ge [sflag:s24], $0x1000  }
0x37d: {  	[sflag:s24] =	ssyncset.done $0x0  }
0x37e: {  	[sflag:s24] =	ssyncadd.s32 $0xFFFFF000  }
0x37f: {  	_ =	swait.ge [sflag:s24], $0x1000  }
0x380: {  	[sflag:s24] =	ssyncset.done $0x0  }
0x381: {  	[sflag:s24] =	ssyncadd.s32 $0xFFFFF000  }
0x382: {  	_ =	swait.ge [sflag:s24], $0x1000  }
0x383: {  	[sflag:s24] =	ssyncset.done $0x0  }
0x384: {  	[sflag:s24] =	ssyncadd.s32 $0xFFFFF000  }
0x385: {  	_ =	swait.ge [sflag:s24], $0x1000  }
0x386: {  	[sflag:s24] =	ssyncset.done $0x0  }
0x387: {  	[sflag:s24] =	ssyncadd.s32 $0xFFFFF000  }
0x388: {  	_ =	swait.ge [sflag:s24], $0x1000  }
0x389: {  	[sflag:s24] =	ssyncset.done $0x0  }
0x38a: {  	[sflag:s24] =	ssyncadd.s32 $0xFFFFF000  }
0x38b: {  	_ =	swait.ge [sflag:s24], $0x1000  }
0x38c: {  	[sflag:s24] =	ssyncset.done $0x0  }
0x38d: {  	[sflag:s24] =	ssyncadd.s32 $0xFFFFF000  }
0x38e: {  	_ =	swait.ge [sflag:s24], $0x1000  }
0x38f: {  	[sflag:s24] =	ssyncset.done $0x0  }
0x390: {  	[sflag:s24] =	ssyncadd.s32 $0xFFFFF000  }
0x391: {  	_ =	swait.ge [sflag:s24], $0x1000  }
0x392: {  	[sflag:s24] =	ssyncset.done $0x0  }
0x393: {  	[sflag:s24] =	ssyncadd.s32 $0xFFFFF000  }
0x394: {  	_ =	swait.ge [sflag:s24], $0x1000  }
0x395: {  	[sflag:s24] =	ssyncset.done $0x0  }
0x396: {  	[sflag:s24] =	ssyncadd.s32 $0xFFFFF000  }
0x397: {  	_ =	swait.ge [sflag:s24], $0x1000  }
0x398: {  	[sflag:s24] =	ssyncset.done $0x0  }
0x399: {  	[sflag:s24] =	ssyncadd.s32 $0xFFFFF000  }
0x39a: {  	_ =	swait.ge [sflag:s24], $0x1000  }
0x39b: {  	[sflag:s24] =	ssyncset.done $0x0  }
0x39c: {  	[sflag:s24] =	ssyncadd.s32 $0xFFFFF000  }
0x39d: {  	_ =	swait.ge [sflag:s24], $0x1000  }
0x39e: {  	[sflag:s24] =	ssyncset.done $0x0  }
0x39f: {  	[sflag:s24] =	ssyncadd.s32 $0xFFFFF000  }
0x3a0: {  	_ =	swait.ge [sflag:s24], $0x1000  }
0x3a1: {  	[sflag:s24] =	ssyncset.done $0x0  }
0x3a2: {  	[sflag:s24] =	ssyncadd.s32 $0xFFFFF000  }
0x3a3: {  	_ =	swait.ge [sflag:s24], $0x1000  }
0x3a4: {  	s25 =	sld [smem:$0x7E3]  }
0x3a5: {  	s26 =	sld [smem:$0x7EC];
	_ =	sdelay $0x1  }
0x3a6: {  	s19 =	sadd.s32 $0x1, s25  }
0x3a7: {  	p0 =	sne.s32 s19, s26  }
.Ltmp18:
0x3a8: {  	_ = 	snop;
	(pc) =	sbr.rel @p0 .LBB2_1-.Ltmp18, $4  }
.Ltmp19:
0x3a9: {  	_ = 	snop;
	(pc) =	sbr.rel @!p0 .LBB2_38-.Ltmp19, $4  }
0x3aa: {  	_ = 	snop  }
0x3ab: {  	s22 =	smov.u32 s28;
	[sflag:s24] =	ssyncset.done $0x0  }
0x3ac: {  	[sflag:s24] =	ssyncadd.s32 $0xFFFFF000;
	s25 =	rddreg [dreg:$0x1f];
	s26 =	smov.u32 s29  }
0x3ad: {  	_ = 	snop  }
.LBB2_4:
.Ltmp20:
0x3ae: {  	(pc) =	sbr.rel .LBB2_9-.Ltmp20, $2  }
0x3af: {  	_ =	sdelay $0x2  }
0x3b0: {  	s18 =	simm.s32 $0x0  }
.LBB2_6:
.Ltmp21:
0x3b1: {  	(pc) =	sbr.rel .LBB2_9-.Ltmp21, $3  }
0x3b2: {  	_ =	sdelay $0x1  }
0x3b3: {  	s25 =	smov.u32 s30  }
0x3b4: {  	s30 =	smov.u32 s31;
	s31 =	smov.u32 s0;
	s0 =	sld [smem:$0x7F6]  }
.LBB2_38:
0x3b5: {  	_ =	sfence.sel $0x180000  }
0x3b6: {  	[bflag:$0x0] =	sbarrier.arrive $0xFFFF  }
0x3b7: {  	_ =	strace $0x90000047  }
0x3b8: {  	s0 =	stileid.u32;
	[bflag:$0x2] =	sbarrier.arrive $0xFFFF  }
0x3b9: {  	p0 =	sne.s32 s0, $0x0;
	s0 =	rddreg [dreg:$0x2]  }
0x3ba: {  	s0 =	sadd.s32 @!p0 $0x100000, s0  }
0x3bb: {  	[sflag:s0] =	ssyncadd.tile.s32 @!p0 $0x1;
	_ =	shalt  }
.Lfunc_end2:
_tile_overlayer_lowered:
.L_overlay_start_2:
0x3bc: {  	(tag) =	ssettag $0x2  }
0x3bd: {  	s0 =	rddreg [dreg:$0x0];
	s2 =	stileid.u32  }
0x3be: {  	s1 =	rddreg [dreg:$0x1];
	p0 =	sne.s32 s2, $0x0  }
0x3bf: {  	s3 =	rddreg [dreg:$0x2];
	[bflag:$0x3] =	sbarrier.arrive $0xFFFF;
	s2 =	simm.s32 @!p0 $0x1C02  }
0x3c0: {  	[timem:s3], [sflag:s2] =	dma.local @!p0 [hbm:s0], s1  }
0x3c1: {  	s0 =	simm.s32 @!p0 $0x2  }
0x3c2: {  	_ =	swait.ge @!p0 [sflag:s0], s1  }
0x3c3: {  	s1 =	ssub.s32 @!p0 $0x0, s1;
	[sflag:s0] =	ssyncset.done @!p0 $0x0  }
0x3c4: {  	[sflag:s0] =	ssyncadd.s32 @!p0 s1  }
0x3c5: {  	[bflag:$0x3] =	sbarrier.arrive $0xFFFF  }
0x3c6: {  	_ =	shalt  }

</sc_bundles>
